<compile_context>
chip_gen: v7x
topology: tpu7x:2x2x1
jax: 0.10.2.dev20260603
libtpu: 0.0.44.dev20260713+nightly
codegen_flags: <defaults>
</compile_context>

<pallas_src>
import functools

import numpy as np

import jax
import jax.numpy as jnp
from jax import lax
from jax.experimental import pallas as pl
from jax.experimental.pallas import tpu as pltpu
from jax.experimental.pallas import tpu_sc as plsc

N = 50000
E = 800000
D = 64
PACK = 4
EP = E // PACK
DP = D * PACK
BM = 4000

HALF = N // 2
ACC_ROWS = 25088
CHUNK = 128
NCHUNK = E // CHUNK
NSUB = 16
CPW = 392
NCPAD = NSUB * CPW



_LP = (1.472065010887924e-06, 0.9998476974962351, -0.49737321615793884,
       0.3157473167579205, -0.19035433673298097, 0.08269123711134978,
       -0.017414077524237504)


def _mlp_body(rbf_ref, w1_ref, b1_ref, w2_ref, b2_ref, out_ref):
    a = jnp.dot(rbf_ref[...].astype(jnp.bfloat16), w1_ref[...],
                preferred_element_type=jnp.float32)
    a = a + b1_ref[...]
    u = jnp.exp(-0.5 * jnp.abs(a))
    p = _LP[6]
    for k in (5, 4, 3, 2, 1, 0):
        p = p * u + _LP[k]
    a = jnp.maximum(a, 0.0) + 2.0 * p
    o = jnp.dot(a.astype(jnp.bfloat16), w2_ref[...],
                preferred_element_type=jnp.float32)
    out_ref[...] = o + b2_ref[...]


def _edge_mlp(rbf4, w1bd, b1t, w2bd, b2t):
    return pl.pallas_call(
        _mlp_body,
        grid=(EP // BM,),
        in_specs=[
            pl.BlockSpec((BM, DP), lambda i: (i, 0)),
            pl.BlockSpec((DP, DP), lambda i: (0, 0)),
            pl.BlockSpec((1, DP), lambda i: (0, 0)),
            pl.BlockSpec((DP, DP), lambda i: (0, 0)),
            pl.BlockSpec((1, DP), lambda i: (0, 0)),
        ],
        out_specs=pl.BlockSpec((BM, DP), lambda i: (i, 0)),
        out_shape=jax.ShapeDtypeStruct((EP, DP), jnp.float32),
    )(rbf4, w1bd, b1t, w2bd, b2t)


def _mul_rows(h_ref, x_ref):
    def _row(r, carry):
        for g in range(2):
            v = x_ref[r, pl.ds(g * 16, 16)]
            a = (v >> 16).astype(jnp.float32)
            b = ((v << 16) >> 16).astype(jnp.float32)
            s0 = pl.ds(g * 32, 16)
            s1 = pl.ds(g * 32 + 16, 16)
            h_ref[r, s0] = h_ref[r, s0] * b
            h_ref[r, s1] = h_ref[r, s1] * a
        return carry
    lax.fori_loop(0, CHUNK, _row, 0)


def _sc_body(x_hbm, h_hbm, src_hbm, dst_hbm, out_hbm,
             src_sv, dst_sv, x0, x1, h0, h1, acc,
             sga, sgb, sha, shb):
    c = lax.axis_index("c")
    s = lax.axis_index("s")
    w = s
    lo = c * HALF

    def _zrow(i, carry):
        for c4 in range(4):
            h0[i, pl.ds(c4 * 16, 16)] = jnp.zeros((16,), jnp.float32)
        return carry
    lax.fori_loop(0, CHUNK, _zrow, 0)
    zbase = s * (ACC_ROWS // NSUB)
    for k in range(ACC_ROWS // NSUB // CHUNK):
        pltpu.sync_copy(h0.at[pl.ds(0, CHUNK)],
                        acc.at[pl.ds(zbase + k * CHUNK, CHUNK)])
    pltpu.sync_copy(h0.at[pl.ds(0, 32)], acc.at[pl.ds(zbase + 1536, 32)])
    plsc.subcore_barrier()

    def _pair(jj, carry):
        sup = jj % 4
        base_t = w * CPW + jj * 2

        @pl.when(sup == 0)
        def _load_super():
            pltpu.sync_copy(src_hbm.at[pl.ds(base_t, 8)], src_sv)
            pltpu.sync_copy(dst_hbm.at[pl.ds(base_t, 8)], dst_sv)
            for r in range(8):
                lo_r = jnp.where(base_t + r < NCHUNK, lo, N + D)
                for c8 in range(8):
                    sl = pl.ds(c8 * 16, 16)
                    dv = dst_sv[r, sl]
                    m = (dv >= lo_r) & (dv < lo_r + HALF)
                    dst_sv[r, sl] = jnp.where(m, dv - lo_r, HALF)

        ra = sup * 2
        ta = jnp.minimum(base_t, NCHUNK - 1)
        tb = jnp.minimum(base_t + 1, NCHUNK - 1)
        cpxa = pltpu.async_copy(x_hbm.at[src_sv.at[ra]], x0, sga)
        cpha = pltpu.async_copy(h_hbm.at[pl.ds(ta * CHUNK, CHUNK)], h0, sha)
        cpxb = pltpu.async_copy(x_hbm.at[src_sv.at[ra + 1]], x1, sgb)
        cphb = pltpu.async_copy(h_hbm.at[pl.ds(tb * CHUNK, CHUNK)], h1, shb)
        cpha.wait()
        cpxa.wait()
        _mul_rows(h0, x0)
        pltpu.sync_copy(h0, acc.at[dst_sv.at[ra]], add=True)
        cphb.wait()
        cpxb.wait()
        _mul_rows(h1, x1)
        pltpu.sync_copy(h1, acc.at[dst_sv.at[ra + 1]], add=True)
        return carry
    lax.fori_loop(0, CPW // 2, _pair, 0)

    plsc.subcore_barrier()
    obase = lo + s * 1560
    pltpu.sync_copy(acc.at[pl.ds(s * 1560, 1560)],
                    out_hbm.at[pl.ds(obase, 1560)])

    @pl.when(s == NSUB - 1)
    def _tail():
        pltpu.sync_copy(acc.at[pl.ds(24960, 40)],
                        out_hbm.at[pl.ds(lo + 24960, 40)])


_sc_kernel = functools.partial(
    pl.kernel,
    mesh=plsc.VectorSubcoreMesh(core_axis_name="c", subcore_axis_name="s"),
    compiler_params=pltpu.CompilerParams(use_tc_tiling_on_sc=False),
    out_type=jax.ShapeDtypeStruct((N, D), jnp.float32),
    scratch_types=[
        pltpu.VMEM((8, 128), jnp.int32),
        pltpu.VMEM((8, 128), jnp.int32),
        pltpu.VMEM((CHUNK, D // 2), jnp.int32),
        pltpu.VMEM((CHUNK, D // 2), jnp.int32),
        pltpu.VMEM((CHUNK, D), jnp.float32),
        pltpu.VMEM((CHUNK, D), jnp.float32),
        pltpu.VMEM_SHARED((ACC_ROWS, D), jnp.float32),
        pltpu.SemaphoreType.DMA,
        pltpu.SemaphoreType.DMA,
        pltpu.SemaphoreType.DMA,
        pltpu.SemaphoreType.DMA,
    ],
)(_sc_body)


def kernel(x, rbf, edge_index, W1, b1, W2, b2):
    src = edge_index[0].astype(jnp.int32).reshape(NCHUNK, 128)
    dst = edge_index[1].astype(jnp.int32).reshape(NCHUNK, 128)
    pad = ((0, NCPAD - NCHUNK), (0, 0))
    src = jnp.pad(src, pad)
    dst = jnp.pad(dst, pad)
    xq = jnp.clip(jnp.round(x * 4096.0), -32768.0, 32767.0).astype(jnp.int16)
    xp = lax.bitcast_convert_type(
        xq.reshape(N, 2, 2, 16).transpose(0, 1, 3, 2), jnp.int32)
    xp = xp.reshape(N, D // 2)
    eye4 = jnp.eye(PACK, dtype=jnp.float32)
    w1bd = jnp.kron(eye4, W1.T.astype(jnp.float32)).astype(jnp.bfloat16)
    w2bd = (jnp.kron(eye4, W2.T.astype(jnp.float32))
            * (2.0 ** -12)).astype(jnp.bfloat16)
    b1t = jnp.tile(b1, PACK).reshape(1, DP)
    b2t = jnp.tile(b2, PACK).reshape(1, DP) * (2.0 ** -12)
    h4 = _edge_mlp(rbf.reshape(EP, DP), w1bd, b1t, w2bd, b2t)
    h = h4.reshape(E, D)
    return _sc_kernel(xp, h, src, dst)

# --- scband reference (transcript-rebuilt; emitter-appended) ---
"""Pipeline reference for scband-cfconv-34093450396365 (READ-ONLY COPY).

The authoritative reference and input builder live on the scoring server;
editing this copy changes nothing except your own understanding.
"""

import jax, jax.numpy as jnp
import numpy as np

N = 50000
E = 800000
RBF_DIM = 64
DIM = 64

def setup_inputs(seed: int = 0) -> dict:
    key = jax.random.key(seed)
    k1, k2, k3, k4, k5, k6, k7 = jax.random.split(key, 7)
    x = jax.random.normal(k1, (N, DIM), dtype=jnp.float32)
    rbf = jax.random.uniform(k2, (E, RBF_DIM), dtype=jnp.float32)
    edge_index = jax.random.randint(k3, (2, E), 0, N, dtype=jnp.int64)
    # Learned parameters (torch nn.Linear default-ish init scale)
    W1 = jax.random.normal(k4, (DIM, RBF_DIM), dtype=jnp.float32) * (1.0 / np.sqrt(RBF_DIM))
    b1 = jax.random.normal(k5, (DIM,), dtype=jnp.float32) * 0.05
    W2 = jax.random.normal(k6, (DIM, DIM), dtype=jnp.float32) * (1.0 / np.sqrt(DIM))
    b2 = jax.random.normal(k7, (DIM,), dtype=jnp.float32) * 0.05
    return {"x": x, "rbf": rbf, "edge_index": edge_index, "W1": W1, "b1": b1, "W2": W2, "b2": b2}

def _shifted_softplus(h):
    # nn.Softplus(beta=0.5, threshold=14): (1/beta)*log(1+exp(beta*x)), linear when beta*x > threshold
    z = 0.5 * h
    sp = 2.0 * jnp.logaddexp(z, 0.0)
    return jnp.where(z > 14.0, h, sp)

def reference(x, rbf, edge_index, W1, b1, W2, b2):
    # edge update: two linear layers with activation on rbf edge features
    h = rbf @ W1.T + b1
    h = _shifted_softplus(h)
    h = h @ W2.T + b2  # [E, DIM]
    # message: u_mul_e('new_node', 'h') -> src node feature * edge filter
    src = edge_index[0]
    dst = edge_index[1]
    msg = jnp.take(x, src, axis=0) * h  # [E, DIM]
    # reduce: fn.sum -> scatter-add into destination nodes
    out = jax.ops.segment_sum(msg, dst, num_segments=x.shape[0])
    return out

if __name__ == "__main__":
    import jax
    _d = setup_inputs()
    print(jax.jit(kernel)(*tuple(_d.values())))

</pallas_src>

<mosaic_0001>
#map = affine_map<(d0, d1) -> (0, 0)>
module attributes {stable_mosaic.version = 14 : i64} {
  func.func @_sc_body(%arg0: i32, %arg1: i32, %arg2: memref<50000x32xi32, #tpu.memory_space<hbm>>, %arg3: memref<800000x64xf32, #tpu.memory_space<hbm>>, %arg4: memref<6272x128xi32, #tpu.memory_space<hbm>>, %arg5: memref<6272x128xi32, #tpu.memory_space<hbm>>, %arg6: memref<50000x64xf32, #tpu.memory_space<hbm>>, %arg7: memref<8x128xi32, #tpu.memory_space<vmem>>, %arg8: memref<8x128xi32, #tpu.memory_space<vmem>>, %arg9: memref<128x32xi32, #tpu.memory_space<vmem>>, %arg10: memref<128x32xi32, #tpu.memory_space<vmem>>, %arg11: memref<128x64xf32, #tpu.memory_space<vmem>>, %arg12: memref<128x64xf32, #tpu.memory_space<vmem>>, %arg13: memref<25088x64xf32, #tpu.memory_space<vmem_shared>>, %arg14: memref<!tpu.dma_semaphore, #tpu.memory_space<semaphore_mem>>, %arg15: memref<!tpu.dma_semaphore, #tpu.memory_space<semaphore_mem>>, %arg16: memref<!tpu.dma_semaphore, #tpu.memory_space<semaphore_mem>>, %arg17: memref<!tpu.dma_semaphore, #tpu.memory_space<semaphore_mem>>) attributes {dimension_semantics = [#tpu.dimension_semantics<core_parallel>, #tpu.dimension_semantics<subcore_parallel>], iteration_bounds = array<i64: 2, 16>, scalar_prefetch = 0 : i64, scratch_operands = 11 : i64, tpu.core_type = #tpu.core_type<sc_vector_subcore>, window_params = [{transform_indices = #map}, {transform_indices = #map}, {transform_indices = #map}, {transform_indices = #map}, {transform_indices = #map}]} {
    %mul3A = arith.constant 25000 : i32
    %mul3A_0 = arith.muli %arg0, %mul3A : i32
    %scan3A = arith.constant 0 : i32
    %scan3A_1 = arith.constant 0 : i32
    %scan3A_2 = arith.constant 128 : i32
    %scan3A_3 = arith.addi %scan3A_1, %scan3A_2 : i32
    %scan3A_4 = arith.constant 1 : i32
    scf.for %scan3A_47 = %scan3A_1 to %scan3A_3 step %scan3A_4  : i32 {
      %broadcast_in_dim3A = arith.constant 0.000000e+00 : f32
      %broadcast_in_dim3A_48 = vector.broadcast %broadcast_in_dim3A : f32 to vector<16xf32>
      %swap3A = arith.index_cast %scan3A_47 : i32 to index
      %swap3A_49 = arith.constant 0 : index
      %swap3A_50 = tpu.vector_load %arg11[%swap3A, %swap3A_49] {strides = array<i32>} : memref<128x64xf32, #tpu.memory_space<vmem>>, vector<1x16xf32>,
      %swap3A_51 = vector.shape_cast %swap3A_50 : vector<1x16xf32> to vector<16xf32>
      %swap3A_52 = vector.shape_cast %broadcast_in_dim3A_48 : vector<16xf32> to vector<1x16xf32>
      tpu.vector_store %arg11[%swap3A, %swap3A_49], %swap3A_52 {strides = array<i32>} : memref<128x64xf32, #tpu.memory_space<vmem>>, vector<1x16xf32>,
      %broadcast_in_dim3A_53 = arith.constant 0.000000e+00 : f32
      %broadcast_in_dim3A_54 = vector.broadcast %broadcast_in_dim3A_53 : f32 to vector<16xf32>
      %swap3A_55 = arith.index_cast %scan3A_47 : i32 to index
      %swap3A_56 = arith.constant 16 : index
      %swap3A_57 = tpu.vector_load %arg11[%swap3A_55, %swap3A_56] {strides = array<i32>} : memref<128x64xf32, #tpu.memory_space<vmem>>, vector<1x16xf32>,
      %swap3A_58 = vector.shape_cast %swap3A_57 : vector<1x16xf32> to vector<16xf32>
      %swap3A_59 = vector.shape_cast %broadcast_in_dim3A_54 : vector<16xf32> to vector<1x16xf32>
      tpu.vector_store %arg11[%swap3A_55, %swap3A_56], %swap3A_59 {strides = array<i32>} : memref<128x64xf32, #tpu.memory_space<vmem>>, vector<1x16xf32>,
      %broadcast_in_dim3A_60 = arith.constant 0.000000e+00 : f32
      %broadcast_in_dim3A_61 = vector.broadcast %broadcast_in_dim3A_60 : f32 to vector<16xf32>
      %swap3A_62 = arith.index_cast %scan3A_47 : i32 to index
      %swap3A_63 = arith.constant 32 : index
      %swap3A_64 = tpu.vector_load %arg11[%swap3A_62, %swap3A_63] {strides = array<i32>} : memref<128x64xf32, #tpu.memory_space<vmem>>, vector<1x16xf32>,
      %swap3A_65 = vector.shape_cast %swap3A_64 : vector<1x16xf32> to vector<16xf32>
      %swap3A_66 = vector.shape_cast %broadcast_in_dim3A_61 : vector<16xf32> to vector<1x16xf32>
      tpu.vector_store %arg11[%swap3A_62, %swap3A_63], %swap3A_66 {strides = array<i32>} : memref<128x64xf32, #tpu.memory_space<vmem>>, vector<1x16xf32>,
      %broadcast_in_dim3A_67 = arith.constant 0.000000e+00 : f32
      %broadcast_in_dim3A_68 = vector.broadcast %broadcast_in_dim3A_67 : f32 to vector<16xf32>
      %swap3A_69 = arith.index_cast %scan3A_47 : i32 to index
      %swap3A_70 = arith.constant 48 : index
      %swap3A_71 = tpu.vector_load %arg11[%swap3A_69, %swap3A_70] {strides = array<i32>} : memref<128x64xf32, #tpu.memory_space<vmem>>, vector<1x16xf32>,
      %swap3A_72 = vector.shape_cast %swap3A_71 : vector<1x16xf32> to vector<16xf32>
      %swap3A_73 = vector.shape_cast %broadcast_in_dim3A_68 : vector<16xf32> to vector<1x16xf32>
      tpu.vector_store %arg11[%swap3A_69, %swap3A_70], %swap3A_73 {strides = array<i32>} : memref<128x64xf32, #tpu.memory_space<vmem>>, vector<1x16xf32>,
    }
    %scan3A_5 = arith.constant 128 : i32
    %mul3A_6 = arith.constant 1568 : i32
    %mul3A_7 = arith.muli %arg1, %mul3A_6 : i32
    %add3A = arith.constant 0 : i32
    %add3A_8 = arith.addi %mul3A_7, %add3A : i32
    "tpu.region"() ({
      %run_scoped3A = tpu.sem_alloc : memref<!tpu.dma_semaphore, #tpu.memory_space<semaphore_mem>>
      %dma_start3A = arith.constant 0 : i32
      %dma_start3A_47 = arith.constant 0 : i32
      %dma_start3A_48 = tpu.memref_slice %arg11[%dma_start3A, %dma_start3A_47] : memref<128x64xf32, #tpu.memory_space<vmem>> -> memref<128x64xf32, #tpu.memory_space<vmem>>
      %dma_start3A_49 = arith.constant 0 : i32
      %dma_start3A_50 = tpu.memref_slice %arg13[%add3A_8, %dma_start3A_49] : memref<25088x64xf32, #tpu.memory_space<vmem_shared>> -> memref<128x64xf32, #tpu.memory_space<vmem_shared>>
      %dma_start3A_51 = arith.constant 0 : i32
      %dma_start3A_52 = tpu.memref_slice %arg13[%add3A_8, %dma_start3A_51] : memref<25088x64xf32, #tpu.memory_space<vmem_shared>> -> memref<128x64xf32, #tpu.memory_space<vmem_shared>>
      %dma_start3A_53 = arith.constant 0 : i32
      %dma_start3A_54 = arith.constant 0 : i32
      %dma_start3A_55 = tpu.memref_slice %arg11[%dma_start3A_53, %dma_start3A_54] : memref<128x64xf32, #tpu.memory_space<vmem>> -> memref<128x64xf32, #tpu.memory_space<vmem>>
      tpu.enqueue_dma source(%dma_start3A_55 : memref<128x64xf32, #tpu.memory_space<vmem>>) target(%dma_start3A_52 : memref<128x64xf32, #tpu.memory_space<vmem_shared>>) target_semaphore(%run_scoped3A : memref<!tpu.dma_semaphore, #tpu.memory_space<semaphore_mem>>)
      %dma_wait3A = arith.constant 0 : i32
      %dma_wait3A_56 = arith.constant 0 : i32
      %dma_wait3A_57 = tpu.memref_slice %arg11[%dma_wait3A, %dma_wait3A_56] : memref<128x64xf32, #tpu.memory_space<vmem>> -> memref<128x64xf32, #tpu.memory_space<vmem>>
      %dma_wait3A_58 = arith.constant 0 : i32
      %dma_wait3A_59 = tpu.memref_slice %arg13[%add3A_8, %dma_wait3A_58] : memref<25088x64xf32, #tpu.memory_space<vmem_shared>> -> memref<128x64xf32, #tpu.memory_space<vmem_shared>>
      %dma_wait3A_60 = arith.constant 0 : i32
      %dma_wait3A_61 = tpu.memref_slice %arg13[%add3A_8, %dma_wait3A_60] : memref<25088x64xf32, #tpu.memory_space<vmem_shared>> -> memref<128x64xf32, #tpu.memory_space<vmem_shared>>
      %dma_wait3A_62 = arith.constant 0 : i32
      %dma_wait3A_63 = arith.constant 0 : i32
      %dma_wait3A_64 = tpu.memref_slice %arg11[%dma_wait3A_62, %dma_wait3A_63] : memref<128x64xf32, #tpu.memory_space<vmem>> -> memref<128x64xf32, #tpu.memory_space<vmem>>
      tpu.wait_dma2 semaphore(%run_scoped3A : memref<!tpu.dma_semaphore, #tpu.memory_space<semaphore_mem>>) src(%dma_wait3A_64 : memref<128x64xf32, #tpu.memory_space<vmem>>) dst(%dma_wait3A_61 : memref<128x64xf32, #tpu.memory_space<vmem_shared>>)
      tpu.yield
    }) : () -> ()
    %add3A_9 = arith.constant 128 : i32
    %add3A_10 = arith.addi %mul3A_7, %add3A_9 : i32
    "tpu.region"() ({
      %run_scoped3A = tpu.sem_alloc : memref<!tpu.dma_semaphore, #tpu.memory_space<semaphore_mem>>
      %dma_start3A = arith.constant 0 : i32
      %dma_start3A_47 = arith.constant 0 : i32
      %dma_start3A_48 = tpu.memref_slice %arg11[%dma_start3A, %dma_start3A_47] : memref<128x64xf32, #tpu.memory_space<vmem>> -> memref<128x64xf32, #tpu.memory_space<vmem>>
      %dma_start3A_49 = arith.constant 0 : i32
      %dma_start3A_50 = tpu.memref_slice %arg13[%add3A_10, %dma_start3A_49] : memref<25088x64xf32, #tpu.memory_space<vmem_shared>> -> memref<128x64xf32, #tpu.memory_space<vmem_shared>>
      %dma_start3A_51 = arith.constant 0 : i32
      %dma_start3A_52 = tpu.memref_slice %arg13[%add3A_10, %dma_start3A_51] : memref<25088x64xf32, #tpu.memory_space<vmem_shared>> -> memref<128x64xf32, #tpu.memory_space<vmem_shared>>
      %dma_start3A_53 = arith.constant 0 : i32
      %dma_start3A_54 = arith.constant 0 : i32
      %dma_start3A_55 = tpu.memref_slice %arg11[%dma_start3A_53, %dma_start3A_54] : memref<128x64xf32, #tpu.memory_space<vmem>> -> memref<128x64xf32, #tpu.memory_space<vmem>>
      tpu.enqueue_dma source(%dma_start3A_55 : memref<128x64xf32, #tpu.memory_space<vmem>>) target(%dma_start3A_52 : memref<128x64xf32, #tpu.memory_space<vmem_shared>>) target_semaphore(%run_scoped3A : memref<!tpu.dma_semaphore, #tpu.memory_space<semaphore_mem>>)
      %dma_wait3A = arith.constant 0 : i32
      %dma_wait3A_56 = arith.constant 0 : i32
      %dma_wait3A_57 = tpu.memref_slice %arg11[%dma_wait3A, %dma_wait3A_56] : memref<128x64xf32, #tpu.memory_space<vmem>> -> memref<128x64xf32, #tpu.memory_space<vmem>>
      %dma_wait3A_58 = arith.constant 0 : i32
      %dma_wait3A_59 = tpu.memref_slice %arg13[%add3A_10, %dma_wait3A_58] : memref<25088x64xf32, #tpu.memory_space<vmem_shared>> -> memref<128x64xf32, #tpu.memory_space<vmem_shared>>
      %dma_wait3A_60 = arith.constant 0 : i32
      %dma_wait3A_61 = tpu.memref_slice %arg13[%add3A_10, %dma_wait3A_60] : memref<25088x64xf32, #tpu.memory_space<vmem_shared>> -> memref<128x64xf32, #tpu.memory_space<vmem_shared>>
      %dma_wait3A_62 = arith.constant 0 : i32
      %dma_wait3A_63 = arith.constant 0 : i32
      %dma_wait3A_64 = tpu.memref_slice %arg11[%dma_wait3A_62, %dma_wait3A_63] : memref<128x64xf32, #tpu.memory_space<vmem>> -> memref<128x64xf32, #tpu.memory_space<vmem>>
      tpu.wait_dma2 semaphore(%run_scoped3A : memref<!tpu.dma_semaphore, #tpu.memory_space<semaphore_mem>>) src(%dma_wait3A_64 : memref<128x64xf32, #tpu.memory_space<vmem>>) dst(%dma_wait3A_61 : memref<128x64xf32, #tpu.memory_space<vmem_shared>>)
      tpu.yield
    }) : () -> ()
    %add3A_11 = arith.constant 256 : i32
    %add3A_12 = arith.addi %mul3A_7, %add3A_11 : i32
    "tpu.region"() ({
      %run_scoped3A = tpu.sem_alloc : memref<!tpu.dma_semaphore, #tpu.memory_space<semaphore_mem>>
      %dma_start3A = arith.constant 0 : i32
      %dma_start3A_47 = arith.constant 0 : i32
      %dma_start3A_48 = tpu.memref_slice %arg11[%dma_start3A, %dma_start3A_47] : memref<128x64xf32, #tpu.memory_space<vmem>> -> memref<128x64xf32, #tpu.memory_space<vmem>>
      %dma_start3A_49 = arith.constant 0 : i32
      %dma_start3A_50 = tpu.memref_slice %arg13[%add3A_12, %dma_start3A_49] : memref<25088x64xf32, #tpu.memory_space<vmem_shared>> -> memref<128x64xf32, #tpu.memory_space<vmem_shared>>
      %dma_start3A_51 = arith.constant 0 : i32
      %dma_start3A_52 = tpu.memref_slice %arg13[%add3A_12, %dma_start3A_51] : memref<25088x64xf32, #tpu.memory_space<vmem_shared>> -> memref<128x64xf32, #tpu.memory_space<vmem_shared>>
      %dma_start3A_53 = arith.constant 0 : i32
      %dma_start3A_54 = arith.constant 0 : i32
      %dma_start3A_55 = tpu.memref_slice %arg11[%dma_start3A_53, %dma_start3A_54] : memref<128x64xf32, #tpu.memory_space<vmem>> -> memref<128x64xf32, #tpu.memory_space<vmem>>
      tpu.enqueue_dma source(%dma_start3A_55 : memref<128x64xf32, #tpu.memory_space<vmem>>) target(%dma_start3A_52 : memref<128x64xf32, #tpu.memory_space<vmem_shared>>) target_semaphore(%run_scoped3A : memref<!tpu.dma_semaphore, #tpu.memory_space<semaphore_mem>>)
      %dma_wait3A = arith.constant 0 : i32
      %dma_wait3A_56 = arith.constant 0 : i32
      %dma_wait3A_57 = tpu.memref_slice %arg11[%dma_wait3A, %dma_wait3A_56] : memref<128x64xf32, #tpu.memory_space<vmem>> -> memref<128x64xf32, #tpu.memory_space<vmem>>
      %dma_wait3A_58 = arith.constant 0 : i32
      %dma_wait3A_59 = tpu.memref_slice %arg13[%add3A_12, %dma_wait3A_58] : memref<25088x64xf32, #tpu.memory_space<vmem_shared>> -> memref<128x64xf32, #tpu.memory_space<vmem_shared>>
      %dma_wait3A_60 = arith.constant 0 : i32
      %dma_wait3A_61 = tpu.memref_slice %arg13[%add3A_12, %dma_wait3A_60] : memref<25088x64xf32, #tpu.memory_space<vmem_shared>> -> memref<128x64xf32, #tpu.memory_space<vmem_shared>>
      %dma_wait3A_62 = arith.constant 0 : i32
      %dma_wait3A_63 = arith.constant 0 : i32
      %dma_wait3A_64 = tpu.memref_slice %arg11[%dma_wait3A_62, %dma_wait3A_63] : memref<128x64xf32, #tpu.memory_space<vmem>> -> memref<128x64xf32, #tpu.memory_space<vmem>>
      tpu.wait_dma2 semaphore(%run_scoped3A : memref<!tpu.dma_semaphore, #tpu.memory_space<semaphore_mem>>) src(%dma_wait3A_64 : memref<128x64xf32, #tpu.memory_space<vmem>>) dst(%dma_wait3A_61 : memref<128x64xf32, #tpu.memory_space<vmem_shared>>)
      tpu.yield
    }) : () -> ()
    %add3A_13 = arith.constant 384 : i32
    %add3A_14 = arith.addi %mul3A_7, %add3A_13 : i32
    "tpu.region"() ({
      %run_scoped3A = tpu.sem_alloc : memref<!tpu.dma_semaphore, #tpu.memory_space<semaphore_mem>>
      %dma_start3A = arith.constant 0 : i32
      %dma_start3A_47 = arith.constant 0 : i32
      %dma_start3A_48 = tpu.memref_slice %arg11[%dma_start3A, %dma_start3A_47] : memref<128x64xf32, #tpu.memory_space<vmem>> -> memref<128x64xf32, #tpu.memory_space<vmem>>
      %dma_start3A_49 = arith.constant 0 : i32
      %dma_start3A_50 = tpu.memref_slice %arg13[%add3A_14, %dma_start3A_49] : memref<25088x64xf32, #tpu.memory_space<vmem_shared>> -> memref<128x64xf32, #tpu.memory_space<vmem_shared>>
      %dma_start3A_51 = arith.constant 0 : i32
      %dma_start3A_52 = tpu.memref_slice %arg13[%add3A_14, %dma_start3A_51] : memref<25088x64xf32, #tpu.memory_space<vmem_shared>> -> memref<128x64xf32, #tpu.memory_space<vmem_shared>>
      %dma_start3A_53 = arith.constant 0 : i32
      %dma_start3A_54 = arith.constant 0 : i32
      %dma_start3A_55 = tpu.memref_slice %arg11[%dma_start3A_53, %dma_start3A_54] : memref<128x64xf32, #tpu.memory_space<vmem>> -> memref<128x64xf32, #tpu.memory_space<vmem>>
      tpu.enqueue_dma source(%dma_start3A_55 : memref<128x64xf32, #tpu.memory_space<vmem>>) target(%dma_start3A_52 : memref<128x64xf32, #tpu.memory_space<vmem_shared>>) target_semaphore(%run_scoped3A : memref<!tpu.dma_semaphore, #tpu.memory_space<semaphore_mem>>)
      %dma_wait3A = arith.constant 0 : i32
      %dma_wait3A_56 = arith.constant 0 : i32
      %dma_wait3A_57 = tpu.memref_slice %arg11[%dma_wait3A, %dma_wait3A_56] : memref<128x64xf32, #tpu.memory_space<vmem>> -> memref<128x64xf32, #tpu.memory_space<vmem>>
      %dma_wait3A_58 = arith.constant 0 : i32
      %dma_wait3A_59 = tpu.memref_slice %arg13[%add3A_14, %dma_wait3A_58] : memref<25088x64xf32, #tpu.memory_space<vmem_shared>> -> memref<128x64xf32, #tpu.memory_space<vmem_shared>>
      %dma_wait3A_60 = arith.constant 0 : i32
      %dma_wait3A_61 = tpu.memref_slice %arg13[%add3A_14, %dma_wait3A_60] : memref<25088x64xf32, #tpu.memory_space<vmem_shared>> -> memref<128x64xf32, #tpu.memory_space<vmem_shared>>
      %dma_wait3A_62 = arith.constant 0 : i32
      %dma_wait3A_63 = arith.constant 0 : i32
      %dma_wait3A_64 = tpu.memref_slice %arg11[%dma_wait3A_62, %dma_wait3A_63] : memref<128x64xf32, #tpu.memory_space<vmem>> -> memref<128x64xf32, #tpu.memory_space<vmem>>
      tpu.wait_dma2 semaphore(%run_scoped3A : memref<!tpu.dma_semaphore, #tpu.memory_space<semaphore_mem>>) src(%dma_wait3A_64 : memref<128x64xf32, #tpu.memory_space<vmem>>) dst(%dma_wait3A_61 : memref<128x64xf32, #tpu.memory_space<vmem_shared>>)
      tpu.yield
    }) : () -> ()
    %add3A_15 = arith.constant 512 : i32
    %add3A_16 = arith.addi %mul3A_7, %add3A_15 : i32
    "tpu.region"() ({
      %run_scoped3A = tpu.sem_alloc : memref<!tpu.dma_semaphore, #tpu.memory_space<semaphore_mem>>
      %dma_start3A = arith.constant 0 : i32
      %dma_start3A_47 = arith.constant 0 : i32
      %dma_start3A_48 = tpu.memref_slice %arg11[%dma_start3A, %dma_start3A_47] : memref<128x64xf32, #tpu.memory_space<vmem>> -> memref<128x64xf32, #tpu.memory_space<vmem>>
      %dma_start3A_49 = arith.constant 0 : i32
      %dma_start3A_50 = tpu.memref_slice %arg13[%add3A_16, %dma_start3A_49] : memref<25088x64xf32, #tpu.memory_space<vmem_shared>> -> memref<128x64xf32, #tpu.memory_space<vmem_shared>>
      %dma_start3A_51 = arith.constant 0 : i32
      %dma_start3A_52 = tpu.memref_slice %arg13[%add3A_16, %dma_start3A_51] : memref<25088x64xf32, #tpu.memory_space<vmem_shared>> -> memref<128x64xf32, #tpu.memory_space<vmem_shared>>
      %dma_start3A_53 = arith.constant 0 : i32
      %dma_start3A_54 = arith.constant 0 : i32
      %dma_start3A_55 = tpu.memref_slice %arg11[%dma_start3A_53, %dma_start3A_54] : memref<128x64xf32, #tpu.memory_space<vmem>> -> memref<128x64xf32, #tpu.memory_space<vmem>>
      tpu.enqueue_dma source(%dma_start3A_55 : memref<128x64xf32, #tpu.memory_space<vmem>>) target(%dma_start3A_52 : memref<128x64xf32, #tpu.memory_space<vmem_shared>>) target_semaphore(%run_scoped3A : memref<!tpu.dma_semaphore, #tpu.memory_space<semaphore_mem>>)
      %dma_wait3A = arith.constant 0 : i32
      %dma_wait3A_56 = arith.constant 0 : i32
      %dma_wait3A_57 = tpu.memref_slice %arg11[%dma_wait3A, %dma_wait3A_56] : memref<128x64xf32, #tpu.memory_space<vmem>> -> memref<128x64xf32, #tpu.memory_space<vmem>>
      %dma_wait3A_58 = arith.constant 0 : i32
      %dma_wait3A_59 = tpu.memref_slice %arg13[%add3A_16, %dma_wait3A_58] : memref<25088x64xf32, #tpu.memory_space<vmem_shared>> -> memref<128x64xf32, #tpu.memory_space<vmem_shared>>
      %dma_wait3A_60 = arith.constant 0 : i32
      %dma_wait3A_61 = tpu.memref_slice %arg13[%add3A_16, %dma_wait3A_60] : memref<25088x64xf32, #tpu.memory_space<vmem_shared>> -> memref<128x64xf32, #tpu.memory_space<vmem_shared>>
      %dma_wait3A_62 = arith.constant 0 : i32
      %dma_wait3A_63 = arith.constant 0 : i32
      %dma_wait3A_64 = tpu.memref_slice %arg11[%dma_wait3A_62, %dma_wait3A_63] : memref<128x64xf32, #tpu.memory_space<vmem>> -> memref<128x64xf32, #tpu.memory_space<vmem>>
      tpu.wait_dma2 semaphore(%run_scoped3A : memref<!tpu.dma_semaphore, #tpu.memory_space<semaphore_mem>>) src(%dma_wait3A_64 : memref<128x64xf32, #tpu.memory_space<vmem>>) dst(%dma_wait3A_61 : memref<128x64xf32, #tpu.memory_space<vmem_shared>>)
      tpu.yield
    }) : () -> ()
    %add3A_17 = arith.constant 640 : i32
    %add3A_18 = arith.addi %mul3A_7, %add3A_17 : i32
    "tpu.region"() ({
      %run_scoped3A = tpu.sem_alloc : memref<!tpu.dma_semaphore, #tpu.memory_space<semaphore_mem>>
      %dma_start3A = arith.constant 0 : i32
      %dma_start3A_47 = arith.constant 0 : i32
      %dma_start3A_48 = tpu.memref_slice %arg11[%dma_start3A, %dma_start3A_47] : memref<128x64xf32, #tpu.memory_space<vmem>> -> memref<128x64xf32, #tpu.memory_space<vmem>>
      %dma_start3A_49 = arith.constant 0 : i32
      %dma_start3A_50 = tpu.memref_slice %arg13[%add3A_18, %dma_start3A_49] : memref<25088x64xf32, #tpu.memory_space<vmem_shared>> -> memref<128x64xf32, #tpu.memory_space<vmem_shared>>
      %dma_start3A_51 = arith.constant 0 : i32
      %dma_start3A_52 = tpu.memref_slice %arg13[%add3A_18, %dma_start3A_51] : memref<25088x64xf32, #tpu.memory_space<vmem_shared>> -> memref<128x64xf32, #tpu.memory_space<vmem_shared>>
      %dma_start3A_53 = arith.constant 0 : i32
      %dma_start3A_54 = arith.constant 0 : i32
      %dma_start3A_55 = tpu.memref_slice %arg11[%dma_start3A_53, %dma_start3A_54] : memref<128x64xf32, #tpu.memory_space<vmem>> -> memref<128x64xf32, #tpu.memory_space<vmem>>
      tpu.enqueue_dma source(%dma_start3A_55 : memref<128x64xf32, #tpu.memory_space<vmem>>) target(%dma_start3A_52 : memref<128x64xf32, #tpu.memory_space<vmem_shared>>) target_semaphore(%run_scoped3A : memref<!tpu.dma_semaphore, #tpu.memory_space<semaphore_mem>>)
      %dma_wait3A = arith.constant 0 : i32
      %dma_wait3A_56 = arith.constant 0 : i32
      %dma_wait3A_57 = tpu.memref_slice %arg11[%dma_wait3A, %dma_wait3A_56] : memref<128x64xf32, #tpu.memory_space<vmem>> -> memref<128x64xf32, #tpu.memory_space<vmem>>
      %dma_wait3A_58 = arith.constant 0 : i32
      %dma_wait3A_59 = tpu.memref_slice %arg13[%add3A_18, %dma_wait3A_58] : memref<25088x64xf32, #tpu.memory_space<vmem_shared>> -> memref<128x64xf32, #tpu.memory_space<vmem_shared>>
      %dma_wait3A_60 = arith.constant 0 : i32
      %dma_wait3A_61 = tpu.memref_slice %arg13[%add3A_18, %dma_wait3A_60] : memref<25088x64xf32, #tpu.memory_space<vmem_shared>> -> memref<128x64xf32, #tpu.memory_space<vmem_shared>>
      %dma_wait3A_62 = arith.constant 0 : i32
      %dma_wait3A_63 = arith.constant 0 : i32
      %dma_wait3A_64 = tpu.memref_slice %arg11[%dma_wait3A_62, %dma_wait3A_63] : memref<128x64xf32, #tpu.memory_space<vmem>> -> memref<128x64xf32, #tpu.memory_space<vmem>>
      tpu.wait_dma2 semaphore(%run_scoped3A : memref<!tpu.dma_semaphore, #tpu.memory_space<semaphore_mem>>) src(%dma_wait3A_64 : memref<128x64xf32, #tpu.memory_space<vmem>>) dst(%dma_wait3A_61 : memref<128x64xf32, #tpu.memory_space<vmem_shared>>)
      tpu.yield
    }) : () -> ()
    %add3A_19 = arith.constant 768 : i32
    %add3A_20 = arith.addi %mul3A_7, %add3A_19 : i32
    "tpu.region"() ({
      %run_scoped3A = tpu.sem_alloc : memref<!tpu.dma_semaphore, #tpu.memory_space<semaphore_mem>>
      %dma_start3A = arith.constant 0 : i32
      %dma_start3A_47 = arith.constant 0 : i32
      %dma_start3A_48 = tpu.memref_slice %arg11[%dma_start3A, %dma_start3A_47] : memref<128x64xf32, #tpu.memory_space<vmem>> -> memref<128x64xf32, #tpu.memory_space<vmem>>
      %dma_start3A_49 = arith.constant 0 : i32
      %dma_start3A_50 = tpu.memref_slice %arg13[%add3A_20, %dma_start3A_49] : memref<25088x64xf32, #tpu.memory_space<vmem_shared>> -> memref<128x64xf32, #tpu.memory_space<vmem_shared>>
      %dma_start3A_51 = arith.constant 0 : i32
      %dma_start3A_52 = tpu.memref_slice %arg13[%add3A_20, %dma_start3A_51] : memref<25088x64xf32, #tpu.memory_space<vmem_shared>> -> memref<128x64xf32, #tpu.memory_space<vmem_shared>>
      %dma_start3A_53 = arith.constant 0 : i32
      %dma_start3A_54 = arith.constant 0 : i32
      %dma_start3A_55 = tpu.memref_slice %arg11[%dma_start3A_53, %dma_start3A_54] : memref<128x64xf32, #tpu.memory_space<vmem>> -> memref<128x64xf32, #tpu.memory_space<vmem>>
      tpu.enqueue_dma source(%dma_start3A_55 : memref<128x64xf32, #tpu.memory_space<vmem>>) target(%dma_start3A_52 : memref<128x64xf32, #tpu.memory_space<vmem_shared>>) target_semaphore(%run_scoped3A : memref<!tpu.dma_semaphore, #tpu.memory_space<semaphore_mem>>)
      %dma_wait3A = arith.constant 0 : i32
      %dma_wait3A_56 = arith.constant 0 : i32
      %dma_wait3A_57 = tpu.memref_slice %arg11[%dma_wait3A, %dma_wait3A_56] : memref<128x64xf32, #tpu.memory_space<vmem>> -> memref<128x64xf32, #tpu.memory_space<vmem>>
      %dma_wait3A_58 = arith.constant 0 : i32
      %dma_wait3A_59 = tpu.memref_slice %arg13[%add3A_20, %dma_wait3A_58] : memref<25088x64xf32, #tpu.memory_space<vmem_shared>> -> memref<128x64xf32, #tpu.memory_space<vmem_shared>>
      %dma_wait3A_60 = arith.constant 0 : i32
      %dma_wait3A_61 = tpu.memref_slice %arg13[%add3A_20, %dma_wait3A_60] : memref<25088x64xf32, #tpu.memory_space<vmem_shared>> -> memref<128x64xf32, #tpu.memory_space<vmem_shared>>
      %dma_wait3A_62 = arith.constant 0 : i32
      %dma_wait3A_63 = arith.constant 0 : i32
      %dma_wait3A_64 = tpu.memref_slice %arg11[%dma_wait3A_62, %dma_wait3A_63] : memref<128x64xf32, #tpu.memory_space<vmem>> -> memref<128x64xf32, #tpu.memory_space<vmem>>
      tpu.wait_dma2 semaphore(%run_scoped3A : memref<!tpu.dma_semaphore, #tpu.memory_space<semaphore_mem>>) src(%dma_wait3A_64 : memref<128x64xf32, #tpu.memory_space<vmem>>) dst(%dma_wait3A_61 : memref<128x64xf32, #tpu.memory_space<vmem_shared>>)
      tpu.yield
    }) : () -> ()
    %add3A_21 = arith.constant 896 : i32
    %add3A_22 = arith.addi %mul3A_7, %add3A_21 : i32
    "tpu.region"() ({
      %run_scoped3A = tpu.sem_alloc : memref<!tpu.dma_semaphore, #tpu.memory_space<semaphore_mem>>
      %dma_start3A = arith.constant 0 : i32
      %dma_start3A_47 = arith.constant 0 : i32
      %dma_start3A_48 = tpu.memref_slice %arg11[%dma_start3A, %dma_start3A_47] : memref<128x64xf32, #tpu.memory_space<vmem>> -> memref<128x64xf32, #tpu.memory_space<vmem>>
      %dma_start3A_49 = arith.constant 0 : i32
      %dma_start3A_50 = tpu.memref_slice %arg13[%add3A_22, %dma_start3A_49] : memref<25088x64xf32, #tpu.memory_space<vmem_shared>> -> memref<128x64xf32, #tpu.memory_space<vmem_shared>>
      %dma_start3A_51 = arith.constant 0 : i32
      %dma_start3A_52 = tpu.memref_slice %arg13[%add3A_22, %dma_start3A_51] : memref<25088x64xf32, #tpu.memory_space<vmem_shared>> -> memref<128x64xf32, #tpu.memory_space<vmem_shared>>
      %dma_start3A_53 = arith.constant 0 : i32
      %dma_start3A_54 = arith.constant 0 : i32
      %dma_start3A_55 = tpu.memref_slice %arg11[%dma_start3A_53, %dma_start3A_54] : memref<128x64xf32, #tpu.memory_space<vmem>> -> memref<128x64xf32, #tpu.memory_space<vmem>>
      tpu.enqueue_dma source(%dma_start3A_55 : memref<128x64xf32, #tpu.memory_space<vmem>>) target(%dma_start3A_52 : memref<128x64xf32, #tpu.memory_space<vmem_shared>>) target_semaphore(%run_scoped3A : memref<!tpu.dma_semaphore, #tpu.memory_space<semaphore_mem>>)
      %dma_wait3A = arith.constant 0 : i32
      %dma_wait3A_56 = arith.constant 0 : i32
      %dma_wait3A_57 = tpu.memref_slice %arg11[%dma_wait3A, %dma_wait3A_56] : memref<128x64xf32, #tpu.memory_space<vmem>> -> memref<128x64xf32, #tpu.memory_space<vmem>>
      %dma_wait3A_58 = arith.constant 0 : i32
      %dma_wait3A_59 = tpu.memref_slice %arg13[%add3A_22, %dma_wait3A_58] : memref<25088x64xf32, #tpu.memory_space<vmem_shared>> -> memref<128x64xf32, #tpu.memory_space<vmem_shared>>
      %dma_wait3A_60 = arith.constant 0 : i32
      %dma_wait3A_61 = tpu.memref_slice %arg13[%add3A_22, %dma_wait3A_60] : memref<25088x64xf32, #tpu.memory_space<vmem_shared>> -> memref<128x64xf32, #tpu.memory_space<vmem_shared>>
      %dma_wait3A_62 = arith.constant 0 : i32
      %dma_wait3A_63 = arith.constant 0 : i32
      %dma_wait3A_64 = tpu.memref_slice %arg11[%dma_wait3A_62, %dma_wait3A_63] : memref<128x64xf32, #tpu.memory_space<vmem>> -> memref<128x64xf32, #tpu.memory_space<vmem>>
      tpu.wait_dma2 semaphore(%run_scoped3A : memref<!tpu.dma_semaphore, #tpu.memory_space<semaphore_mem>>) src(%dma_wait3A_64 : memref<128x64xf32, #tpu.memory_space<vmem>>) dst(%dma_wait3A_61 : memref<128x64xf32, #tpu.memory_space<vmem_shared>>)
      tpu.yield
    }) : () -> ()
    %add3A_23 = arith.constant 1024 : i32
    %add3A_24 = arith.addi %mul3A_7, %add3A_23 : i32
    "tpu.region"() ({
      %run_scoped3A = tpu.sem_alloc : memref<!tpu.dma_semaphore, #tpu.memory_space<semaphore_mem>>
      %dma_start3A = arith.constant 0 : i32
      %dma_start3A_47 = arith.constant 0 : i32
      %dma_start3A_48 = tpu.memref_slice %arg11[%dma_start3A, %dma_start3A_47] : memref<128x64xf32, #tpu.memory_space<vmem>> -> memref<128x64xf32, #tpu.memory_space<vmem>>
      %dma_start3A_49 = arith.constant 0 : i32
      %dma_start3A_50 = tpu.memref_slice %arg13[%add3A_24, %dma_start3A_49] : memref<25088x64xf32, #tpu.memory_space<vmem_shared>> -> memref<128x64xf32, #tpu.memory_space<vmem_shared>>
      %dma_start3A_51 = arith.constant 0 : i32
      %dma_start3A_52 = tpu.memref_slice %arg13[%add3A_24, %dma_start3A_51] : memref<25088x64xf32, #tpu.memory_space<vmem_shared>> -> memref<128x64xf32, #tpu.memory_space<vmem_shared>>
      %dma_start3A_53 = arith.constant 0 : i32
      %dma_start3A_54 = arith.constant 0 : i32
      %dma_start3A_55 = tpu.memref_slice %arg11[%dma_start3A_53, %dma_start3A_54] : memref<128x64xf32, #tpu.memory_space<vmem>> -> memref<128x64xf32, #tpu.memory_space<vmem>>
      tpu.enqueue_dma source(%dma_start3A_55 : memref<128x64xf32, #tpu.memory_space<vmem>>) target(%dma_start3A_52 : memref<128x64xf32, #tpu.memory_space<vmem_shared>>) target_semaphore(%run_scoped3A : memref<!tpu.dma_semaphore, #tpu.memory_space<semaphore_mem>>)
      %dma_wait3A = arith.constant 0 : i32
      %dma_wait3A_56 = arith.constant 0 : i32
      %dma_wait3A_57 = tpu.memref_slice %arg11[%dma_wait3A, %dma_wait3A_56] : memref<128x64xf32, #tpu.memory_space<vmem>> -> memref<128x64xf32, #tpu.memory_space<vmem>>
      %dma_wait3A_58 = arith.constant 0 : i32
      %dma_wait3A_59 = tpu.memref_slice %arg13[%add3A_24, %dma_wait3A_58] : memref<25088x64xf32, #tpu.memory_space<vmem_shared>> -> memref<128x64xf32, #tpu.memory_space<vmem_shared>>
      %dma_wait3A_60 = arith.constant 0 : i32
      %dma_wait3A_61 = tpu.memref_slice %arg13[%add3A_24, %dma_wait3A_60] : memref<25088x64xf32, #tpu.memory_space<vmem_shared>> -> memref<128x64xf32, #tpu.memory_space<vmem_shared>>
      %dma_wait3A_62 = arith.constant 0 : i32
      %dma_wait3A_63 = arith.constant 0 : i32
      %dma_wait3A_64 = tpu.memref_slice %arg11[%dma_wait3A_62, %dma_wait3A_63] : memref<128x64xf32, #tpu.memory_space<vmem>> -> memref<128x64xf32, #tpu.memory_space<vmem>>
      tpu.wait_dma2 semaphore(%run_scoped3A : memref<!tpu.dma_semaphore, #tpu.memory_space<semaphore_mem>>) src(%dma_wait3A_64 : memref<128x64xf32, #tpu.memory_space<vmem>>) dst(%dma_wait3A_61 : memref<128x64xf32, #tpu.memory_space<vmem_shared>>)
      tpu.yield
    }) : () -> ()
    %add3A_25 = arith.constant 1152 : i32
    %add3A_26 = arith.addi %mul3A_7, %add3A_25 : i32
    "tpu.region"() ({
      %run_scoped3A = tpu.sem_alloc : memref<!tpu.dma_semaphore, #tpu.memory_space<semaphore_mem>>
      %dma_start3A = arith.constant 0 : i32
      %dma_start3A_47 = arith.constant 0 : i32
      %dma_start3A_48 = tpu.memref_slice %arg11[%dma_start3A, %dma_start3A_47] : memref<128x64xf32, #tpu.memory_space<vmem>> -> memref<128x64xf32, #tpu.memory_space<vmem>>
      %dma_start3A_49 = arith.constant 0 : i32
      %dma_start3A_50 = tpu.memref_slice %arg13[%add3A_26, %dma_start3A_49] : memref<25088x64xf32, #tpu.memory_space<vmem_shared>> -> memref<128x64xf32, #tpu.memory_space<vmem_shared>>
      %dma_start3A_51 = arith.constant 0 : i32
      %dma_start3A_52 = tpu.memref_slice %arg13[%add3A_26, %dma_start3A_51] : memref<25088x64xf32, #tpu.memory_space<vmem_shared>> -> memref<128x64xf32, #tpu.memory_space<vmem_shared>>
      %dma_start3A_53 = arith.constant 0 : i32
      %dma_start3A_54 = arith.constant 0 : i32
      %dma_start3A_55 = tpu.memref_slice %arg11[%dma_start3A_53, %dma_start3A_54] : memref<128x64xf32, #tpu.memory_space<vmem>> -> memref<128x64xf32, #tpu.memory_space<vmem>>
      tpu.enqueue_dma source(%dma_start3A_55 : memref<128x64xf32, #tpu.memory_space<vmem>>) target(%dma_start3A_52 : memref<128x64xf32, #tpu.memory_space<vmem_shared>>) target_semaphore(%run_scoped3A : memref<!tpu.dma_semaphore, #tpu.memory_space<semaphore_mem>>)
      %dma_wait3A = arith.constant 0 : i32
      %dma_wait3A_56 = arith.constant 0 : i32
      %dma_wait3A_57 = tpu.memref_slice %arg11[%dma_wait3A, %dma_wait3A_56] : memref<128x64xf32, #tpu.memory_space<vmem>> -> memref<128x64xf32, #tpu.memory_space<vmem>>
      %dma_wait3A_58 = arith.constant 0 : i32
      %dma_wait3A_59 = tpu.memref_slice %arg13[%add3A_26, %dma_wait3A_58] : memref<25088x64xf32, #tpu.memory_space<vmem_shared>> -> memref<128x64xf32, #tpu.memory_space<vmem_shared>>
      %dma_wait3A_60 = arith.constant 0 : i32
      %dma_wait3A_61 = tpu.memref_slice %arg13[%add3A_26, %dma_wait3A_60] : memref<25088x64xf32, #tpu.memory_space<vmem_shared>> -> memref<128x64xf32, #tpu.memory_space<vmem_shared>>
      %dma_wait3A_62 = arith.constant 0 : i32
      %dma_wait3A_63 = arith.constant 0 : i32
      %dma_wait3A_64 = tpu.memref_slice %arg11[%dma_wait3A_62, %dma_wait3A_63] : memref<128x64xf32, #tpu.memory_space<vmem>> -> memref<128x64xf32, #tpu.memory_space<vmem>>
      tpu.wait_dma2 semaphore(%run_scoped3A : memref<!tpu.dma_semaphore, #tpu.memory_space<semaphore_mem>>) src(%dma_wait3A_64 : memref<128x64xf32, #tpu.memory_space<vmem>>) dst(%dma_wait3A_61 : memref<128x64xf32, #tpu.memory_space<vmem_shared>>)
      tpu.yield
    }) : () -> ()
    %add3A_27 = arith.constant 1280 : i32
    %add3A_28 = arith.addi %mul3A_7, %add3A_27 : i32
    "tpu.region"() ({
      %run_scoped3A = tpu.sem_alloc : memref<!tpu.dma_semaphore, #tpu.memory_space<semaphore_mem>>
      %dma_start3A = arith.constant 0 : i32
      %dma_start3A_47 = arith.constant 0 : i32
      %dma_start3A_48 = tpu.memref_slice %arg11[%dma_start3A, %dma_start3A_47] : memref<128x64xf32, #tpu.memory_space<vmem>> -> memref<128x64xf32, #tpu.memory_space<vmem>>
      %dma_start3A_49 = arith.constant 0 : i32
      %dma_start3A_50 = tpu.memref_slice %arg13[%add3A_28, %dma_start3A_49] : memref<25088x64xf32, #tpu.memory_space<vmem_shared>> -> memref<128x64xf32, #tpu.memory_space<vmem_shared>>
      %dma_start3A_51 = arith.constant 0 : i32
      %dma_start3A_52 = tpu.memref_slice %arg13[%add3A_28, %dma_start3A_51] : memref<25088x64xf32, #tpu.memory_space<vmem_shared>> -> memref<128x64xf32, #tpu.memory_space<vmem_shared>>
      %dma_start3A_53 = arith.constant 0 : i32
      %dma_start3A_54 = arith.constant 0 : i32
      %dma_start3A_55 = tpu.memref_slice %arg11[%dma_start3A_53, %dma_start3A_54] : memref<128x64xf32, #tpu.memory_space<vmem>> -> memref<128x64xf32, #tpu.memory_space<vmem>>
      tpu.enqueue_dma source(%dma_start3A_55 : memref<128x64xf32, #tpu.memory_space<vmem>>) target(%dma_start3A_52 : memref<128x64xf32, #tpu.memory_space<vmem_shared>>) target_semaphore(%run_scoped3A : memref<!tpu.dma_semaphore, #tpu.memory_space<semaphore_mem>>)
      %dma_wait3A = arith.constant 0 : i32
      %dma_wait3A_56 = arith.constant 0 : i32
      %dma_wait3A_57 = tpu.memref_slice %arg11[%dma_wait3A, %dma_wait3A_56] : memref<128x64xf32, #tpu.memory_space<vmem>> -> memref<128x64xf32, #tpu.memory_space<vmem>>
      %dma_wait3A_58 = arith.constant 0 : i32
      %dma_wait3A_59 = tpu.memref_slice %arg13[%add3A_28, %dma_wait3A_58] : memref<25088x64xf32, #tpu.memory_space<vmem_shared>> -> memref<128x64xf32, #tpu.memory_space<vmem_shared>>
      %dma_wait3A_60 = arith.constant 0 : i32
      %dma_wait3A_61 = tpu.memref_slice %arg13[%add3A_28, %dma_wait3A_60] : memref<25088x64xf32, #tpu.memory_space<vmem_shared>> -> memref<128x64xf32, #tpu.memory_space<vmem_shared>>
      %dma_wait3A_62 = arith.constant 0 : i32
      %dma_wait3A_63 = arith.constant 0 : i32
      %dma_wait3A_64 = tpu.memref_slice %arg11[%dma_wait3A_62, %dma_wait3A_63] : memref<128x64xf32, #tpu.memory_space<vmem>> -> memref<128x64xf32, #tpu.memory_space<vmem>>
      tpu.wait_dma2 semaphore(%run_scoped3A : memref<!tpu.dma_semaphore, #tpu.memory_space<semaphore_mem>>) src(%dma_wait3A_64 : memref<128x64xf32, #tpu.memory_space<vmem>>) dst(%dma_wait3A_61 : memref<128x64xf32, #tpu.memory_space<vmem_shared>>)
      tpu.yield
    }) : () -> ()
    %add3A_29 = arith.constant 1408 : i32
    %add3A_30 = arith.addi %mul3A_7, %add3A_29 : i32
    "tpu.region"() ({
      %run_scoped3A = tpu.sem_alloc : memref<!tpu.dma_semaphore, #tpu.memory_space<semaphore_mem>>
      %dma_start3A = arith.constant 0 : i32
      %dma_start3A_47 = arith.constant 0 : i32
      %dma_start3A_48 = tpu.memref_slice %arg11[%dma_start3A, %dma_start3A_47] : memref<128x64xf32, #tpu.memory_space<vmem>> -> memref<128x64xf32, #tpu.memory_space<vmem>>
      %dma_start3A_49 = arith.constant 0 : i32
      %dma_start3A_50 = tpu.memref_slice %arg13[%add3A_30, %dma_start3A_49] : memref<25088x64xf32, #tpu.memory_space<vmem_shared>> -> memref<128x64xf32, #tpu.memory_space<vmem_shared>>
      %dma_start3A_51 = arith.constant 0 : i32
      %dma_start3A_52 = tpu.memref_slice %arg13[%add3A_30, %dma_start3A_51] : memref<25088x64xf32, #tpu.memory_space<vmem_shared>> -> memref<128x64xf32, #tpu.memory_space<vmem_shared>>
      %dma_start3A_53 = arith.constant 0 : i32
      %dma_start3A_54 = arith.constant 0 : i32
      %dma_start3A_55 = tpu.memref_slice %arg11[%dma_start3A_53, %dma_start3A_54] : memref<128x64xf32, #tpu.memory_space<vmem>> -> memref<128x64xf32, #tpu.memory_space<vmem>>
      tpu.enqueue_dma source(%dma_start3A_55 : memref<128x64xf32, #tpu.memory_space<vmem>>) target(%dma_start3A_52 : memref<128x64xf32, #tpu.memory_space<vmem_shared>>) target_semaphore(%run_scoped3A : memref<!tpu.dma_semaphore, #tpu.memory_space<semaphore_mem>>)
      %dma_wait3A = arith.constant 0 : i32
      %dma_wait3A_56 = arith.constant 0 : i32
      %dma_wait3A_57 = tpu.memref_slice %arg11[%dma_wait3A, %dma_wait3A_56] : memref<128x64xf32, #tpu.memory_space<vmem>> -> memref<128x64xf32, #tpu.memory_space<vmem>>
      %dma_wait3A_58 = arith.constant 0 : i32
      %dma_wait3A_59 = tpu.memref_slice %arg13[%add3A_30, %dma_wait3A_58] : memref<25088x64xf32, #tpu.memory_space<vmem_shared>> -> memref<128x64xf32, #tpu.memory_space<vmem_shared>>
      %dma_wait3A_60 = arith.constant 0 : i32
      %dma_wait3A_61 = tpu.memref_slice %arg13[%add3A_30, %dma_wait3A_60] : memref<25088x64xf32, #tpu.memory_space<vmem_shared>> -> memref<128x64xf32, #tpu.memory_space<vmem_shared>>
      %dma_wait3A_62 = arith.constant 0 : i32
      %dma_wait3A_63 = arith.constant 0 : i32
      %dma_wait3A_64 = tpu.memref_slice %arg11[%dma_wait3A_62, %dma_wait3A_63] : memref<128x64xf32, #tpu.memory_space<vmem>> -> memref<128x64xf32, #tpu.memory_space<vmem>>
      tpu.wait_dma2 semaphore(%run_scoped3A : memref<!tpu.dma_semaphore, #tpu.memory_space<semaphore_mem>>) src(%dma_wait3A_64 : memref<128x64xf32, #tpu.memory_space<vmem>>) dst(%dma_wait3A_61 : memref<128x64xf32, #tpu.memory_space<vmem_shared>>)
      tpu.yield
    }) : () -> ()
    %add3A_31 = arith.constant 1536 : i32
    %add3A_32 = arith.addi %mul3A_7, %add3A_31 : i32
    "tpu.region"() ({
      %run_scoped3A = tpu.sem_alloc : memref<!tpu.dma_semaphore, #tpu.memory_space<semaphore_mem>>
      %dma_start3A = arith.constant 0 : i32
      %dma_start3A_47 = arith.constant 0 : i32
      %dma_start3A_48 = tpu.memref_slice %arg11[%dma_start3A, %dma_start3A_47] : memref<128x64xf32, #tpu.memory_space<vmem>> -> memref<32x64xf32, #tpu.memory_space<vmem>>
      %dma_start3A_49 = arith.constant 0 : i32
      %dma_start3A_50 = tpu.memref_slice %arg13[%add3A_32, %dma_start3A_49] : memref<25088x64xf32, #tpu.memory_space<vmem_shared>> -> memref<32x64xf32, #tpu.memory_space<vmem_shared>>
      %dma_start3A_51 = arith.constant 0 : i32
      %dma_start3A_52 = tpu.memref_slice %arg13[%add3A_32, %dma_start3A_51] : memref<25088x64xf32, #tpu.memory_space<vmem_shared>> -> memref<32x64xf32, #tpu.memory_space<vmem_shared>>
      %dma_start3A_53 = arith.constant 0 : i32
      %dma_start3A_54 = arith.constant 0 : i32
      %dma_start3A_55 = tpu.memref_slice %arg11[%dma_start3A_53, %dma_start3A_54] : memref<128x64xf32, #tpu.memory_space<vmem>> -> memref<32x64xf32, #tpu.memory_space<vmem>>
      tpu.enqueue_dma source(%dma_start3A_55 : memref<32x64xf32, #tpu.memory_space<vmem>>) target(%dma_start3A_52 : memref<32x64xf32, #tpu.memory_space<vmem_shared>>) target_semaphore(%run_scoped3A : memref<!tpu.dma_semaphore, #tpu.memory_space<semaphore_mem>>)
      %dma_wait3A = arith.constant 0 : i32
      %dma_wait3A_56 = arith.constant 0 : i32
      %dma_wait3A_57 = tpu.memref_slice %arg11[%dma_wait3A, %dma_wait3A_56] : memref<128x64xf32, #tpu.memory_space<vmem>> -> memref<32x64xf32, #tpu.memory_space<vmem>>
      %dma_wait3A_58 = arith.constant 0 : i32
      %dma_wait3A_59 = tpu.memref_slice %arg13[%add3A_32, %dma_wait3A_58] : memref<25088x64xf32, #tpu.memory_space<vmem_shared>> -> memref<32x64xf32, #tpu.memory_space<vmem_shared>>
      %dma_wait3A_60 = arith.constant 0 : i32
      %dma_wait3A_61 = tpu.memref_slice %arg13[%add3A_32, %dma_wait3A_60] : memref<25088x64xf32, #tpu.memory_space<vmem_shared>> -> memref<32x64xf32, #tpu.memory_space<vmem_shared>>
      %dma_wait3A_62 = arith.constant 0 : i32
      %dma_wait3A_63 = arith.constant 0 : i32
      %dma_wait3A_64 = tpu.memref_slice %arg11[%dma_wait3A_62, %dma_wait3A_63] : memref<128x64xf32, #tpu.memory_space<vmem>> -> memref<32x64xf32, #tpu.memory_space<vmem>>
      tpu.wait_dma2 semaphore(%run_scoped3A : memref<!tpu.dma_semaphore, #tpu.memory_space<semaphore_mem>>) src(%dma_wait3A_64 : memref<32x64xf32, #tpu.memory_space<vmem>>) dst(%dma_wait3A_61 : memref<32x64xf32, #tpu.memory_space<vmem_shared>>)
      tpu.yield
    }) : () -> ()
    %barrier3A = arith.constant 0 : index
    tpu.barrier barrier_id(%barrier3A)
    %scan3A_33 = arith.constant 0 : i32
    %scan3A_34 = arith.constant 0 : i32
    %scan3A_35 = arith.constant 196 : i32
    %scan3A_36 = arith.addi %scan3A_34, %scan3A_35 : i32
    %scan3A_37 = arith.constant 1 : i32
    scf.for %scan3A_47 = %scan3A_34 to %scan3A_36 step %scan3A_37  : i32 {
      %jit3A = arith.constant 4 : i32
      %eq3A_48 = arith.constant 0 : i32
      %eq3A_49 = arith.cmpi eq, %jit3A, %eq3A_48 : i32
      %jit3A_50 = arith.constant 1 : i32
      %select_n3A = arith.select %eq3A_49, %jit3A_50, %jit3A : i32
      %rem3A = arith.remsi %scan3A_47, %select_n3A : i32
      %ne3A = arith.constant 0 : i32
      %ne3A_51 = arith.cmpi ne, %rem3A, %ne3A : i32
      %lt3A = arith.constant 0 : i32
      %lt3A_52 = arith.cmpi slt, %rem3A, %lt3A : i32
      %lt3A_53 = arith.constant 0 : i32
      %lt3A_54 = arith.cmpi slt, %select_n3A, %lt3A_53 : i32
      %ne3A_55 = arith.xori %lt3A_52, %lt3A_54 : i1
      %and3A = arith.andi %ne3A_55, %ne3A_51 : i1
      %add3A_56 = arith.addi %rem3A, %select_n3A : i32
      %select_n3A_57 = arith.select %and3A, %add3A_56, %rem3A : i32
      %mul3A_58 = arith.constant 392 : i32
      %mul3A_59 = arith.muli %arg1, %mul3A_58 : i32
      %mul3A_60 = arith.constant 2 : i32
      %mul3A_61 = arith.muli %scan3A_47, %mul3A_60 : i32
      %add3A_62 = arith.addi %mul3A_59, %mul3A_61 : i32
      %eq3A_63 = arith.constant 0 : i32
      %eq3A_64 = arith.cmpi eq, %select_n3A_57, %eq3A_63 : i32
      %convert_element_type3A_65 = arith.extui %eq3A_64 : i1 to i32
      %cond3A_66 = arith.constant 0 : i32
      %cond3A_67 = arith.cmpi ne, %convert_element_type3A_65, %cond3A_66 : i32
      scf.if %cond3A_67 {
        "tpu.region"() ({
          %run_scoped3A = tpu.sem_alloc : memref<!tpu.dma_semaphore, #tpu.memory_space<semaphore_mem>>
          %dma_start3A_1648 = arith.constant 0 : i32
          %dma_start3A_1649 = tpu.memref_slice %arg4[%add3A_62, %dma_start3A_1648] : memref<6272x128xi32, #tpu.memory_space<hbm>> -> memref<8x128xi32, #tpu.memory_space<hbm>>
          %dma_start3A_1650 = arith.constant 0 : i32
          %dma_start3A_1651 = tpu.memref_slice %arg4[%add3A_62, %dma_start3A_1650] : memref<6272x128xi32, #tpu.memory_space<hbm>> -> memref<8x128xi32, #tpu.memory_space<hbm>>
          tpu.enqueue_dma source(%dma_start3A_1651 : memref<8x128xi32, #tpu.memory_space<hbm>>) target(%arg7 : memref<8x128xi32, #tpu.memory_space<vmem>>) target_semaphore(%run_scoped3A : memref<!tpu.dma_semaphore, #tpu.memory_space<semaphore_mem>>)
          %dma_wait3A_1652 = arith.constant 0 : i32
          %dma_wait3A_1653 = tpu.memref_slice %arg4[%add3A_62, %dma_wait3A_1652] : memref<6272x128xi32, #tpu.memory_space<hbm>> -> memref<8x128xi32, #tpu.memory_space<hbm>>
          %dma_wait3A_1654 = arith.constant 0 : i32
          %dma_wait3A_1655 = tpu.memref_slice %arg4[%add3A_62, %dma_wait3A_1654] : memref<6272x128xi32, #tpu.memory_space<hbm>> -> memref<8x128xi32, #tpu.memory_space<hbm>>
          tpu.wait_dma2 semaphore(%run_scoped3A : memref<!tpu.dma_semaphore, #tpu.memory_space<semaphore_mem>>) src(%dma_wait3A_1655 : memref<8x128xi32, #tpu.memory_space<hbm>>) dst(%arg7 : memref<8x128xi32, #tpu.memory_space<vmem>>)
          tpu.yield
        }) : () -> ()
        "tpu.region"() ({
          %run_scoped3A = tpu.sem_alloc : memref<!tpu.dma_semaphore, #tpu.memory_space<semaphore_mem>>
          %dma_start3A_1648 = arith.constant 0 : i32
          %dma_start3A_1649 = tpu.memref_slice %arg5[%add3A_62, %dma_start3A_1648] : memref<6272x128xi32, #tpu.memory_space<hbm>> -> memref<8x128xi32, #tpu.memory_space<hbm>>
          %dma_start3A_1650 = arith.constant 0 : i32
          %dma_start3A_1651 = tpu.memref_slice %arg5[%add3A_62, %dma_start3A_1650] : memref<6272x128xi32, #tpu.memory_space<hbm>> -> memref<8x128xi32, #tpu.memory_space<hbm>>
          tpu.enqueue_dma source(%dma_start3A_1651 : memref<8x128xi32, #tpu.memory_space<hbm>>) target(%arg8 : memref<8x128xi32, #tpu.memory_space<vmem>>) target_semaphore(%run_scoped3A : memref<!tpu.dma_semaphore, #tpu.memory_space<semaphore_mem>>)
          %dma_wait3A_1652 = arith.constant 0 : i32
          %dma_wait3A_1653 = tpu.memref_slice %arg5[%add3A_62, %dma_wait3A_1652] : memref<6272x128xi32, #tpu.memory_space<hbm>> -> memref<8x128xi32, #tpu.memory_space<hbm>>
          %dma_wait3A_1654 = arith.constant 0 : i32
          %dma_wait3A_1655 = tpu.memref_slice %arg5[%add3A_62, %dma_wait3A_1654] : memref<6272x128xi32, #tpu.memory_space<hbm>> -> memref<8x128xi32, #tpu.memory_space<hbm>>
          tpu.wait_dma2 semaphore(%run_scoped3A : memref<!tpu.dma_semaphore, #tpu.memory_space<semaphore_mem>>) src(%dma_wait3A_1655 : memref<8x128xi32, #tpu.memory_space<hbm>>) dst(%arg8 : memref<8x128xi32, #tpu.memory_space<vmem>>)
          tpu.yield
        }) : () -> ()
        %add3A_133 = arith.constant 0 : i32
        %add3A_134 = arith.addi %add3A_62, %add3A_133 : i32
        %lt3A_135 = arith.constant 6250 : i32
        %lt3A_136 = arith.cmpi slt, %add3A_134, %lt3A_135 : i32
        %jit3A_137 = arith.constant 50064 : i32
        %select_n3A_138 = arith.select %lt3A_136, %mul3A_0, %jit3A_137 : i32
        %get3A = arith.constant 0 : i32
        %get3A_139 = arith.index_cast %get3A : i32 to index
        %get3A_140 = arith.constant 0 : index
        %get3A_141 = tpu.vector_load %arg8[%get3A_139, %get3A_140] {strides = array<i32>} : memref<8x128xi32, #tpu.memory_space<vmem>>, vector<1x16xi32>,
        %get3A_142 = vector.shape_cast %get3A_141 : vector<1x16xi32> to vector<16xi32>
        %ge3A = vector.broadcast %select_n3A_138 : i32 to vector<16xi32>
        %ge3A_143 = arith.cmpi sge, %get3A_142, %ge3A : vector<16xi32>
        %add3A_144 = arith.constant 25000 : i32
        %add3A_145 = arith.addi %select_n3A_138, %add3A_144 : i32
        %lt3A_146 = vector.broadcast %add3A_145 : i32 to vector<16xi32>
        %lt3A_147 = arith.cmpi slt, %get3A_142, %lt3A_146 : vector<16xi32>
        %and3A_148 = arith.andi %ge3A_143, %lt3A_147 : vector<16xi1>
        %sub3A = vector.broadcast %select_n3A_138 : i32 to vector<16xi32>
        %sub3A_149 = arith.subi %get3A_142, %sub3A : vector<16xi32>
        %jit3A_150 = arith.constant 25000 : i32
        %broadcast_in_dim3A = vector.broadcast %jit3A_150 : i32 to vector<16xi32>
        %select_n3A_151 = arith.select %and3A_148, %sub3A_149, %broadcast_in_dim3A : vector<16xi1>, vector<16xi32>
        %swap3A = arith.constant 0 : i32
        %swap3A_152 = arith.index_cast %swap3A : i32 to index
        %swap3A_153 = arith.constant 0 : index
        %swap3A_154 = tpu.vector_load %arg8[%swap3A_152, %swap3A_153] {strides = array<i32>} : memref<8x128xi32, #tpu.memory_space<vmem>>, vector<1x16xi32>,
        %swap3A_155 = vector.shape_cast %swap3A_154 : vector<1x16xi32> to vector<16xi32>
        %swap3A_156 = vector.shape_cast %select_n3A_151 : vector<16xi32> to vector<1x16xi32>
        tpu.vector_store %arg8[%swap3A_152, %swap3A_153], %swap3A_156 {strides = array<i32>} : memref<8x128xi32, #tpu.memory_space<vmem>>, vector<1x16xi32>,
        %get3A_157 = arith.constant 0 : i32
        %get3A_158 = arith.index_cast %get3A_157 : i32 to index
        %get3A_159 = arith.constant 16 : index
        %get3A_160 = tpu.vector_load %arg8[%get3A_158, %get3A_159] {strides = array<i32>} : memref<8x128xi32, #tpu.memory_space<vmem>>, vector<1x16xi32>,
        %get3A_161 = vector.shape_cast %get3A_160 : vector<1x16xi32> to vector<16xi32>
        %ge3A_162 = vector.broadcast %select_n3A_138 : i32 to vector<16xi32>
        %ge3A_163 = arith.cmpi sge, %get3A_161, %ge3A_162 : vector<16xi32>
        %add3A_164 = arith.constant 25000 : i32
        %add3A_165 = arith.addi %select_n3A_138, %add3A_164 : i32
        %lt3A_166 = vector.broadcast %add3A_165 : i32 to vector<16xi32>
        %lt3A_167 = arith.cmpi slt, %get3A_161, %lt3A_166 : vector<16xi32>
        %and3A_168 = arith.andi %ge3A_163, %lt3A_167 : vector<16xi1>
        %sub3A_169 = vector.broadcast %select_n3A_138 : i32 to vector<16xi32>
        %sub3A_170 = arith.subi %get3A_161, %sub3A_169 : vector<16xi32>
        %jit3A_171 = arith.constant 25000 : i32
        %broadcast_in_dim3A_172 = vector.broadcast %jit3A_171 : i32 to vector<16xi32>
        %select_n3A_173 = arith.select %and3A_168, %sub3A_170, %broadcast_in_dim3A_172 : vector<16xi1>, vector<16xi32>
        %swap3A_174 = arith.constant 0 : i32
        %swap3A_175 = arith.index_cast %swap3A_174 : i32 to index
        %swap3A_176 = arith.constant 16 : index
        %swap3A_177 = tpu.vector_load %arg8[%swap3A_175, %swap3A_176] {strides = array<i32>} : memref<8x128xi32, #tpu.memory_space<vmem>>, vector<1x16xi32>,
        %swap3A_178 = vector.shape_cast %swap3A_177 : vector<1x16xi32> to vector<16xi32>
        %swap3A_179 = vector.shape_cast %select_n3A_173 : vector<16xi32> to vector<1x16xi32>
        tpu.vector_store %arg8[%swap3A_175, %swap3A_176], %swap3A_179 {strides = array<i32>} : memref<8x128xi32, #tpu.memory_space<vmem>>, vector<1x16xi32>,
        %get3A_180 = arith.constant 0 : i32
        %get3A_181 = arith.index_cast %get3A_180 : i32 to index
        %get3A_182 = arith.constant 32 : index
        %get3A_183 = tpu.vector_load %arg8[%get3A_181, %get3A_182] {strides = array<i32>} : memref<8x128xi32, #tpu.memory_space<vmem>>, vector<1x16xi32>,
        %get3A_184 = vector.shape_cast %get3A_183 : vector<1x16xi32> to vector<16xi32>
        %ge3A_185 = vector.broadcast %select_n3A_138 : i32 to vector<16xi32>
        %ge3A_186 = arith.cmpi sge, %get3A_184, %ge3A_185 : vector<16xi32>
        %add3A_187 = arith.constant 25000 : i32
        %add3A_188 = arith.addi %select_n3A_138, %add3A_187 : i32
        %lt3A_189 = vector.broadcast %add3A_188 : i32 to vector<16xi32>
        %lt3A_190 = arith.cmpi slt, %get3A_184, %lt3A_189 : vector<16xi32>
        %and3A_191 = arith.andi %ge3A_186, %lt3A_190 : vector<16xi1>
        %sub3A_192 = vector.broadcast %select_n3A_138 : i32 to vector<16xi32>
        %sub3A_193 = arith.subi %get3A_184, %sub3A_192 : vector<16xi32>
        %jit3A_194 = arith.constant 25000 : i32
        %broadcast_in_dim3A_195 = vector.broadcast %jit3A_194 : i32 to vector<16xi32>
        %select_n3A_196 = arith.select %and3A_191, %sub3A_193, %broadcast_in_dim3A_195 : vector<16xi1>, vector<16xi32>
        %swap3A_197 = arith.constant 0 : i32
        %swap3A_198 = arith.index_cast %swap3A_197 : i32 to index
        %swap3A_199 = arith.constant 32 : index
        %swap3A_200 = tpu.vector_load %arg8[%swap3A_198, %swap3A_199] {strides = array<i32>} : memref<8x128xi32, #tpu.memory_space<vmem>>, vector<1x16xi32>,
        %swap3A_201 = vector.shape_cast %swap3A_200 : vector<1x16xi32> to vector<16xi32>
        %swap3A_202 = vector.shape_cast %select_n3A_196 : vector<16xi32> to vector<1x16xi32>
        tpu.vector_store %arg8[%swap3A_198, %swap3A_199], %swap3A_202 {strides = array<i32>} : memref<8x128xi32, #tpu.memory_space<vmem>>, vector<1x16xi32>,
        %get3A_203 = arith.constant 0 : i32
        %get3A_204 = arith.index_cast %get3A_203 : i32 to index
        %get3A_205 = arith.constant 48 : index
        %get3A_206 = tpu.vector_load %arg8[%get3A_204, %get3A_205] {strides = array<i32>} : memref<8x128xi32, #tpu.memory_space<vmem>>, vector<1x16xi32>,
        %get3A_207 = vector.shape_cast %get3A_206 : vector<1x16xi32> to vector<16xi32>
        %ge3A_208 = vector.broadcast %select_n3A_138 : i32 to vector<16xi32>
        %ge3A_209 = arith.cmpi sge, %get3A_207, %ge3A_208 : vector<16xi32>
        %add3A_210 = arith.constant 25000 : i32
        %add3A_211 = arith.addi %select_n3A_138, %add3A_210 : i32
        %lt3A_212 = vector.broadcast %add3A_211 : i32 to vector<16xi32>
        %lt3A_213 = arith.cmpi slt, %get3A_207, %lt3A_212 : vector<16xi32>
        %and3A_214 = arith.andi %ge3A_209, %lt3A_213 : vector<16xi1>
        %sub3A_215 = vector.broadcast %select_n3A_138 : i32 to vector<16xi32>
        %sub3A_216 = arith.subi %get3A_207, %sub3A_215 : vector<16xi32>
        %jit3A_217 = arith.constant 25000 : i32
        %broadcast_in_dim3A_218 = vector.broadcast %jit3A_217 : i32 to vector<16xi32>
        %select_n3A_219 = arith.select %and3A_214, %sub3A_216, %broadcast_in_dim3A_218 : vector<16xi1>, vector<16xi32>
        %swap3A_220 = arith.constant 0 : i32
        %swap3A_221 = arith.index_cast %swap3A_220 : i32 to index
        %swap3A_222 = arith.constant 48 : index
        %swap3A_223 = tpu.vector_load %arg8[%swap3A_221, %swap3A_222] {strides = array<i32>} : memref<8x128xi32, #tpu.memory_space<vmem>>, vector<1x16xi32>,
        %swap3A_224 = vector.shape_cast %swap3A_223 : vector<1x16xi32> to vector<16xi32>
        %swap3A_225 = vector.shape_cast %select_n3A_219 : vector<16xi32> to vector<1x16xi32>
        tpu.vector_store %arg8[%swap3A_221, %swap3A_222], %swap3A_225 {strides = array<i32>} : memref<8x128xi32, #tpu.memory_space<vmem>>, vector<1x16xi32>,
        %get3A_226 = arith.constant 0 : i32
        %get3A_227 = arith.index_cast %get3A_226 : i32 to index
        %get3A_228 = arith.constant 64 : index
        %get3A_229 = tpu.vector_load %arg8[%get3A_227, %get3A_228] {strides = array<i32>} : memref<8x128xi32, #tpu.memory_space<vmem>>, vector<1x16xi32>,
        %get3A_230 = vector.shape_cast %get3A_229 : vector<1x16xi32> to vector<16xi32>
        %ge3A_231 = vector.broadcast %select_n3A_138 : i32 to vector<16xi32>
        %ge3A_232 = arith.cmpi sge, %get3A_230, %ge3A_231 : vector<16xi32>
        %add3A_233 = arith.constant 25000 : i32
        %add3A_234 = arith.addi %select_n3A_138, %add3A_233 : i32
        %lt3A_235 = vector.broadcast %add3A_234 : i32 to vector<16xi32>
        %lt3A_236 = arith.cmpi slt, %get3A_230, %lt3A_235 : vector<16xi32>
        %and3A_237 = arith.andi %ge3A_232, %lt3A_236 : vector<16xi1>
        %sub3A_238 = vector.broadcast %select_n3A_138 : i32 to vector<16xi32>
        %sub3A_239 = arith.subi %get3A_230, %sub3A_238 : vector<16xi32>
        %jit3A_240 = arith.constant 25000 : i32
        %broadcast_in_dim3A_241 = vector.broadcast %jit3A_240 : i32 to vector<16xi32>
        %select_n3A_242 = arith.select %and3A_237, %sub3A_239, %broadcast_in_dim3A_241 : vector<16xi1>, vector<16xi32>
        %swap3A_243 = arith.constant 0 : i32
        %swap3A_244 = arith.index_cast %swap3A_243 : i32 to index
        %swap3A_245 = arith.constant 64 : index
        %swap3A_246 = tpu.vector_load %arg8[%swap3A_244, %swap3A_245] {strides = array<i32>} : memref<8x128xi32, #tpu.memory_space<vmem>>, vector<1x16xi32>,
        %swap3A_247 = vector.shape_cast %swap3A_246 : vector<1x16xi32> to vector<16xi32>
        %swap3A_248 = vector.shape_cast %select_n3A_242 : vector<16xi32> to vector<1x16xi32>
        tpu.vector_store %arg8[%swap3A_244, %swap3A_245], %swap3A_248 {strides = array<i32>} : memref<8x128xi32, #tpu.memory_space<vmem>>, vector<1x16xi32>,
        %get3A_249 = arith.constant 0 : i32
        %get3A_250 = arith.index_cast %get3A_249 : i32 to index
        %get3A_251 = arith.constant 80 : index
        %get3A_252 = tpu.vector_load %arg8[%get3A_250, %get3A_251] {strides = array<i32>} : memref<8x128xi32, #tpu.memory_space<vmem>>, vector<1x16xi32>,
        %get3A_253 = vector.shape_cast %get3A_252 : vector<1x16xi32> to vector<16xi32>
        %ge3A_254 = vector.broadcast %select_n3A_138 : i32 to vector<16xi32>
        %ge3A_255 = arith.cmpi sge, %get3A_253, %ge3A_254 : vector<16xi32>
        %add3A_256 = arith.constant 25000 : i32
        %add3A_257 = arith.addi %select_n3A_138, %add3A_256 : i32
        %lt3A_258 = vector.broadcast %add3A_257 : i32 to vector<16xi32>
        %lt3A_259 = arith.cmpi slt, %get3A_253, %lt3A_258 : vector<16xi32>
        %and3A_260 = arith.andi %ge3A_255, %lt3A_259 : vector<16xi1>
        %sub3A_261 = vector.broadcast %select_n3A_138 : i32 to vector<16xi32>
        %sub3A_262 = arith.subi %get3A_253, %sub3A_261 : vector<16xi32>
        %jit3A_263 = arith.constant 25000 : i32
        %broadcast_in_dim3A_264 = vector.broadcast %jit3A_263 : i32 to vector<16xi32>
        %select_n3A_265 = arith.select %and3A_260, %sub3A_262, %broadcast_in_dim3A_264 : vector<16xi1>, vector<16xi32>
        %swap3A_266 = arith.constant 0 : i32
        %swap3A_267 = arith.index_cast %swap3A_266 : i32 to index
        %swap3A_268 = arith.constant 80 : index
        %swap3A_269 = tpu.vector_load %arg8[%swap3A_267, %swap3A_268] {strides = array<i32>} : memref<8x128xi32, #tpu.memory_space<vmem>>, vector<1x16xi32>,
        %swap3A_270 = vector.shape_cast %swap3A_269 : vector<1x16xi32> to vector<16xi32>
        %swap3A_271 = vector.shape_cast %select_n3A_265 : vector<16xi32> to vector<1x16xi32>
        tpu.vector_store %arg8[%swap3A_267, %swap3A_268], %swap3A_271 {strides = array<i32>} : memref<8x128xi32, #tpu.memory_space<vmem>>, vector<1x16xi32>,
        %get3A_272 = arith.constant 0 : i32
        %get3A_273 = arith.index_cast %get3A_272 : i32 to index
        %get3A_274 = arith.constant 96 : index
        %get3A_275 = tpu.vector_load %arg8[%get3A_273, %get3A_274] {strides = array<i32>} : memref<8x128xi32, #tpu.memory_space<vmem>>, vector<1x16xi32>,
        %get3A_276 = vector.shape_cast %get3A_275 : vector<1x16xi32> to vector<16xi32>
        %ge3A_277 = vector.broadcast %select_n3A_138 : i32 to vector<16xi32>
        %ge3A_278 = arith.cmpi sge, %get3A_276, %ge3A_277 : vector<16xi32>
        %add3A_279 = arith.constant 25000 : i32
        %add3A_280 = arith.addi %select_n3A_138, %add3A_279 : i32
        %lt3A_281 = vector.broadcast %add3A_280 : i32 to vector<16xi32>
        %lt3A_282 = arith.cmpi slt, %get3A_276, %lt3A_281 : vector<16xi32>
        %and3A_283 = arith.andi %ge3A_278, %lt3A_282 : vector<16xi1>
        %sub3A_284 = vector.broadcast %select_n3A_138 : i32 to vector<16xi32>
        %sub3A_285 = arith.subi %get3A_276, %sub3A_284 : vector<16xi32>
        %jit3A_286 = arith.constant 25000 : i32
        %broadcast_in_dim3A_287 = vector.broadcast %jit3A_286 : i32 to vector<16xi32>
        %select_n3A_288 = arith.select %and3A_283, %sub3A_285, %broadcast_in_dim3A_287 : vector<16xi1>, vector<16xi32>
        %swap3A_289 = arith.constant 0 : i32
        %swap3A_290 = arith.index_cast %swap3A_289 : i32 to index
        %swap3A_291 = arith.constant 96 : index
        %swap3A_292 = tpu.vector_load %arg8[%swap3A_290, %swap3A_291] {strides = array<i32>} : memref<8x128xi32, #tpu.memory_space<vmem>>, vector<1x16xi32>,
        %swap3A_293 = vector.shape_cast %swap3A_292 : vector<1x16xi32> to vector<16xi32>
        %swap3A_294 = vector.shape_cast %select_n3A_288 : vector<16xi32> to vector<1x16xi32>
        tpu.vector_store %arg8[%swap3A_290, %swap3A_291], %swap3A_294 {strides = array<i32>} : memref<8x128xi32, #tpu.memory_space<vmem>>, vector<1x16xi32>,
        %get3A_295 = arith.constant 0 : i32
        %get3A_296 = arith.index_cast %get3A_295 : i32 to index
        %get3A_297 = arith.constant 112 : index
        %get3A_298 = tpu.vector_load %arg8[%get3A_296, %get3A_297] {strides = array<i32>} : memref<8x128xi32, #tpu.memory_space<vmem>>, vector<1x16xi32>,
        %get3A_299 = vector.shape_cast %get3A_298 : vector<1x16xi32> to vector<16xi32>
        %ge3A_300 = vector.broadcast %select_n3A_138 : i32 to vector<16xi32>
        %ge3A_301 = arith.cmpi sge, %get3A_299, %ge3A_300 : vector<16xi32>
        %add3A_302 = arith.constant 25000 : i32
        %add3A_303 = arith.addi %select_n3A_138, %add3A_302 : i32
        %lt3A_304 = vector.broadcast %add3A_303 : i32 to vector<16xi32>
        %lt3A_305 = arith.cmpi slt, %get3A_299, %lt3A_304 : vector<16xi32>
        %and3A_306 = arith.andi %ge3A_301, %lt3A_305 : vector<16xi1>
        %sub3A_307 = vector.broadcast %select_n3A_138 : i32 to vector<16xi32>
        %sub3A_308 = arith.subi %get3A_299, %sub3A_307 : vector<16xi32>
        %jit3A_309 = arith.constant 25000 : i32
        %broadcast_in_dim3A_310 = vector.broadcast %jit3A_309 : i32 to vector<16xi32>
        %select_n3A_311 = arith.select %and3A_306, %sub3A_308, %broadcast_in_dim3A_310 : vector<16xi1>, vector<16xi32>
        %swap3A_312 = arith.constant 0 : i32
        %swap3A_313 = arith.index_cast %swap3A_312 : i32 to index
        %swap3A_314 = arith.constant 112 : index
        %swap3A_315 = tpu.vector_load %arg8[%swap3A_313, %swap3A_314] {strides = array<i32>} : memref<8x128xi32, #tpu.memory_space<vmem>>, vector<1x16xi32>,
        %swap3A_316 = vector.shape_cast %swap3A_315 : vector<1x16xi32> to vector<16xi32>
        %swap3A_317 = vector.shape_cast %select_n3A_311 : vector<16xi32> to vector<1x16xi32>
        tpu.vector_store %arg8[%swap3A_313, %swap3A_314], %swap3A_317 {strides = array<i32>} : memref<8x128xi32, #tpu.memory_space<vmem>>, vector<1x16xi32>,
        %add3A_318 = arith.constant 1 : i32
        %add3A_319 = arith.addi %add3A_62, %add3A_318 : i32
        %lt3A_320 = arith.constant 6250 : i32
        %lt3A_321 = arith.cmpi slt, %add3A_319, %lt3A_320 : i32
        %jit3A_322 = arith.constant 50064 : i32
        %select_n3A_323 = arith.select %lt3A_321, %mul3A_0, %jit3A_322 : i32
        %get3A_324 = arith.constant 1 : i32
        %get3A_325 = arith.index_cast %get3A_324 : i32 to index
        %get3A_326 = arith.constant 0 : index
        %get3A_327 = tpu.vector_load %arg8[%get3A_325, %get3A_326] {strides = array<i32>} : memref<8x128xi32, #tpu.memory_space<vmem>>, vector<1x16xi32>,
        %get3A_328 = vector.shape_cast %get3A_327 : vector<1x16xi32> to vector<16xi32>
        %ge3A_329 = vector.broadcast %select_n3A_323 : i32 to vector<16xi32>
        %ge3A_330 = arith.cmpi sge, %get3A_328, %ge3A_329 : vector<16xi32>
        %add3A_331 = arith.constant 25000 : i32
        %add3A_332 = arith.addi %select_n3A_323, %add3A_331 : i32
        %lt3A_333 = vector.broadcast %add3A_332 : i32 to vector<16xi32>
        %lt3A_334 = arith.cmpi slt, %get3A_328, %lt3A_333 : vector<16xi32>
        %and3A_335 = arith.andi %ge3A_330, %lt3A_334 : vector<16xi1>
        %sub3A_336 = vector.broadcast %select_n3A_323 : i32 to vector<16xi32>
        %sub3A_337 = arith.subi %get3A_328, %sub3A_336 : vector<16xi32>
        %jit3A_338 = arith.constant 25000 : i32
        %broadcast_in_dim3A_339 = vector.broadcast %jit3A_338 : i32 to vector<16xi32>
        %select_n3A_340 = arith.select %and3A_335, %sub3A_337, %broadcast_in_dim3A_339 : vector<16xi1>, vector<16xi32>
        %swap3A_341 = arith.constant 1 : i32
        %swap3A_342 = arith.index_cast %swap3A_341 : i32 to index
        %swap3A_343 = arith.constant 0 : index
        %swap3A_344 = tpu.vector_load %arg8[%swap3A_342, %swap3A_343] {strides = array<i32>} : memref<8x128xi32, #tpu.memory_space<vmem>>, vector<1x16xi32>,
        %swap3A_345 = vector.shape_cast %swap3A_344 : vector<1x16xi32> to vector<16xi32>
        %swap3A_346 = vector.shape_cast %select_n3A_340 : vector<16xi32> to vector<1x16xi32>
        tpu.vector_store %arg8[%swap3A_342, %swap3A_343], %swap3A_346 {strides = array<i32>} : memref<8x128xi32, #tpu.memory_space<vmem>>, vector<1x16xi32>,
        %get3A_347 = arith.constant 1 : i32
        %get3A_348 = arith.index_cast %get3A_347 : i32 to index
        %get3A_349 = arith.constant 16 : index
        %get3A_350 = tpu.vector_load %arg8[%get3A_348, %get3A_349] {strides = array<i32>} : memref<8x128xi32, #tpu.memory_space<vmem>>, vector<1x16xi32>,
        %get3A_351 = vector.shape_cast %get3A_350 : vector<1x16xi32> to vector<16xi32>
        %ge3A_352 = vector.broadcast %select_n3A_323 : i32 to vector<16xi32>
        %ge3A_353 = arith.cmpi sge, %get3A_351, %ge3A_352 : vector<16xi32>
        %add3A_354 = arith.constant 25000 : i32
        %add3A_355 = arith.addi %select_n3A_323, %add3A_354 : i32
        %lt3A_356 = vector.broadcast %add3A_355 : i32 to vector<16xi32>
        %lt3A_357 = arith.cmpi slt, %get3A_351, %lt3A_356 : vector<16xi32>
        %and3A_358 = arith.andi %ge3A_353, %lt3A_357 : vector<16xi1>
        %sub3A_359 = vector.broadcast %select_n3A_323 : i32 to vector<16xi32>
        %sub3A_360 = arith.subi %get3A_351, %sub3A_359 : vector<16xi32>
        %jit3A_361 = arith.constant 25000 : i32
        %broadcast_in_dim3A_362 = vector.broadcast %jit3A_361 : i32 to vector<16xi32>
        %select_n3A_363 = arith.select %and3A_358, %sub3A_360, %broadcast_in_dim3A_362 : vector<16xi1>, vector<16xi32>
        %swap3A_364 = arith.constant 1 : i32
        %swap3A_365 = arith.index_cast %swap3A_364 : i32 to index
        %swap3A_366 = arith.constant 16 : index
        %swap3A_367 = tpu.vector_load %arg8[%swap3A_365, %swap3A_366] {strides = array<i32>} : memref<8x128xi32, #tpu.memory_space<vmem>>, vector<1x16xi32>,
        %swap3A_368 = vector.shape_cast %swap3A_367 : vector<1x16xi32> to vector<16xi32>
        %swap3A_369 = vector.shape_cast %select_n3A_363 : vector<16xi32> to vector<1x16xi32>
        tpu.vector_store %arg8[%swap3A_365, %swap3A_366], %swap3A_369 {strides = array<i32>} : memref<8x128xi32, #tpu.memory_space<vmem>>, vector<1x16xi32>,
        %get3A_370 = arith.constant 1 : i32
        %get3A_371 = arith.index_cast %get3A_370 : i32 to index
        %get3A_372 = arith.constant 32 : index
        %get3A_373 = tpu.vector_load %arg8[%get3A_371, %get3A_372] {strides = array<i32>} : memref<8x128xi32, #tpu.memory_space<vmem>>, vector<1x16xi32>,
        %get3A_374 = vector.shape_cast %get3A_373 : vector<1x16xi32> to vector<16xi32>
        %ge3A_375 = vector.broadcast %select_n3A_323 : i32 to vector<16xi32>
        %ge3A_376 = arith.cmpi sge, %get3A_374, %ge3A_375 : vector<16xi32>
        %add3A_377 = arith.constant 25000 : i32
        %add3A_378 = arith.addi %select_n3A_323, %add3A_377 : i32
        %lt3A_379 = vector.broadcast %add3A_378 : i32 to vector<16xi32>
        %lt3A_380 = arith.cmpi slt, %get3A_374, %lt3A_379 : vector<16xi32>
        %and3A_381 = arith.andi %ge3A_376, %lt3A_380 : vector<16xi1>
        %sub3A_382 = vector.broadcast %select_n3A_323 : i32 to vector<16xi32>
        %sub3A_383 = arith.subi %get3A_374, %sub3A_382 : vector<16xi32>
        %jit3A_384 = arith.constant 25000 : i32
        %broadcast_in_dim3A_385 = vector.broadcast %jit3A_384 : i32 to vector<16xi32>
        %select_n3A_386 = arith.select %and3A_381, %sub3A_383, %broadcast_in_dim3A_385 : vector<16xi1>, vector<16xi32>
        %swap3A_387 = arith.constant 1 : i32
        %swap3A_388 = arith.index_cast %swap3A_387 : i32 to index
        %swap3A_389 = arith.constant 32 : index
        %swap3A_390 = tpu.vector_load %arg8[%swap3A_388, %swap3A_389] {strides = array<i32>} : memref<8x128xi32, #tpu.memory_space<vmem>>, vector<1x16xi32>,
        %swap3A_391 = vector.shape_cast %swap3A_390 : vector<1x16xi32> to vector<16xi32>
        %swap3A_392 = vector.shape_cast %select_n3A_386 : vector<16xi32> to vector<1x16xi32>
        tpu.vector_store %arg8[%swap3A_388, %swap3A_389], %swap3A_392 {strides = array<i32>} : memref<8x128xi32, #tpu.memory_space<vmem>>, vector<1x16xi32>,
        %get3A_393 = arith.constant 1 : i32
        %get3A_394 = arith.index_cast %get3A_393 : i32 to index
        %get3A_395 = arith.constant 48 : index
        %get3A_396 = tpu.vector_load %arg8[%get3A_394, %get3A_395] {strides = array<i32>} : memref<8x128xi32, #tpu.memory_space<vmem>>, vector<1x16xi32>,
        %get3A_397 = vector.shape_cast %get3A_396 : vector<1x16xi32> to vector<16xi32>
        %ge3A_398 = vector.broadcast %select_n3A_323 : i32 to vector<16xi32>
        %ge3A_399 = arith.cmpi sge, %get3A_397, %ge3A_398 : vector<16xi32>
        %add3A_400 = arith.constant 25000 : i32
        %add3A_401 = arith.addi %select_n3A_323, %add3A_400 : i32
        %lt3A_402 = vector.broadcast %add3A_401 : i32 to vector<16xi32>
        %lt3A_403 = arith.cmpi slt, %get3A_397, %lt3A_402 : vector<16xi32>
        %and3A_404 = arith.andi %ge3A_399, %lt3A_403 : vector<16xi1>
        %sub3A_405 = vector.broadcast %select_n3A_323 : i32 to vector<16xi32>
        %sub3A_406 = arith.subi %get3A_397, %sub3A_405 : vector<16xi32>
        %jit3A_407 = arith.constant 25000 : i32
        %broadcast_in_dim3A_408 = vector.broadcast %jit3A_407 : i32 to vector<16xi32>
        %select_n3A_409 = arith.select %and3A_404, %sub3A_406, %broadcast_in_dim3A_408 : vector<16xi1>, vector<16xi32>
        %swap3A_410 = arith.constant 1 : i32
        %swap3A_411 = arith.index_cast %swap3A_410 : i32 to index
        %swap3A_412 = arith.constant 48 : index
        %swap3A_413 = tpu.vector_load %arg8[%swap3A_411, %swap3A_412] {strides = array<i32>} : memref<8x128xi32, #tpu.memory_space<vmem>>, vector<1x16xi32>,
        %swap3A_414 = vector.shape_cast %swap3A_413 : vector<1x16xi32> to vector<16xi32>
        %swap3A_415 = vector.shape_cast %select_n3A_409 : vector<16xi32> to vector<1x16xi32>
        tpu.vector_store %arg8[%swap3A_411, %swap3A_412], %swap3A_415 {strides = array<i32>} : memref<8x128xi32, #tpu.memory_space<vmem>>, vector<1x16xi32>,
        %get3A_416 = arith.constant 1 : i32
        %get3A_417 = arith.index_cast %get3A_416 : i32 to index
        %get3A_418 = arith.constant 64 : index
        %get3A_419 = tpu.vector_load %arg8[%get3A_417, %get3A_418] {strides = array<i32>} : memref<8x128xi32, #tpu.memory_space<vmem>>, vector<1x16xi32>,
        %get3A_420 = vector.shape_cast %get3A_419 : vector<1x16xi32> to vector<16xi32>
        %ge3A_421 = vector.broadcast %select_n3A_323 : i32 to vector<16xi32>
        %ge3A_422 = arith.cmpi sge, %get3A_420, %ge3A_421 : vector<16xi32>
        %add3A_423 = arith.constant 25000 : i32
        %add3A_424 = arith.addi %select_n3A_323, %add3A_423 : i32
        %lt3A_425 = vector.broadcast %add3A_424 : i32 to vector<16xi32>
        %lt3A_426 = arith.cmpi slt, %get3A_420, %lt3A_425 : vector<16xi32>
        %and3A_427 = arith.andi %ge3A_422, %lt3A_426 : vector<16xi1>
        %sub3A_428 = vector.broadcast %select_n3A_323 : i32 to vector<16xi32>
        %sub3A_429 = arith.subi %get3A_420, %sub3A_428 : vector<16xi32>
        %jit3A_430 = arith.constant 25000 : i32
        %broadcast_in_dim3A_431 = vector.broadcast %jit3A_430 : i32 to vector<16xi32>
        %select_n3A_432 = arith.select %and3A_427, %sub3A_429, %broadcast_in_dim3A_431 : vector<16xi1>, vector<16xi32>
        %swap3A_433 = arith.constant 1 : i32
        %swap3A_434 = arith.index_cast %swap3A_433 : i32 to index
        %swap3A_435 = arith.constant 64 : index
        %swap3A_436 = tpu.vector_load %arg8[%swap3A_434, %swap3A_435] {strides = array<i32>} : memref<8x128xi32, #tpu.memory_space<vmem>>, vector<1x16xi32>,
        %swap3A_437 = vector.shape_cast %swap3A_436 : vector<1x16xi32> to vector<16xi32>
        %swap3A_438 = vector.shape_cast %select_n3A_432 : vector<16xi32> to vector<1x16xi32>
        tpu.vector_store %arg8[%swap3A_434, %swap3A_435], %swap3A_438 {strides = array<i32>} : memref<8x128xi32, #tpu.memory_space<vmem>>, vector<1x16xi32>,
        %get3A_439 = arith.constant 1 : i32
        %get3A_440 = arith.index_cast %get3A_439 : i32 to index
        %get3A_441 = arith.constant 80 : index
        %get3A_442 = tpu.vector_load %arg8[%get3A_440, %get3A_441] {strides = array<i32>} : memref<8x128xi32, #tpu.memory_space<vmem>>, vector<1x16xi32>,
        %get3A_443 = vector.shape_cast %get3A_442 : vector<1x16xi32> to vector<16xi32>
        %ge3A_444 = vector.broadcast %select_n3A_323 : i32 to vector<16xi32>
        %ge3A_445 = arith.cmpi sge, %get3A_443, %ge3A_444 : vector<16xi32>
        %add3A_446 = arith.constant 25000 : i32
        %add3A_447 = arith.addi %select_n3A_323, %add3A_446 : i32
        %lt3A_448 = vector.broadcast %add3A_447 : i32 to vector<16xi32>
        %lt3A_449 = arith.cmpi slt, %get3A_443, %lt3A_448 : vector<16xi32>
        %and3A_450 = arith.andi %ge3A_445, %lt3A_449 : vector<16xi1>
        %sub3A_451 = vector.broadcast %select_n3A_323 : i32 to vector<16xi32>
        %sub3A_452 = arith.subi %get3A_443, %sub3A_451 : vector<16xi32>
        %jit3A_453 = arith.constant 25000 : i32
        %broadcast_in_dim3A_454 = vector.broadcast %jit3A_453 : i32 to vector<16xi32>
        %select_n3A_455 = arith.select %and3A_450, %sub3A_452, %broadcast_in_dim3A_454 : vector<16xi1>, vector<16xi32>
        %swap3A_456 = arith.constant 1 : i32
        %swap3A_457 = arith.index_cast %swap3A_456 : i32 to index
        %swap3A_458 = arith.constant 80 : index
        %swap3A_459 = tpu.vector_load %arg8[%swap3A_457, %swap3A_458] {strides = array<i32>} : memref<8x128xi32, #tpu.memory_space<vmem>>, vector<1x16xi32>,
        %swap3A_460 = vector.shape_cast %swap3A_459 : vector<1x16xi32> to vector<16xi32>
        %swap3A_461 = vector.shape_cast %select_n3A_455 : vector<16xi32> to vector<1x16xi32>
        tpu.vector_store %arg8[%swap3A_457, %swap3A_458], %swap3A_461 {strides = array<i32>} : memref<8x128xi32, #tpu.memory_space<vmem>>, vector<1x16xi32>,
        %get3A_462 = arith.constant 1 : i32
        %get3A_463 = arith.index_cast %get3A_462 : i32 to index
        %get3A_464 = arith.constant 96 : index
        %get3A_465 = tpu.vector_load %arg8[%get3A_463, %get3A_464] {strides = array<i32>} : memref<8x128xi32, #tpu.memory_space<vmem>>, vector<1x16xi32>,
        %get3A_466 = vector.shape_cast %get3A_465 : vector<1x16xi32> to vector<16xi32>
        %ge3A_467 = vector.broadcast %select_n3A_323 : i32 to vector<16xi32>
        %ge3A_468 = arith.cmpi sge, %get3A_466, %ge3A_467 : vector<16xi32>
        %add3A_469 = arith.constant 25000 : i32
        %add3A_470 = arith.addi %select_n3A_323, %add3A_469 : i32
        %lt3A_471 = vector.broadcast %add3A_470 : i32 to vector<16xi32>
        %lt3A_472 = arith.cmpi slt, %get3A_466, %lt3A_471 : vector<16xi32>
        %and3A_473 = arith.andi %ge3A_468, %lt3A_472 : vector<16xi1>
        %sub3A_474 = vector.broadcast %select_n3A_323 : i32 to vector<16xi32>
        %sub3A_475 = arith.subi %get3A_466, %sub3A_474 : vector<16xi32>
        %jit3A_476 = arith.constant 25000 : i32
        %broadcast_in_dim3A_477 = vector.broadcast %jit3A_476 : i32 to vector<16xi32>
        %select_n3A_478 = arith.select %and3A_473, %sub3A_475, %broadcast_in_dim3A_477 : vector<16xi1>, vector<16xi32>
        %swap3A_479 = arith.constant 1 : i32
        %swap3A_480 = arith.index_cast %swap3A_479 : i32 to index
        %swap3A_481 = arith.constant 96 : index
        %swap3A_482 = tpu.vector_load %arg8[%swap3A_480, %swap3A_481] {strides = array<i32>} : memref<8x128xi32, #tpu.memory_space<vmem>>, vector<1x16xi32>,
        %swap3A_483 = vector.shape_cast %swap3A_482 : vector<1x16xi32> to vector<16xi32>
        %swap3A_484 = vector.shape_cast %select_n3A_478 : vector<16xi32> to vector<1x16xi32>
        tpu.vector_store %arg8[%swap3A_480, %swap3A_481], %swap3A_484 {strides = array<i32>} : memref<8x128xi32, #tpu.memory_space<vmem>>, vector<1x16xi32>,
        %get3A_485 = arith.constant 1 : i32
        %get3A_486 = arith.index_cast %get3A_485 : i32 to index
        %get3A_487 = arith.constant 112 : index
        %get3A_488 = tpu.vector_load %arg8[%get3A_486, %get3A_487] {strides = array<i32>} : memref<8x128xi32, #tpu.memory_space<vmem>>, vector<1x16xi32>,
        %get3A_489 = vector.shape_cast %get3A_488 : vector<1x16xi32> to vector<16xi32>
        %ge3A_490 = vector.broadcast %select_n3A_323 : i32 to vector<16xi32>
        %ge3A_491 = arith.cmpi sge, %get3A_489, %ge3A_490 : vector<16xi32>
        %add3A_492 = arith.constant 25000 : i32
        %add3A_493 = arith.addi %select_n3A_323, %add3A_492 : i32
        %lt3A_494 = vector.broadcast %add3A_493 : i32 to vector<16xi32>
        %lt3A_495 = arith.cmpi slt, %get3A_489, %lt3A_494 : vector<16xi32>
        %and3A_496 = arith.andi %ge3A_491, %lt3A_495 : vector<16xi1>
        %sub3A_497 = vector.broadcast %select_n3A_323 : i32 to vector<16xi32>
        %sub3A_498 = arith.subi %get3A_489, %sub3A_497 : vector<16xi32>
        %jit3A_499 = arith.constant 25000 : i32
        %broadcast_in_dim3A_500 = vector.broadcast %jit3A_499 : i32 to vector<16xi32>
        %select_n3A_501 = arith.select %and3A_496, %sub3A_498, %broadcast_in_dim3A_500 : vector<16xi1>, vector<16xi32>
        %swap3A_502 = arith.constant 1 : i32
        %swap3A_503 = arith.index_cast %swap3A_502 : i32 to index
        %swap3A_504 = arith.constant 112 : index
        %swap3A_505 = tpu.vector_load %arg8[%swap3A_503, %swap3A_504] {strides = array<i32>} : memref<8x128xi32, #tpu.memory_space<vmem>>, vector<1x16xi32>,
        %swap3A_506 = vector.shape_cast %swap3A_505 : vector<1x16xi32> to vector<16xi32>
        %swap3A_507 = vector.shape_cast %select_n3A_501 : vector<16xi32> to vector<1x16xi32>
        tpu.vector_store %arg8[%swap3A_503, %swap3A_504], %swap3A_507 {strides = array<i32>} : memref<8x128xi32, #tpu.memory_space<vmem>>, vector<1x16xi32>,
        %add3A_508 = arith.constant 2 : i32
        %add3A_509 = arith.addi %add3A_62, %add3A_508 : i32
        %lt3A_510 = arith.constant 6250 : i32
        %lt3A_511 = arith.cmpi slt, %add3A_509, %lt3A_510 : i32
        %jit3A_512 = arith.constant 50064 : i32
        %select_n3A_513 = arith.select %lt3A_511, %mul3A_0, %jit3A_512 : i32
        %get3A_514 = arith.constant 2 : i32
        %get3A_515 = arith.index_cast %get3A_514 : i32 to index
        %get3A_516 = arith.constant 0 : index
        %get3A_517 = tpu.vector_load %arg8[%get3A_515, %get3A_516] {strides = array<i32>} : memref<8x128xi32, #tpu.memory_space<vmem>>, vector<1x16xi32>,
        %get3A_518 = vector.shape_cast %get3A_517 : vector<1x16xi32> to vector<16xi32>
        %ge3A_519 = vector.broadcast %select_n3A_513 : i32 to vector<16xi32>
        %ge3A_520 = arith.cmpi sge, %get3A_518, %ge3A_519 : vector<16xi32>
        %add3A_521 = arith.constant 25000 : i32
        %add3A_522 = arith.addi %select_n3A_513, %add3A_521 : i32
        %lt3A_523 = vector.broadcast %add3A_522 : i32 to vector<16xi32>
        %lt3A_524 = arith.cmpi slt, %get3A_518, %lt3A_523 : vector<16xi32>
        %and3A_525 = arith.andi %ge3A_520, %lt3A_524 : vector<16xi1>
        %sub3A_526 = vector.broadcast %select_n3A_513 : i32 to vector<16xi32>
        %sub3A_527 = arith.subi %get3A_518, %sub3A_526 : vector<16xi32>
        %jit3A_528 = arith.constant 25000 : i32
        %broadcast_in_dim3A_529 = vector.broadcast %jit3A_528 : i32 to vector<16xi32>
        %select_n3A_530 = arith.select %and3A_525, %sub3A_527, %broadcast_in_dim3A_529 : vector<16xi1>, vector<16xi32>
        %swap3A_531 = arith.constant 2 : i32
        %swap3A_532 = arith.index_cast %swap3A_531 : i32 to index
        %swap3A_533 = arith.constant 0 : index
        %swap3A_534 = tpu.vector_load %arg8[%swap3A_532, %swap3A_533] {strides = array<i32>} : memref<8x128xi32, #tpu.memory_space<vmem>>, vector<1x16xi32>,
        %swap3A_535 = vector.shape_cast %swap3A_534 : vector<1x16xi32> to vector<16xi32>
        %swap3A_536 = vector.shape_cast %select_n3A_530 : vector<16xi32> to vector<1x16xi32>
        tpu.vector_store %arg8[%swap3A_532, %swap3A_533], %swap3A_536 {strides = array<i32>} : memref<8x128xi32, #tpu.memory_space<vmem>>, vector<1x16xi32>,
        %get3A_537 = arith.constant 2 : i32
        %get3A_538 = arith.index_cast %get3A_537 : i32 to index
        %get3A_539 = arith.constant 16 : index
        %get3A_540 = tpu.vector_load %arg8[%get3A_538, %get3A_539] {strides = array<i32>} : memref<8x128xi32, #tpu.memory_space<vmem>>, vector<1x16xi32>,
        %get3A_541 = vector.shape_cast %get3A_540 : vector<1x16xi32> to vector<16xi32>
        %ge3A_542 = vector.broadcast %select_n3A_513 : i32 to vector<16xi32>
        %ge3A_543 = arith.cmpi sge, %get3A_541, %ge3A_542 : vector<16xi32>
        %add3A_544 = arith.constant 25000 : i32
        %add3A_545 = arith.addi %select_n3A_513, %add3A_544 : i32
        %lt3A_546 = vector.broadcast %add3A_545 : i32 to vector<16xi32>
        %lt3A_547 = arith.cmpi slt, %get3A_541, %lt3A_546 : vector<16xi32>
        %and3A_548 = arith.andi %ge3A_543, %lt3A_547 : vector<16xi1>
        %sub3A_549 = vector.broadcast %select_n3A_513 : i32 to vector<16xi32>
        %sub3A_550 = arith.subi %get3A_541, %sub3A_549 : vector<16xi32>
        %jit3A_551 = arith.constant 25000 : i32
        %broadcast_in_dim3A_552 = vector.broadcast %jit3A_551 : i32 to vector<16xi32>
        %select_n3A_553 = arith.select %and3A_548, %sub3A_550, %broadcast_in_dim3A_552 : vector<16xi1>, vector<16xi32>
        %swap3A_554 = arith.constant 2 : i32
        %swap3A_555 = arith.index_cast %swap3A_554 : i32 to index
        %swap3A_556 = arith.constant 16 : index
        %swap3A_557 = tpu.vector_load %arg8[%swap3A_555, %swap3A_556] {strides = array<i32>} : memref<8x128xi32, #tpu.memory_space<vmem>>, vector<1x16xi32>,
        %swap3A_558 = vector.shape_cast %swap3A_557 : vector<1x16xi32> to vector<16xi32>
        %swap3A_559 = vector.shape_cast %select_n3A_553 : vector<16xi32> to vector<1x16xi32>
        tpu.vector_store %arg8[%swap3A_555, %swap3A_556], %swap3A_559 {strides = array<i32>} : memref<8x128xi32, #tpu.memory_space<vmem>>, vector<1x16xi32>,
        %get3A_560 = arith.constant 2 : i32
        %get3A_561 = arith.index_cast %get3A_560 : i32 to index
        %get3A_562 = arith.constant 32 : index
        %get3A_563 = tpu.vector_load %arg8[%get3A_561, %get3A_562] {strides = array<i32>} : memref<8x128xi32, #tpu.memory_space<vmem>>, vector<1x16xi32>,
        %get3A_564 = vector.shape_cast %get3A_563 : vector<1x16xi32> to vector<16xi32>
        %ge3A_565 = vector.broadcast %select_n3A_513 : i32 to vector<16xi32>
        %ge3A_566 = arith.cmpi sge, %get3A_564, %ge3A_565 : vector<16xi32>
        %add3A_567 = arith.constant 25000 : i32
        %add3A_568 = arith.addi %select_n3A_513, %add3A_567 : i32
        %lt3A_569 = vector.broadcast %add3A_568 : i32 to vector<16xi32>
        %lt3A_570 = arith.cmpi slt, %get3A_564, %lt3A_569 : vector<16xi32>
        %and3A_571 = arith.andi %ge3A_566, %lt3A_570 : vector<16xi1>
        %sub3A_572 = vector.broadcast %select_n3A_513 : i32 to vector<16xi32>
        %sub3A_573 = arith.subi %get3A_564, %sub3A_572 : vector<16xi32>
        %jit3A_574 = arith.constant 25000 : i32
        %broadcast_in_dim3A_575 = vector.broadcast %jit3A_574 : i32 to vector<16xi32>
        %select_n3A_576 = arith.select %and3A_571, %sub3A_573, %broadcast_in_dim3A_575 : vector<16xi1>, vector<16xi32>
        %swap3A_577 = arith.constant 2 : i32
        %swap3A_578 = arith.index_cast %swap3A_577 : i32 to index
        %swap3A_579 = arith.constant 32 : index
        %swap3A_580 = tpu.vector_load %arg8[%swap3A_578, %swap3A_579] {strides = array<i32>} : memref<8x128xi32, #tpu.memory_space<vmem>>, vector<1x16xi32>,
        %swap3A_581 = vector.shape_cast %swap3A_580 : vector<1x16xi32> to vector<16xi32>
        %swap3A_582 = vector.shape_cast %select_n3A_576 : vector<16xi32> to vector<1x16xi32>
        tpu.vector_store %arg8[%swap3A_578, %swap3A_579], %swap3A_582 {strides = array<i32>} : memref<8x128xi32, #tpu.memory_space<vmem>>, vector<1x16xi32>,
        %get3A_583 = arith.constant 2 : i32
        %get3A_584 = arith.index_cast %get3A_583 : i32 to index
        %get3A_585 = arith.constant 48 : index
        %get3A_586 = tpu.vector_load %arg8[%get3A_584, %get3A_585] {strides = array<i32>} : memref<8x128xi32, #tpu.memory_space<vmem>>, vector<1x16xi32>,
        %get3A_587 = vector.shape_cast %get3A_586 : vector<1x16xi32> to vector<16xi32>
        %ge3A_588 = vector.broadcast %select_n3A_513 : i32 to vector<16xi32>
        %ge3A_589 = arith.cmpi sge, %get3A_587, %ge3A_588 : vector<16xi32>
        %add3A_590 = arith.constant 25000 : i32
        %add3A_591 = arith.addi %select_n3A_513, %add3A_590 : i32
        %lt3A_592 = vector.broadcast %add3A_591 : i32 to vector<16xi32>
        %lt3A_593 = arith.cmpi slt, %get3A_587, %lt3A_592 : vector<16xi32>
        %and3A_594 = arith.andi %ge3A_589, %lt3A_593 : vector<16xi1>
        %sub3A_595 = vector.broadcast %select_n3A_513 : i32 to vector<16xi32>
        %sub3A_596 = arith.subi %get3A_587, %sub3A_595 : vector<16xi32>
        %jit3A_597 = arith.constant 25000 : i32
        %broadcast_in_dim3A_598 = vector.broadcast %jit3A_597 : i32 to vector<16xi32>
        %select_n3A_599 = arith.select %and3A_594, %sub3A_596, %broadcast_in_dim3A_598 : vector<16xi1>, vector<16xi32>
        %swap3A_600 = arith.constant 2 : i32
        %swap3A_601 = arith.index_cast %swap3A_600 : i32 to index
        %swap3A_602 = arith.constant 48 : index
        %swap3A_603 = tpu.vector_load %arg8[%swap3A_601, %swap3A_602] {strides = array<i32>} : memref<8x128xi32, #tpu.memory_space<vmem>>, vector<1x16xi32>,
        %swap3A_604 = vector.shape_cast %swap3A_603 : vector<1x16xi32> to vector<16xi32>
        %swap3A_605 = vector.shape_cast %select_n3A_599 : vector<16xi32> to vector<1x16xi32>
        tpu.vector_store %arg8[%swap3A_601, %swap3A_602], %swap3A_605 {strides = array<i32>} : memref<8x128xi32, #tpu.memory_space<vmem>>, vector<1x16xi32>,
        %get3A_606 = arith.constant 2 : i32
        %get3A_607 = arith.index_cast %get3A_606 : i32 to index
        %get3A_608 = arith.constant 64 : index
        %get3A_609 = tpu.vector_load %arg8[%get3A_607, %get3A_608] {strides = array<i32>} : memref<8x128xi32, #tpu.memory_space<vmem>>, vector<1x16xi32>,
        %get3A_610 = vector.shape_cast %get3A_609 : vector<1x16xi32> to vector<16xi32>
        %ge3A_611 = vector.broadcast %select_n3A_513 : i32 to vector<16xi32>
        %ge3A_612 = arith.cmpi sge, %get3A_610, %ge3A_611 : vector<16xi32>
        %add3A_613 = arith.constant 25000 : i32
        %add3A_614 = arith.addi %select_n3A_513, %add3A_613 : i32
        %lt3A_615 = vector.broadcast %add3A_614 : i32 to vector<16xi32>
        %lt3A_616 = arith.cmpi slt, %get3A_610, %lt3A_615 : vector<16xi32>
        %and3A_617 = arith.andi %ge3A_612, %lt3A_616 : vector<16xi1>
        %sub3A_618 = vector.broadcast %select_n3A_513 : i32 to vector<16xi32>
        %sub3A_619 = arith.subi %get3A_610, %sub3A_618 : vector<16xi32>
        %jit3A_620 = arith.constant 25000 : i32
        %broadcast_in_dim3A_621 = vector.broadcast %jit3A_620 : i32 to vector<16xi32>
        %select_n3A_622 = arith.select %and3A_617, %sub3A_619, %broadcast_in_dim3A_621 : vector<16xi1>, vector<16xi32>
        %swap3A_623 = arith.constant 2 : i32
        %swap3A_624 = arith.index_cast %swap3A_623 : i32 to index
        %swap3A_625 = arith.constant 64 : index
        %swap3A_626 = tpu.vector_load %arg8[%swap3A_624, %swap3A_625] {strides = array<i32>} : memref<8x128xi32, #tpu.memory_space<vmem>>, vector<1x16xi32>,
        %swap3A_627 = vector.shape_cast %swap3A_626 : vector<1x16xi32> to vector<16xi32>
        %swap3A_628 = vector.shape_cast %select_n3A_622 : vector<16xi32> to vector<1x16xi32>
        tpu.vector_store %arg8[%swap3A_624, %swap3A_625], %swap3A_628 {strides = array<i32>} : memref<8x128xi32, #tpu.memory_space<vmem>>, vector<1x16xi32>,
        %get3A_629 = arith.constant 2 : i32
        %get3A_630 = arith.index_cast %get3A_629 : i32 to index
        %get3A_631 = arith.constant 80 : index
        %get3A_632 = tpu.vector_load %arg8[%get3A_630, %get3A_631] {strides = array<i32>} : memref<8x128xi32, #tpu.memory_space<vmem>>, vector<1x16xi32>,
        %get3A_633 = vector.shape_cast %get3A_632 : vector<1x16xi32> to vector<16xi32>
        %ge3A_634 = vector.broadcast %select_n3A_513 : i32 to vector<16xi32>
        %ge3A_635 = arith.cmpi sge, %get3A_633, %ge3A_634 : vector<16xi32>
        %add3A_636 = arith.constant 25000 : i32
        %add3A_637 = arith.addi %select_n3A_513, %add3A_636 : i32
        %lt3A_638 = vector.broadcast %add3A_637 : i32 to vector<16xi32>
        %lt3A_639 = arith.cmpi slt, %get3A_633, %lt3A_638 : vector<16xi32>
        %and3A_640 = arith.andi %ge3A_635, %lt3A_639 : vector<16xi1>
        %sub3A_641 = vector.broadcast %select_n3A_513 : i32 to vector<16xi32>
        %sub3A_642 = arith.subi %get3A_633, %sub3A_641 : vector<16xi32>
        %jit3A_643 = arith.constant 25000 : i32
        %broadcast_in_dim3A_644 = vector.broadcast %jit3A_643 : i32 to vector<16xi32>
        %select_n3A_645 = arith.select %and3A_640, %sub3A_642, %broadcast_in_dim3A_644 : vector<16xi1>, vector<16xi32>
        %swap3A_646 = arith.constant 2 : i32
        %swap3A_647 = arith.index_cast %swap3A_646 : i32 to index
        %swap3A_648 = arith.constant 80 : index
        %swap3A_649 = tpu.vector_load %arg8[%swap3A_647, %swap3A_648] {strides = array<i32>} : memref<8x128xi32, #tpu.memory_space<vmem>>, vector<1x16xi32>,
        %swap3A_650 = vector.shape_cast %swap3A_649 : vector<1x16xi32> to vector<16xi32>
        %swap3A_651 = vector.shape_cast %select_n3A_645 : vector<16xi32> to vector<1x16xi32>
        tpu.vector_store %arg8[%swap3A_647, %swap3A_648], %swap3A_651 {strides = array<i32>} : memref<8x128xi32, #tpu.memory_space<vmem>>, vector<1x16xi32>,
        %get3A_652 = arith.constant 2 : i32
        %get3A_653 = arith.index_cast %get3A_652 : i32 to index
        %get3A_654 = arith.constant 96 : index
        %get3A_655 = tpu.vector_load %arg8[%get3A_653, %get3A_654] {strides = array<i32>} : memref<8x128xi32, #tpu.memory_space<vmem>>, vector<1x16xi32>,
        %get3A_656 = vector.shape_cast %get3A_655 : vector<1x16xi32> to vector<16xi32>
        %ge3A_657 = vector.broadcast %select_n3A_513 : i32 to vector<16xi32>
        %ge3A_658 = arith.cmpi sge, %get3A_656, %ge3A_657 : vector<16xi32>
        %add3A_659 = arith.constant 25000 : i32
        %add3A_660 = arith.addi %select_n3A_513, %add3A_659 : i32
        %lt3A_661 = vector.broadcast %add3A_660 : i32 to vector<16xi32>
        %lt3A_662 = arith.cmpi slt, %get3A_656, %lt3A_661 : vector<16xi32>
        %and3A_663 = arith.andi %ge3A_658, %lt3A_662 : vector<16xi1>
        %sub3A_664 = vector.broadcast %select_n3A_513 : i32 to vector<16xi32>
        %sub3A_665 = arith.subi %get3A_656, %sub3A_664 : vector<16xi32>
        %jit3A_666 = arith.constant 25000 : i32
        %broadcast_in_dim3A_667 = vector.broadcast %jit3A_666 : i32 to vector<16xi32>
        %select_n3A_668 = arith.select %and3A_663, %sub3A_665, %broadcast_in_dim3A_667 : vector<16xi1>, vector<16xi32>
        %swap3A_669 = arith.constant 2 : i32
        %swap3A_670 = arith.index_cast %swap3A_669 : i32 to index
        %swap3A_671 = arith.constant 96 : index
        %swap3A_672 = tpu.vector_load %arg8[%swap3A_670, %swap3A_671] {strides = array<i32>} : memref<8x128xi32, #tpu.memory_space<vmem>>, vector<1x16xi32>,
        %swap3A_673 = vector.shape_cast %swap3A_672 : vector<1x16xi32> to vector<16xi32>
        %swap3A_674 = vector.shape_cast %select_n3A_668 : vector<16xi32> to vector<1x16xi32>
        tpu.vector_store %arg8[%swap3A_670, %swap3A_671], %swap3A_674 {strides = array<i32>} : memref<8x128xi32, #tpu.memory_space<vmem>>, vector<1x16xi32>,
        %get3A_675 = arith.constant 2 : i32
        %get3A_676 = arith.index_cast %get3A_675 : i32 to index
        %get3A_677 = arith.constant 112 : index
        %get3A_678 = tpu.vector_load %arg8[%get3A_676, %get3A_677] {strides = array<i32>} : memref<8x128xi32, #tpu.memory_space<vmem>>, vector<1x16xi32>,
        %get3A_679 = vector.shape_cast %get3A_678 : vector<1x16xi32> to vector<16xi32>
        %ge3A_680 = vector.broadcast %select_n3A_513 : i32 to vector<16xi32>
        %ge3A_681 = arith.cmpi sge, %get3A_679, %ge3A_680 : vector<16xi32>
        %add3A_682 = arith.constant 25000 : i32
        %add3A_683 = arith.addi %select_n3A_513, %add3A_682 : i32
        %lt3A_684 = vector.broadcast %add3A_683 : i32 to vector<16xi32>
        %lt3A_685 = arith.cmpi slt, %get3A_679, %lt3A_684 : vector<16xi32>
        %and3A_686 = arith.andi %ge3A_681, %lt3A_685 : vector<16xi1>
        %sub3A_687 = vector.broadcast %select_n3A_513 : i32 to vector<16xi32>
        %sub3A_688 = arith.subi %get3A_679, %sub3A_687 : vector<16xi32>
        %jit3A_689 = arith.constant 25000 : i32
        %broadcast_in_dim3A_690 = vector.broadcast %jit3A_689 : i32 to vector<16xi32>
        %select_n3A_691 = arith.select %and3A_686, %sub3A_688, %broadcast_in_dim3A_690 : vector<16xi1>, vector<16xi32>
        %swap3A_692 = arith.constant 2 : i32
        %swap3A_693 = arith.index_cast %swap3A_692 : i32 to index
        %swap3A_694 = arith.constant 112 : index
        %swap3A_695 = tpu.vector_load %arg8[%swap3A_693, %swap3A_694] {strides = array<i32>} : memref<8x128xi32, #tpu.memory_space<vmem>>, vector<1x16xi32>,
        %swap3A_696 = vector.shape_cast %swap3A_695 : vector<1x16xi32> to vector<16xi32>
        %swap3A_697 = vector.shape_cast %select_n3A_691 : vector<16xi32> to vector<1x16xi32>
        tpu.vector_store %arg8[%swap3A_693, %swap3A_694], %swap3A_697 {strides = array<i32>} : memref<8x128xi32, #tpu.memory_space<vmem>>, vector<1x16xi32>,
        %add3A_698 = arith.constant 3 : i32
        %add3A_699 = arith.addi %add3A_62, %add3A_698 : i32
        %lt3A_700 = arith.constant 6250 : i32
        %lt3A_701 = arith.cmpi slt, %add3A_699, %lt3A_700 : i32
        %jit3A_702 = arith.constant 50064 : i32
        %select_n3A_703 = arith.select %lt3A_701, %mul3A_0, %jit3A_702 : i32
        %get3A_704 = arith.constant 3 : i32
        %get3A_705 = arith.index_cast %get3A_704 : i32 to index
        %get3A_706 = arith.constant 0 : index
        %get3A_707 = tpu.vector_load %arg8[%get3A_705, %get3A_706] {strides = array<i32>} : memref<8x128xi32, #tpu.memory_space<vmem>>, vector<1x16xi32>,
        %get3A_708 = vector.shape_cast %get3A_707 : vector<1x16xi32> to vector<16xi32>
        %ge3A_709 = vector.broadcast %select_n3A_703 : i32 to vector<16xi32>
        %ge3A_710 = arith.cmpi sge, %get3A_708, %ge3A_709 : vector<16xi32>
        %add3A_711 = arith.constant 25000 : i32
        %add3A_712 = arith.addi %select_n3A_703, %add3A_711 : i32
        %lt3A_713 = vector.broadcast %add3A_712 : i32 to vector<16xi32>
        %lt3A_714 = arith.cmpi slt, %get3A_708, %lt3A_713 : vector<16xi32>
        %and3A_715 = arith.andi %ge3A_710, %lt3A_714 : vector<16xi1>
        %sub3A_716 = vector.broadcast %select_n3A_703 : i32 to vector<16xi32>
        %sub3A_717 = arith.subi %get3A_708, %sub3A_716 : vector<16xi32>
        %jit3A_718 = arith.constant 25000 : i32
        %broadcast_in_dim3A_719 = vector.broadcast %jit3A_718 : i32 to vector<16xi32>
        %select_n3A_720 = arith.select %and3A_715, %sub3A_717, %broadcast_in_dim3A_719 : vector<16xi1>, vector<16xi32>
        %swap3A_721 = arith.constant 3 : i32
        %swap3A_722 = arith.index_cast %swap3A_721 : i32 to index
        %swap3A_723 = arith.constant 0 : index
        %swap3A_724 = tpu.vector_load %arg8[%swap3A_722, %swap3A_723] {strides = array<i32>} : memref<8x128xi32, #tpu.memory_space<vmem>>, vector<1x16xi32>,
        %swap3A_725 = vector.shape_cast %swap3A_724 : vector<1x16xi32> to vector<16xi32>
        %swap3A_726 = vector.shape_cast %select_n3A_720 : vector<16xi32> to vector<1x16xi32>
        tpu.vector_store %arg8[%swap3A_722, %swap3A_723], %swap3A_726 {strides = array<i32>} : memref<8x128xi32, #tpu.memory_space<vmem>>, vector<1x16xi32>,
        %get3A_727 = arith.constant 3 : i32
        %get3A_728 = arith.index_cast %get3A_727 : i32 to index
        %get3A_729 = arith.constant 16 : index
        %get3A_730 = tpu.vector_load %arg8[%get3A_728, %get3A_729] {strides = array<i32>} : memref<8x128xi32, #tpu.memory_space<vmem>>, vector<1x16xi32>,
        %get3A_731 = vector.shape_cast %get3A_730 : vector<1x16xi32> to vector<16xi32>
        %ge3A_732 = vector.broadcast %select_n3A_703 : i32 to vector<16xi32>
        %ge3A_733 = arith.cmpi sge, %get3A_731, %ge3A_732 : vector<16xi32>
        %add3A_734 = arith.constant 25000 : i32
        %add3A_735 = arith.addi %select_n3A_703, %add3A_734 : i32
        %lt3A_736 = vector.broadcast %add3A_735 : i32 to vector<16xi32>
        %lt3A_737 = arith.cmpi slt, %get3A_731, %lt3A_736 : vector<16xi32>
        %and3A_738 = arith.andi %ge3A_733, %lt3A_737 : vector<16xi1>
        %sub3A_739 = vector.broadcast %select_n3A_703 : i32 to vector<16xi32>
        %sub3A_740 = arith.subi %get3A_731, %sub3A_739 : vector<16xi32>
        %jit3A_741 = arith.constant 25000 : i32
        %broadcast_in_dim3A_742 = vector.broadcast %jit3A_741 : i32 to vector<16xi32>
        %select_n3A_743 = arith.select %and3A_738, %sub3A_740, %broadcast_in_dim3A_742 : vector<16xi1>, vector<16xi32>
        %swap3A_744 = arith.constant 3 : i32
        %swap3A_745 = arith.index_cast %swap3A_744 : i32 to index
        %swap3A_746 = arith.constant 16 : index
        %swap3A_747 = tpu.vector_load %arg8[%swap3A_745, %swap3A_746] {strides = array<i32>} : memref<8x128xi32, #tpu.memory_space<vmem>>, vector<1x16xi32>,
        %swap3A_748 = vector.shape_cast %swap3A_747 : vector<1x16xi32> to vector<16xi32>
        %swap3A_749 = vector.shape_cast %select_n3A_743 : vector<16xi32> to vector<1x16xi32>
        tpu.vector_store %arg8[%swap3A_745, %swap3A_746], %swap3A_749 {strides = array<i32>} : memref<8x128xi32, #tpu.memory_space<vmem>>, vector<1x16xi32>,
        %get3A_750 = arith.constant 3 : i32
        %get3A_751 = arith.index_cast %get3A_750 : i32 to index
        %get3A_752 = arith.constant 32 : index
        %get3A_753 = tpu.vector_load %arg8[%get3A_751, %get3A_752] {strides = array<i32>} : memref<8x128xi32, #tpu.memory_space<vmem>>, vector<1x16xi32>,
        %get3A_754 = vector.shape_cast %get3A_753 : vector<1x16xi32> to vector<16xi32>
        %ge3A_755 = vector.broadcast %select_n3A_703 : i32 to vector<16xi32>
        %ge3A_756 = arith.cmpi sge, %get3A_754, %ge3A_755 : vector<16xi32>
        %add3A_757 = arith.constant 25000 : i32
        %add3A_758 = arith.addi %select_n3A_703, %add3A_757 : i32
        %lt3A_759 = vector.broadcast %add3A_758 : i32 to vector<16xi32>
        %lt3A_760 = arith.cmpi slt, %get3A_754, %lt3A_759 : vector<16xi32>
        %and3A_761 = arith.andi %ge3A_756, %lt3A_760 : vector<16xi1>
        %sub3A_762 = vector.broadcast %select_n3A_703 : i32 to vector<16xi32>
        %sub3A_763 = arith.subi %get3A_754, %sub3A_762 : vector<16xi32>
        %jit3A_764 = arith.constant 25000 : i32
        %broadcast_in_dim3A_765 = vector.broadcast %jit3A_764 : i32 to vector<16xi32>
        %select_n3A_766 = arith.select %and3A_761, %sub3A_763, %broadcast_in_dim3A_765 : vector<16xi1>, vector<16xi32>
        %swap3A_767 = arith.constant 3 : i32
        %swap3A_768 = arith.index_cast %swap3A_767 : i32 to index
        %swap3A_769 = arith.constant 32 : index
        %swap3A_770 = tpu.vector_load %arg8[%swap3A_768, %swap3A_769] {strides = array<i32>} : memref<8x128xi32, #tpu.memory_space<vmem>>, vector<1x16xi32>,
        %swap3A_771 = vector.shape_cast %swap3A_770 : vector<1x16xi32> to vector<16xi32>
        %swap3A_772 = vector.shape_cast %select_n3A_766 : vector<16xi32> to vector<1x16xi32>
        tpu.vector_store %arg8[%swap3A_768, %swap3A_769], %swap3A_772 {strides = array<i32>} : memref<8x128xi32, #tpu.memory_space<vmem>>, vector<1x16xi32>,
        %get3A_773 = arith.constant 3 : i32
        %get3A_774 = arith.index_cast %get3A_773 : i32 to index
        %get3A_775 = arith.constant 48 : index
        %get3A_776 = tpu.vector_load %arg8[%get3A_774, %get3A_775] {strides = array<i32>} : memref<8x128xi32, #tpu.memory_space<vmem>>, vector<1x16xi32>,
        %get3A_777 = vector.shape_cast %get3A_776 : vector<1x16xi32> to vector<16xi32>
        %ge3A_778 = vector.broadcast %select_n3A_703 : i32 to vector<16xi32>
        %ge3A_779 = arith.cmpi sge, %get3A_777, %ge3A_778 : vector<16xi32>
        %add3A_780 = arith.constant 25000 : i32
        %add3A_781 = arith.addi %select_n3A_703, %add3A_780 : i32
        %lt3A_782 = vector.broadcast %add3A_781 : i32 to vector<16xi32>
        %lt3A_783 = arith.cmpi slt, %get3A_777, %lt3A_782 : vector<16xi32>
        %and3A_784 = arith.andi %ge3A_779, %lt3A_783 : vector<16xi1>
        %sub3A_785 = vector.broadcast %select_n3A_703 : i32 to vector<16xi32>
        %sub3A_786 = arith.subi %get3A_777, %sub3A_785 : vector<16xi32>
        %jit3A_787 = arith.constant 25000 : i32
        %broadcast_in_dim3A_788 = vector.broadcast %jit3A_787 : i32 to vector<16xi32>
        %select_n3A_789 = arith.select %and3A_784, %sub3A_786, %broadcast_in_dim3A_788 : vector<16xi1>, vector<16xi32>
        %swap3A_790 = arith.constant 3 : i32
        %swap3A_791 = arith.index_cast %swap3A_790 : i32 to index
        %swap3A_792 = arith.constant 48 : index
        %swap3A_793 = tpu.vector_load %arg8[%swap3A_791, %swap3A_792] {strides = array<i32>} : memref<8x128xi32, #tpu.memory_space<vmem>>, vector<1x16xi32>,
        %swap3A_794 = vector.shape_cast %swap3A_793 : vector<1x16xi32> to vector<16xi32>
        %swap3A_795 = vector.shape_cast %select_n3A_789 : vector<16xi32> to vector<1x16xi32>
        tpu.vector_store %arg8[%swap3A_791, %swap3A_792], %swap3A_795 {strides = array<i32>} : memref<8x128xi32, #tpu.memory_space<vmem>>, vector<1x16xi32>,
        %get3A_796 = arith.constant 3 : i32
        %get3A_797 = arith.index_cast %get3A_796 : i32 to index
        %get3A_798 = arith.constant 64 : index
        %get3A_799 = tpu.vector_load %arg8[%get3A_797, %get3A_798] {strides = array<i32>} : memref<8x128xi32, #tpu.memory_space<vmem>>, vector<1x16xi32>,
        %get3A_800 = vector.shape_cast %get3A_799 : vector<1x16xi32> to vector<16xi32>
        %ge3A_801 = vector.broadcast %select_n3A_703 : i32 to vector<16xi32>
        %ge3A_802 = arith.cmpi sge, %get3A_800, %ge3A_801 : vector<16xi32>
        %add3A_803 = arith.constant 25000 : i32
        %add3A_804 = arith.addi %select_n3A_703, %add3A_803 : i32
        %lt3A_805 = vector.broadcast %add3A_804 : i32 to vector<16xi32>
        %lt3A_806 = arith.cmpi slt, %get3A_800, %lt3A_805 : vector<16xi32>
        %and3A_807 = arith.andi %ge3A_802, %lt3A_806 : vector<16xi1>
        %sub3A_808 = vector.broadcast %select_n3A_703 : i32 to vector<16xi32>
        %sub3A_809 = arith.subi %get3A_800, %sub3A_808 : vector<16xi32>
        %jit3A_810 = arith.constant 25000 : i32
        %broadcast_in_dim3A_811 = vector.broadcast %jit3A_810 : i32 to vector<16xi32>
        %select_n3A_812 = arith.select %and3A_807, %sub3A_809, %broadcast_in_dim3A_811 : vector<16xi1>, vector<16xi32>
        %swap3A_813 = arith.constant 3 : i32
        %swap3A_814 = arith.index_cast %swap3A_813 : i32 to index
        %swap3A_815 = arith.constant 64 : index
        %swap3A_816 = tpu.vector_load %arg8[%swap3A_814, %swap3A_815] {strides = array<i32>} : memref<8x128xi32, #tpu.memory_space<vmem>>, vector<1x16xi32>,
        %swap3A_817 = vector.shape_cast %swap3A_816 : vector<1x16xi32> to vector<16xi32>
        %swap3A_818 = vector.shape_cast %select_n3A_812 : vector<16xi32> to vector<1x16xi32>
        tpu.vector_store %arg8[%swap3A_814, %swap3A_815], %swap3A_818 {strides = array<i32>} : memref<8x128xi32, #tpu.memory_space<vmem>>, vector<1x16xi32>,
        %get3A_819 = arith.constant 3 : i32
        %get3A_820 = arith.index_cast %get3A_819 : i32 to index
        %get3A_821 = arith.constant 80 : index
        %get3A_822 = tpu.vector_load %arg8[%get3A_820, %get3A_821] {strides = array<i32>} : memref<8x128xi32, #tpu.memory_space<vmem>>, vector<1x16xi32>,
        %get3A_823 = vector.shape_cast %get3A_822 : vector<1x16xi32> to vector<16xi32>
        %ge3A_824 = vector.broadcast %select_n3A_703 : i32 to vector<16xi32>
        %ge3A_825 = arith.cmpi sge, %get3A_823, %ge3A_824 : vector<16xi32>
        %add3A_826 = arith.constant 25000 : i32
        %add3A_827 = arith.addi %select_n3A_703, %add3A_826 : i32
        %lt3A_828 = vector.broadcast %add3A_827 : i32 to vector<16xi32>
        %lt3A_829 = arith.cmpi slt, %get3A_823, %lt3A_828 : vector<16xi32>
        %and3A_830 = arith.andi %ge3A_825, %lt3A_829 : vector<16xi1>
        %sub3A_831 = vector.broadcast %select_n3A_703 : i32 to vector<16xi32>
        %sub3A_832 = arith.subi %get3A_823, %sub3A_831 : vector<16xi32>
        %jit3A_833 = arith.constant 25000 : i32
        %broadcast_in_dim3A_834 = vector.broadcast %jit3A_833 : i32 to vector<16xi32>
        %select_n3A_835 = arith.select %and3A_830, %sub3A_832, %broadcast_in_dim3A_834 : vector<16xi1>, vector<16xi32>
        %swap3A_836 = arith.constant 3 : i32
        %swap3A_837 = arith.index_cast %swap3A_836 : i32 to index
        %swap3A_838 = arith.constant 80 : index
        %swap3A_839 = tpu.vector_load %arg8[%swap3A_837, %swap3A_838] {strides = array<i32>} : memref<8x128xi32, #tpu.memory_space<vmem>>, vector<1x16xi32>,
        %swap3A_840 = vector.shape_cast %swap3A_839 : vector<1x16xi32> to vector<16xi32>
        %swap3A_841 = vector.shape_cast %select_n3A_835 : vector<16xi32> to vector<1x16xi32>
        tpu.vector_store %arg8[%swap3A_837, %swap3A_838], %swap3A_841 {strides = array<i32>} : memref<8x128xi32, #tpu.memory_space<vmem>>, vector<1x16xi32>,
        %get3A_842 = arith.constant 3 : i32
        %get3A_843 = arith.index_cast %get3A_842 : i32 to index
        %get3A_844 = arith.constant 96 : index
        %get3A_845 = tpu.vector_load %arg8[%get3A_843, %get3A_844] {strides = array<i32>} : memref<8x128xi32, #tpu.memory_space<vmem>>, vector<1x16xi32>,
        %get3A_846 = vector.shape_cast %get3A_845 : vector<1x16xi32> to vector<16xi32>
        %ge3A_847 = vector.broadcast %select_n3A_703 : i32 to vector<16xi32>
        %ge3A_848 = arith.cmpi sge, %get3A_846, %ge3A_847 : vector<16xi32>
        %add3A_849 = arith.constant 25000 : i32
        %add3A_850 = arith.addi %select_n3A_703, %add3A_849 : i32
        %lt3A_851 = vector.broadcast %add3A_850 : i32 to vector<16xi32>
        %lt3A_852 = arith.cmpi slt, %get3A_846, %lt3A_851 : vector<16xi32>
        %and3A_853 = arith.andi %ge3A_848, %lt3A_852 : vector<16xi1>
        %sub3A_854 = vector.broadcast %select_n3A_703 : i32 to vector<16xi32>
        %sub3A_855 = arith.subi %get3A_846, %sub3A_854 : vector<16xi32>
        %jit3A_856 = arith.constant 25000 : i32
        %broadcast_in_dim3A_857 = vector.broadcast %jit3A_856 : i32 to vector<16xi32>
        %select_n3A_858 = arith.select %and3A_853, %sub3A_855, %broadcast_in_dim3A_857 : vector<16xi1>, vector<16xi32>
        %swap3A_859 = arith.constant 3 : i32
        %swap3A_860 = arith.index_cast %swap3A_859 : i32 to index
        %swap3A_861 = arith.constant 96 : index
        %swap3A_862 = tpu.vector_load %arg8[%swap3A_860, %swap3A_861] {strides = array<i32>} : memref<8x128xi32, #tpu.memory_space<vmem>>, vector<1x16xi32>,
        %swap3A_863 = vector.shape_cast %swap3A_862 : vector<1x16xi32> to vector<16xi32>
        %swap3A_864 = vector.shape_cast %select_n3A_858 : vector<16xi32> to vector<1x16xi32>
        tpu.vector_store %arg8[%swap3A_860, %swap3A_861], %swap3A_864 {strides = array<i32>} : memref<8x128xi32, #tpu.memory_space<vmem>>, vector<1x16xi32>,
        %get3A_865 = arith.constant 3 : i32
        %get3A_866 = arith.index_cast %get3A_865 : i32 to index
        %get3A_867 = arith.constant 112 : index
        %get3A_868 = tpu.vector_load %arg8[%get3A_866, %get3A_867] {strides = array<i32>} : memref<8x128xi32, #tpu.memory_space<vmem>>, vector<1x16xi32>,
        %get3A_869 = vector.shape_cast %get3A_868 : vector<1x16xi32> to vector<16xi32>
        %ge3A_870 = vector.broadcast %select_n3A_703 : i32 to vector<16xi32>
        %ge3A_871 = arith.cmpi sge, %get3A_869, %ge3A_870 : vector<16xi32>
        %add3A_872 = arith.constant 25000 : i32
        %add3A_873 = arith.addi %select_n3A_703, %add3A_872 : i32
        %lt3A_874 = vector.broadcast %add3A_873 : i32 to vector<16xi32>
        %lt3A_875 = arith.cmpi slt, %get3A_869, %lt3A_874 : vector<16xi32>
        %and3A_876 = arith.andi %ge3A_871, %lt3A_875 : vector<16xi1>
        %sub3A_877 = vector.broadcast %select_n3A_703 : i32 to vector<16xi32>
        %sub3A_878 = arith.subi %get3A_869, %sub3A_877 : vector<16xi32>
        %jit3A_879 = arith.constant 25000 : i32
        %broadcast_in_dim3A_880 = vector.broadcast %jit3A_879 : i32 to vector<16xi32>
        %select_n3A_881 = arith.select %and3A_876, %sub3A_878, %broadcast_in_dim3A_880 : vector<16xi1>, vector<16xi32>
        %swap3A_882 = arith.constant 3 : i32
        %swap3A_883 = arith.index_cast %swap3A_882 : i32 to index
        %swap3A_884 = arith.constant 112 : index
        %swap3A_885 = tpu.vector_load %arg8[%swap3A_883, %swap3A_884] {strides = array<i32>} : memref<8x128xi32, #tpu.memory_space<vmem>>, vector<1x16xi32>,
        %swap3A_886 = vector.shape_cast %swap3A_885 : vector<1x16xi32> to vector<16xi32>
        %swap3A_887 = vector.shape_cast %select_n3A_881 : vector<16xi32> to vector<1x16xi32>
        tpu.vector_store %arg8[%swap3A_883, %swap3A_884], %swap3A_887 {strides = array<i32>} : memref<8x128xi32, #tpu.memory_space<vmem>>, vector<1x16xi32>,
        %add3A_888 = arith.constant 4 : i32
        %add3A_889 = arith.addi %add3A_62, %add3A_888 : i32
        %lt3A_890 = arith.constant 6250 : i32
        %lt3A_891 = arith.cmpi slt, %add3A_889, %lt3A_890 : i32
        %jit3A_892 = arith.constant 50064 : i32
        %select_n3A_893 = arith.select %lt3A_891, %mul3A_0, %jit3A_892 : i32
        %get3A_894 = arith.constant 4 : i32
        %get3A_895 = arith.index_cast %get3A_894 : i32 to index
        %get3A_896 = arith.constant 0 : index
        %get3A_897 = tpu.vector_load %arg8[%get3A_895, %get3A_896] {strides = array<i32>} : memref<8x128xi32, #tpu.memory_space<vmem>>, vector<1x16xi32>,
        %get3A_898 = vector.shape_cast %get3A_897 : vector<1x16xi32> to vector<16xi32>
        %ge3A_899 = vector.broadcast %select_n3A_893 : i32 to vector<16xi32>
        %ge3A_900 = arith.cmpi sge, %get3A_898, %ge3A_899 : vector<16xi32>
        %add3A_901 = arith.constant 25000 : i32
        %add3A_902 = arith.addi %select_n3A_893, %add3A_901 : i32
        %lt3A_903 = vector.broadcast %add3A_902 : i32 to vector<16xi32>
        %lt3A_904 = arith.cmpi slt, %get3A_898, %lt3A_903 : vector<16xi32>
        %and3A_905 = arith.andi %ge3A_900, %lt3A_904 : vector<16xi1>
        %sub3A_906 = vector.broadcast %select_n3A_893 : i32 to vector<16xi32>
        %sub3A_907 = arith.subi %get3A_898, %sub3A_906 : vector<16xi32>
        %jit3A_908 = arith.constant 25000 : i32
        %broadcast_in_dim3A_909 = vector.broadcast %jit3A_908 : i32 to vector<16xi32>
        %select_n3A_910 = arith.select %and3A_905, %sub3A_907, %broadcast_in_dim3A_909 : vector<16xi1>, vector<16xi32>
        %swap3A_911 = arith.constant 4 : i32
        %swap3A_912 = arith.index_cast %swap3A_911 : i32 to index
        %swap3A_913 = arith.constant 0 : index
        %swap3A_914 = tpu.vector_load %arg8[%swap3A_912, %swap3A_913] {strides = array<i32>} : memref<8x128xi32, #tpu.memory_space<vmem>>, vector<1x16xi32>,
        %swap3A_915 = vector.shape_cast %swap3A_914 : vector<1x16xi32> to vector<16xi32>
        %swap3A_916 = vector.shape_cast %select_n3A_910 : vector<16xi32> to vector<1x16xi32>
        tpu.vector_store %arg8[%swap3A_912, %swap3A_913], %swap3A_916 {strides = array<i32>} : memref<8x128xi32, #tpu.memory_space<vmem>>, vector<1x16xi32>,
        %get3A_917 = arith.constant 4 : i32
        %get3A_918 = arith.index_cast %get3A_917 : i32 to index
        %get3A_919 = arith.constant 16 : index
        %get3A_920 = tpu.vector_load %arg8[%get3A_918, %get3A_919] {strides = array<i32>} : memref<8x128xi32, #tpu.memory_space<vmem>>, vector<1x16xi32>,
        %get3A_921 = vector.shape_cast %get3A_920 : vector<1x16xi32> to vector<16xi32>
        %ge3A_922 = vector.broadcast %select_n3A_893 : i32 to vector<16xi32>
        %ge3A_923 = arith.cmpi sge, %get3A_921, %ge3A_922 : vector<16xi32>
        %add3A_924 = arith.constant 25000 : i32
        %add3A_925 = arith.addi %select_n3A_893, %add3A_924 : i32
        %lt3A_926 = vector.broadcast %add3A_925 : i32 to vector<16xi32>
        %lt3A_927 = arith.cmpi slt, %get3A_921, %lt3A_926 : vector<16xi32>
        %and3A_928 = arith.andi %ge3A_923, %lt3A_927 : vector<16xi1>
        %sub3A_929 = vector.broadcast %select_n3A_893 : i32 to vector<16xi32>
        %sub3A_930 = arith.subi %get3A_921, %sub3A_929 : vector<16xi32>
        %jit3A_931 = arith.constant 25000 : i32
        %broadcast_in_dim3A_932 = vector.broadcast %jit3A_931 : i32 to vector<16xi32>
        %select_n3A_933 = arith.select %and3A_928, %sub3A_930, %broadcast_in_dim3A_932 : vector<16xi1>, vector<16xi32>
        %swap3A_934 = arith.constant 4 : i32
        %swap3A_935 = arith.index_cast %swap3A_934 : i32 to index
        %swap3A_936 = arith.constant 16 : index
        %swap3A_937 = tpu.vector_load %arg8[%swap3A_935, %swap3A_936] {strides = array<i32>} : memref<8x128xi32, #tpu.memory_space<vmem>>, vector<1x16xi32>,
        %swap3A_938 = vector.shape_cast %swap3A_937 : vector<1x16xi32> to vector<16xi32>
        %swap3A_939 = vector.shape_cast %select_n3A_933 : vector<16xi32> to vector<1x16xi32>
        tpu.vector_store %arg8[%swap3A_935, %swap3A_936], %swap3A_939 {strides = array<i32>} : memref<8x128xi32, #tpu.memory_space<vmem>>, vector<1x16xi32>,
        %get3A_940 = arith.constant 4 : i32
        %get3A_941 = arith.index_cast %get3A_940 : i32 to index
        %get3A_942 = arith.constant 32 : index
        %get3A_943 = tpu.vector_load %arg8[%get3A_941, %get3A_942] {strides = array<i32>} : memref<8x128xi32, #tpu.memory_space<vmem>>, vector<1x16xi32>,
        %get3A_944 = vector.shape_cast %get3A_943 : vector<1x16xi32> to vector<16xi32>
        %ge3A_945 = vector.broadcast %select_n3A_893 : i32 to vector<16xi32>
        %ge3A_946 = arith.cmpi sge, %get3A_944, %ge3A_945 : vector<16xi32>
        %add3A_947 = arith.constant 25000 : i32
        %add3A_948 = arith.addi %select_n3A_893, %add3A_947 : i32
        %lt3A_949 = vector.broadcast %add3A_948 : i32 to vector<16xi32>
        %lt3A_950 = arith.cmpi slt, %get3A_944, %lt3A_949 : vector<16xi32>
        %and3A_951 = arith.andi %ge3A_946, %lt3A_950 : vector<16xi1>
        %sub3A_952 = vector.broadcast %select_n3A_893 : i32 to vector<16xi32>
        %sub3A_953 = arith.subi %get3A_944, %sub3A_952 : vector<16xi32>
        %jit3A_954 = arith.constant 25000 : i32
        %broadcast_in_dim3A_955 = vector.broadcast %jit3A_954 : i32 to vector<16xi32>
        %select_n3A_956 = arith.select %and3A_951, %sub3A_953, %broadcast_in_dim3A_955 : vector<16xi1>, vector<16xi32>
        %swap3A_957 = arith.constant 4 : i32
        %swap3A_958 = arith.index_cast %swap3A_957 : i32 to index
        %swap3A_959 = arith.constant 32 : index
        %swap3A_960 = tpu.vector_load %arg8[%swap3A_958, %swap3A_959] {strides = array<i32>} : memref<8x128xi32, #tpu.memory_space<vmem>>, vector<1x16xi32>,
        %swap3A_961 = vector.shape_cast %swap3A_960 : vector<1x16xi32> to vector<16xi32>
        %swap3A_962 = vector.shape_cast %select_n3A_956 : vector<16xi32> to vector<1x16xi32>
        tpu.vector_store %arg8[%swap3A_958, %swap3A_959], %swap3A_962 {strides = array<i32>} : memref<8x128xi32, #tpu.memory_space<vmem>>, vector<1x16xi32>,
        %get3A_963 = arith.constant 4 : i32
        %get3A_964 = arith.index_cast %get3A_963 : i32 to index
        %get3A_965 = arith.constant 48 : index
        %get3A_966 = tpu.vector_load %arg8[%get3A_964, %get3A_965] {strides = array<i32>} : memref<8x128xi32, #tpu.memory_space<vmem>>, vector<1x16xi32>,
        %get3A_967 = vector.shape_cast %get3A_966 : vector<1x16xi32> to vector<16xi32>
        %ge3A_968 = vector.broadcast %select_n3A_893 : i32 to vector<16xi32>
        %ge3A_969 = arith.cmpi sge, %get3A_967, %ge3A_968 : vector<16xi32>
        %add3A_970 = arith.constant 25000 : i32
        %add3A_971 = arith.addi %select_n3A_893, %add3A_970 : i32
        %lt3A_972 = vector.broadcast %add3A_971 : i32 to vector<16xi32>
        %lt3A_973 = arith.cmpi slt, %get3A_967, %lt3A_972 : vector<16xi32>
        %and3A_974 = arith.andi %ge3A_969, %lt3A_973 : vector<16xi1>
        %sub3A_975 = vector.broadcast %select_n3A_893 : i32 to vector<16xi32>
        %sub3A_976 = arith.subi %get3A_967, %sub3A_975 : vector<16xi32>
        %jit3A_977 = arith.constant 25000 : i32
        %broadcast_in_dim3A_978 = vector.broadcast %jit3A_977 : i32 to vector<16xi32>
        %select_n3A_979 = arith.select %and3A_974, %sub3A_976, %broadcast_in_dim3A_978 : vector<16xi1>, vector<16xi32>
        %swap3A_980 = arith.constant 4 : i32
        %swap3A_981 = arith.index_cast %swap3A_980 : i32 to index
        %swap3A_982 = arith.constant 48 : index
        %swap3A_983 = tpu.vector_load %arg8[%swap3A_981, %swap3A_982] {strides = array<i32>} : memref<8x128xi32, #tpu.memory_space<vmem>>, vector<1x16xi32>,
        %swap3A_984 = vector.shape_cast %swap3A_983 : vector<1x16xi32> to vector<16xi32>
        %swap3A_985 = vector.shape_cast %select_n3A_979 : vector<16xi32> to vector<1x16xi32>
        tpu.vector_store %arg8[%swap3A_981, %swap3A_982], %swap3A_985 {strides = array<i32>} : memref<8x128xi32, #tpu.memory_space<vmem>>, vector<1x16xi32>,
        %get3A_986 = arith.constant 4 : i32
        %get3A_987 = arith.index_cast %get3A_986 : i32 to index
        %get3A_988 = arith.constant 64 : index
        %get3A_989 = tpu.vector_load %arg8[%get3A_987, %get3A_988] {strides = array<i32>} : memref<8x128xi32, #tpu.memory_space<vmem>>, vector<1x16xi32>,
        %get3A_990 = vector.shape_cast %get3A_989 : vector<1x16xi32> to vector<16xi32>
        %ge3A_991 = vector.broadcast %select_n3A_893 : i32 to vector<16xi32>
        %ge3A_992 = arith.cmpi sge, %get3A_990, %ge3A_991 : vector<16xi32>
        %add3A_993 = arith.constant 25000 : i32
        %add3A_994 = arith.addi %select_n3A_893, %add3A_993 : i32
        %lt3A_995 = vector.broadcast %add3A_994 : i32 to vector<16xi32>
        %lt3A_996 = arith.cmpi slt, %get3A_990, %lt3A_995 : vector<16xi32>
        %and3A_997 = arith.andi %ge3A_992, %lt3A_996 : vector<16xi1>
        %sub3A_998 = vector.broadcast %select_n3A_893 : i32 to vector<16xi32>
        %sub3A_999 = arith.subi %get3A_990, %sub3A_998 : vector<16xi32>
        %jit3A_1000 = arith.constant 25000 : i32
        %broadcast_in_dim3A_1001 = vector.broadcast %jit3A_1000 : i32 to vector<16xi32>
        %select_n3A_1002 = arith.select %and3A_997, %sub3A_999, %broadcast_in_dim3A_1001 : vector<16xi1>, vector<16xi32>
        %swap3A_1003 = arith.constant 4 : i32
        %swap3A_1004 = arith.index_cast %swap3A_1003 : i32 to index
        %swap3A_1005 = arith.constant 64 : index
        %swap3A_1006 = tpu.vector_load %arg8[%swap3A_1004, %swap3A_1005] {strides = array<i32>} : memref<8x128xi32, #tpu.memory_space<vmem>>, vector<1x16xi32>,
        %swap3A_1007 = vector.shape_cast %swap3A_1006 : vector<1x16xi32> to vector<16xi32>
        %swap3A_1008 = vector.shape_cast %select_n3A_1002 : vector<16xi32> to vector<1x16xi32>
        tpu.vector_store %arg8[%swap3A_1004, %swap3A_1005], %swap3A_1008 {strides = array<i32>} : memref<8x128xi32, #tpu.memory_space<vmem>>, vector<1x16xi32>,
        %get3A_1009 = arith.constant 4 : i32
        %get3A_1010 = arith.index_cast %get3A_1009 : i32 to index
        %get3A_1011 = arith.constant 80 : index
        %get3A_1012 = tpu.vector_load %arg8[%get3A_1010, %get3A_1011] {strides = array<i32>} : memref<8x128xi32, #tpu.memory_space<vmem>>, vector<1x16xi32>,
        %get3A_1013 = vector.shape_cast %get3A_1012 : vector<1x16xi32> to vector<16xi32>
        %ge3A_1014 = vector.broadcast %select_n3A_893 : i32 to vector<16xi32>
        %ge3A_1015 = arith.cmpi sge, %get3A_1013, %ge3A_1014 : vector<16xi32>
        %add3A_1016 = arith.constant 25000 : i32
        %add3A_1017 = arith.addi %select_n3A_893, %add3A_1016 : i32
        %lt3A_1018 = vector.broadcast %add3A_1017 : i32 to vector<16xi32>
        %lt3A_1019 = arith.cmpi slt, %get3A_1013, %lt3A_1018 : vector<16xi32>
        %and3A_1020 = arith.andi %ge3A_1015, %lt3A_1019 : vector<16xi1>
        %sub3A_1021 = vector.broadcast %select_n3A_893 : i32 to vector<16xi32>
        %sub3A_1022 = arith.subi %get3A_1013, %sub3A_1021 : vector<16xi32>
        %jit3A_1023 = arith.constant 25000 : i32
        %broadcast_in_dim3A_1024 = vector.broadcast %jit3A_1023 : i32 to vector<16xi32>
        %select_n3A_1025 = arith.select %and3A_1020, %sub3A_1022, %broadcast_in_dim3A_1024 : vector<16xi1>, vector<16xi32>
        %swap3A_1026 = arith.constant 4 : i32
        %swap3A_1027 = arith.index_cast %swap3A_1026 : i32 to index
        %swap3A_1028 = arith.constant 80 : index
        %swap3A_1029 = tpu.vector_load %arg8[%swap3A_1027, %swap3A_1028] {strides = array<i32>} : memref<8x128xi32, #tpu.memory_space<vmem>>, vector<1x16xi32>,
        %swap3A_1030 = vector.shape_cast %swap3A_1029 : vector<1x16xi32> to vector<16xi32>
        %swap3A_1031 = vector.shape_cast %select_n3A_1025 : vector<16xi32> to vector<1x16xi32>
        tpu.vector_store %arg8[%swap3A_1027, %swap3A_1028], %swap3A_1031 {strides = array<i32>} : memref<8x128xi32, #tpu.memory_space<vmem>>, vector<1x16xi32>,
        %get3A_1032 = arith.constant 4 : i32
        %get3A_1033 = arith.index_cast %get3A_1032 : i32 to index
        %get3A_1034 = arith.constant 96 : index
        %get3A_1035 = tpu.vector_load %arg8[%get3A_1033, %get3A_1034] {strides = array<i32>} : memref<8x128xi32, #tpu.memory_space<vmem>>, vector<1x16xi32>,
        %get3A_1036 = vector.shape_cast %get3A_1035 : vector<1x16xi32> to vector<16xi32>
        %ge3A_1037 = vector.broadcast %select_n3A_893 : i32 to vector<16xi32>
        %ge3A_1038 = arith.cmpi sge, %get3A_1036, %ge3A_1037 : vector<16xi32>
        %add3A_1039 = arith.constant 25000 : i32
        %add3A_1040 = arith.addi %select_n3A_893, %add3A_1039 : i32
        %lt3A_1041 = vector.broadcast %add3A_1040 : i32 to vector<16xi32>
        %lt3A_1042 = arith.cmpi slt, %get3A_1036, %lt3A_1041 : vector<16xi32>
        %and3A_1043 = arith.andi %ge3A_1038, %lt3A_1042 : vector<16xi1>
        %sub3A_1044 = vector.broadcast %select_n3A_893 : i32 to vector<16xi32>
        %sub3A_1045 = arith.subi %get3A_1036, %sub3A_1044 : vector<16xi32>
        %jit3A_1046 = arith.constant 25000 : i32
        %broadcast_in_dim3A_1047 = vector.broadcast %jit3A_1046 : i32 to vector<16xi32>
        %select_n3A_1048 = arith.select %and3A_1043, %sub3A_1045, %broadcast_in_dim3A_1047 : vector<16xi1>, vector<16xi32>
        %swap3A_1049 = arith.constant 4 : i32
        %swap3A_1050 = arith.index_cast %swap3A_1049 : i32 to index
        %swap3A_1051 = arith.constant 96 : index
        %swap3A_1052 = tpu.vector_load %arg8[%swap3A_1050, %swap3A_1051] {strides = array<i32>} : memref<8x128xi32, #tpu.memory_space<vmem>>, vector<1x16xi32>,
        %swap3A_1053 = vector.shape_cast %swap3A_1052 : vector<1x16xi32> to vector<16xi32>
        %swap3A_1054 = vector.shape_cast %select_n3A_1048 : vector<16xi32> to vector<1x16xi32>
        tpu.vector_store %arg8[%swap3A_1050, %swap3A_1051], %swap3A_1054 {strides = array<i32>} : memref<8x128xi32, #tpu.memory_space<vmem>>, vector<1x16xi32>,
        %get3A_1055 = arith.constant 4 : i32
        %get3A_1056 = arith.index_cast %get3A_1055 : i32 to index
        %get3A_1057 = arith.constant 112 : index
        %get3A_1058 = tpu.vector_load %arg8[%get3A_1056, %get3A_1057] {strides = array<i32>} : memref<8x128xi32, #tpu.memory_space<vmem>>, vector<1x16xi32>,
        %get3A_1059 = vector.shape_cast %get3A_1058 : vector<1x16xi32> to vector<16xi32>
        %ge3A_1060 = vector.broadcast %select_n3A_893 : i32 to vector<16xi32>
        %ge3A_1061 = arith.cmpi sge, %get3A_1059, %ge3A_1060 : vector<16xi32>
        %add3A_1062 = arith.constant 25000 : i32
        %add3A_1063 = arith.addi %select_n3A_893, %add3A_1062 : i32
        %lt3A_1064 = vector.broadcast %add3A_1063 : i32 to vector<16xi32>
        %lt3A_1065 = arith.cmpi slt, %get3A_1059, %lt3A_1064 : vector<16xi32>
        %and3A_1066 = arith.andi %ge3A_1061, %lt3A_1065 : vector<16xi1>
        %sub3A_1067 = vector.broadcast %select_n3A_893 : i32 to vector<16xi32>
        %sub3A_1068 = arith.subi %get3A_1059, %sub3A_1067 : vector<16xi32>
        %jit3A_1069 = arith.constant 25000 : i32
        %broadcast_in_dim3A_1070 = vector.broadcast %jit3A_1069 : i32 to vector<16xi32>
        %select_n3A_1071 = arith.select %and3A_1066, %sub3A_1068, %broadcast_in_dim3A_1070 : vector<16xi1>, vector<16xi32>
        %swap3A_1072 = arith.constant 4 : i32
        %swap3A_1073 = arith.index_cast %swap3A_1072 : i32 to index
        %swap3A_1074 = arith.constant 112 : index
        %swap3A_1075 = tpu.vector_load %arg8[%swap3A_1073, %swap3A_1074] {strides = array<i32>} : memref<8x128xi32, #tpu.memory_space<vmem>>, vector<1x16xi32>,
        %swap3A_1076 = vector.shape_cast %swap3A_1075 : vector<1x16xi32> to vector<16xi32>
        %swap3A_1077 = vector.shape_cast %select_n3A_1071 : vector<16xi32> to vector<1x16xi32>
        tpu.vector_store %arg8[%swap3A_1073, %swap3A_1074], %swap3A_1077 {strides = array<i32>} : memref<8x128xi32, #tpu.memory_space<vmem>>, vector<1x16xi32>,
        %add3A_1078 = arith.constant 5 : i32
        %add3A_1079 = arith.addi %add3A_62, %add3A_1078 : i32
        %lt3A_1080 = arith.constant 6250 : i32
        %lt3A_1081 = arith.cmpi slt, %add3A_1079, %lt3A_1080 : i32
        %jit3A_1082 = arith.constant 50064 : i32
        %select_n3A_1083 = arith.select %lt3A_1081, %mul3A_0, %jit3A_1082 : i32
        %get3A_1084 = arith.constant 5 : i32
        %get3A_1085 = arith.index_cast %get3A_1084 : i32 to index
        %get3A_1086 = arith.constant 0 : index
        %get3A_1087 = tpu.vector_load %arg8[%get3A_1085, %get3A_1086] {strides = array<i32>} : memref<8x128xi32, #tpu.memory_space<vmem>>, vector<1x16xi32>,
        %get3A_1088 = vector.shape_cast %get3A_1087 : vector<1x16xi32> to vector<16xi32>
        %ge3A_1089 = vector.broadcast %select_n3A_1083 : i32 to vector<16xi32>
        %ge3A_1090 = arith.cmpi sge, %get3A_1088, %ge3A_1089 : vector<16xi32>
        %add3A_1091 = arith.constant 25000 : i32
        %add3A_1092 = arith.addi %select_n3A_1083, %add3A_1091 : i32
        %lt3A_1093 = vector.broadcast %add3A_1092 : i32 to vector<16xi32>
        %lt3A_1094 = arith.cmpi slt, %get3A_1088, %lt3A_1093 : vector<16xi32>
        %and3A_1095 = arith.andi %ge3A_1090, %lt3A_1094 : vector<16xi1>
        %sub3A_1096 = vector.broadcast %select_n3A_1083 : i32 to vector<16xi32>
        %sub3A_1097 = arith.subi %get3A_1088, %sub3A_1096 : vector<16xi32>
        %jit3A_1098 = arith.constant 25000 : i32
        %broadcast_in_dim3A_1099 = vector.broadcast %jit3A_1098 : i32 to vector<16xi32>
        %select_n3A_1100 = arith.select %and3A_1095, %sub3A_1097, %broadcast_in_dim3A_1099 : vector<16xi1>, vector<16xi32>
        %swap3A_1101 = arith.constant 5 : i32
        %swap3A_1102 = arith.index_cast %swap3A_1101 : i32 to index
        %swap3A_1103 = arith.constant 0 : index
        %swap3A_1104 = tpu.vector_load %arg8[%swap3A_1102, %swap3A_1103] {strides = array<i32>} : memref<8x128xi32, #tpu.memory_space<vmem>>, vector<1x16xi32>,
        %swap3A_1105 = vector.shape_cast %swap3A_1104 : vector<1x16xi32> to vector<16xi32>
        %swap3A_1106 = vector.shape_cast %select_n3A_1100 : vector<16xi32> to vector<1x16xi32>
        tpu.vector_store %arg8[%swap3A_1102, %swap3A_1103], %swap3A_1106 {strides = array<i32>} : memref<8x128xi32, #tpu.memory_space<vmem>>, vector<1x16xi32>,
        %get3A_1107 = arith.constant 5 : i32
        %get3A_1108 = arith.index_cast %get3A_1107 : i32 to index
        %get3A_1109 = arith.constant 16 : index
        %get3A_1110 = tpu.vector_load %arg8[%get3A_1108, %get3A_1109] {strides = array<i32>} : memref<8x128xi32, #tpu.memory_space<vmem>>, vector<1x16xi32>,
        %get3A_1111 = vector.shape_cast %get3A_1110 : vector<1x16xi32> to vector<16xi32>
        %ge3A_1112 = vector.broadcast %select_n3A_1083 : i32 to vector<16xi32>
        %ge3A_1113 = arith.cmpi sge, %get3A_1111, %ge3A_1112 : vector<16xi32>
        %add3A_1114 = arith.constant 25000 : i32
        %add3A_1115 = arith.addi %select_n3A_1083, %add3A_1114 : i32
        %lt3A_1116 = vector.broadcast %add3A_1115 : i32 to vector<16xi32>
        %lt3A_1117 = arith.cmpi slt, %get3A_1111, %lt3A_1116 : vector<16xi32>
        %and3A_1118 = arith.andi %ge3A_1113, %lt3A_1117 : vector<16xi1>
        %sub3A_1119 = vector.broadcast %select_n3A_1083 : i32 to vector<16xi32>
        %sub3A_1120 = arith.subi %get3A_1111, %sub3A_1119 : vector<16xi32>
        %jit3A_1121 = arith.constant 25000 : i32
        %broadcast_in_dim3A_1122 = vector.broadcast %jit3A_1121 : i32 to vector<16xi32>
        %select_n3A_1123 = arith.select %and3A_1118, %sub3A_1120, %broadcast_in_dim3A_1122 : vector<16xi1>, vector<16xi32>
        %swap3A_1124 = arith.constant 5 : i32
        %swap3A_1125 = arith.index_cast %swap3A_1124 : i32 to index
        %swap3A_1126 = arith.constant 16 : index
        %swap3A_1127 = tpu.vector_load %arg8[%swap3A_1125, %swap3A_1126] {strides = array<i32>} : memref<8x128xi32, #tpu.memory_space<vmem>>, vector<1x16xi32>,
        %swap3A_1128 = vector.shape_cast %swap3A_1127 : vector<1x16xi32> to vector<16xi32>
        %swap3A_1129 = vector.shape_cast %select_n3A_1123 : vector<16xi32> to vector<1x16xi32>
        tpu.vector_store %arg8[%swap3A_1125, %swap3A_1126], %swap3A_1129 {strides = array<i32>} : memref<8x128xi32, #tpu.memory_space<vmem>>, vector<1x16xi32>,
        %get3A_1130 = arith.constant 5 : i32
        %get3A_1131 = arith.index_cast %get3A_1130 : i32 to index
        %get3A_1132 = arith.constant 32 : index
        %get3A_1133 = tpu.vector_load %arg8[%get3A_1131, %get3A_1132] {strides = array<i32>} : memref<8x128xi32, #tpu.memory_space<vmem>>, vector<1x16xi32>,
        %get3A_1134 = vector.shape_cast %get3A_1133 : vector<1x16xi32> to vector<16xi32>
        %ge3A_1135 = vector.broadcast %select_n3A_1083 : i32 to vector<16xi32>
        %ge3A_1136 = arith.cmpi sge, %get3A_1134, %ge3A_1135 : vector<16xi32>
        %add3A_1137 = arith.constant 25000 : i32
        %add3A_1138 = arith.addi %select_n3A_1083, %add3A_1137 : i32
        %lt3A_1139 = vector.broadcast %add3A_1138 : i32 to vector<16xi32>
        %lt3A_1140 = arith.cmpi slt, %get3A_1134, %lt3A_1139 : vector<16xi32>
        %and3A_1141 = arith.andi %ge3A_1136, %lt3A_1140 : vector<16xi1>
        %sub3A_1142 = vector.broadcast %select_n3A_1083 : i32 to vector<16xi32>
        %sub3A_1143 = arith.subi %get3A_1134, %sub3A_1142 : vector<16xi32>
        %jit3A_1144 = arith.constant 25000 : i32
        %broadcast_in_dim3A_1145 = vector.broadcast %jit3A_1144 : i32 to vector<16xi32>
        %select_n3A_1146 = arith.select %and3A_1141, %sub3A_1143, %broadcast_in_dim3A_1145 : vector<16xi1>, vector<16xi32>
        %swap3A_1147 = arith.constant 5 : i32
        %swap3A_1148 = arith.index_cast %swap3A_1147 : i32 to index
        %swap3A_1149 = arith.constant 32 : index
        %swap3A_1150 = tpu.vector_load %arg8[%swap3A_1148, %swap3A_1149] {strides = array<i32>} : memref<8x128xi32, #tpu.memory_space<vmem>>, vector<1x16xi32>,
        %swap3A_1151 = vector.shape_cast %swap3A_1150 : vector<1x16xi32> to vector<16xi32>
        %swap3A_1152 = vector.shape_cast %select_n3A_1146 : vector<16xi32> to vector<1x16xi32>
        tpu.vector_store %arg8[%swap3A_1148, %swap3A_1149], %swap3A_1152 {strides = array<i32>} : memref<8x128xi32, #tpu.memory_space<vmem>>, vector<1x16xi32>,
        %get3A_1153 = arith.constant 5 : i32
        %get3A_1154 = arith.index_cast %get3A_1153 : i32 to index
        %get3A_1155 = arith.constant 48 : index
        %get3A_1156 = tpu.vector_load %arg8[%get3A_1154, %get3A_1155] {strides = array<i32>} : memref<8x128xi32, #tpu.memory_space<vmem>>, vector<1x16xi32>,
        %get3A_1157 = vector.shape_cast %get3A_1156 : vector<1x16xi32> to vector<16xi32>
        %ge3A_1158 = vector.broadcast %select_n3A_1083 : i32 to vector<16xi32>
        %ge3A_1159 = arith.cmpi sge, %get3A_1157, %ge3A_1158 : vector<16xi32>
        %add3A_1160 = arith.constant 25000 : i32
        %add3A_1161 = arith.addi %select_n3A_1083, %add3A_1160 : i32
        %lt3A_1162 = vector.broadcast %add3A_1161 : i32 to vector<16xi32>
        %lt3A_1163 = arith.cmpi slt, %get3A_1157, %lt3A_1162 : vector<16xi32>
        %and3A_1164 = arith.andi %ge3A_1159, %lt3A_1163 : vector<16xi1>
        %sub3A_1165 = vector.broadcast %select_n3A_1083 : i32 to vector<16xi32>
        %sub3A_1166 = arith.subi %get3A_1157, %sub3A_1165 : vector<16xi32>
        %jit3A_1167 = arith.constant 25000 : i32
        %broadcast_in_dim3A_1168 = vector.broadcast %jit3A_1167 : i32 to vector<16xi32>
        %select_n3A_1169 = arith.select %and3A_1164, %sub3A_1166, %broadcast_in_dim3A_1168 : vector<16xi1>, vector<16xi32>
        %swap3A_1170 = arith.constant 5 : i32
        %swap3A_1171 = arith.index_cast %swap3A_1170 : i32 to index
        %swap3A_1172 = arith.constant 48 : index
        %swap3A_1173 = tpu.vector_load %arg8[%swap3A_1171, %swap3A_1172] {strides = array<i32>} : memref<8x128xi32, #tpu.memory_space<vmem>>, vector<1x16xi32>,
        %swap3A_1174 = vector.shape_cast %swap3A_1173 : vector<1x16xi32> to vector<16xi32>
        %swap3A_1175 = vector.shape_cast %select_n3A_1169 : vector<16xi32> to vector<1x16xi32>
        tpu.vector_store %arg8[%swap3A_1171, %swap3A_1172], %swap3A_1175 {strides = array<i32>} : memref<8x128xi32, #tpu.memory_space<vmem>>, vector<1x16xi32>,
        %get3A_1176 = arith.constant 5 : i32
        %get3A_1177 = arith.index_cast %get3A_1176 : i32 to index
        %get3A_1178 = arith.constant 64 : index
        %get3A_1179 = tpu.vector_load %arg8[%get3A_1177, %get3A_1178] {strides = array<i32>} : memref<8x128xi32, #tpu.memory_space<vmem>>, vector<1x16xi32>,
        %get3A_1180 = vector.shape_cast %get3A_1179 : vector<1x16xi32> to vector<16xi32>
        %ge3A_1181 = vector.broadcast %select_n3A_1083 : i32 to vector<16xi32>
        %ge3A_1182 = arith.cmpi sge, %get3A_1180, %ge3A_1181 : vector<16xi32>
        %add3A_1183 = arith.constant 25000 : i32
        %add3A_1184 = arith.addi %select_n3A_1083, %add3A_1183 : i32
        %lt3A_1185 = vector.broadcast %add3A_1184 : i32 to vector<16xi32>
        %lt3A_1186 = arith.cmpi slt, %get3A_1180, %lt3A_1185 : vector<16xi32>
        %and3A_1187 = arith.andi %ge3A_1182, %lt3A_1186 : vector<16xi1>
        %sub3A_1188 = vector.broadcast %select_n3A_1083 : i32 to vector<16xi32>
        %sub3A_1189 = arith.subi %get3A_1180, %sub3A_1188 : vector<16xi32>
        %jit3A_1190 = arith.constant 25000 : i32
        %broadcast_in_dim3A_1191 = vector.broadcast %jit3A_1190 : i32 to vector<16xi32>
        %select_n3A_1192 = arith.select %and3A_1187, %sub3A_1189, %broadcast_in_dim3A_1191 : vector<16xi1>, vector<16xi32>
        %swap3A_1193 = arith.constant 5 : i32
        %swap3A_1194 = arith.index_cast %swap3A_1193 : i32 to index
        %swap3A_1195 = arith.constant 64 : index
        %swap3A_1196 = tpu.vector_load %arg8[%swap3A_1194, %swap3A_1195] {strides = array<i32>} : memref<8x128xi32, #tpu.memory_space<vmem>>, vector<1x16xi32>,
        %swap3A_1197 = vector.shape_cast %swap3A_1196 : vector<1x16xi32> to vector<16xi32>
        %swap3A_1198 = vector.shape_cast %select_n3A_1192 : vector<16xi32> to vector<1x16xi32>
        tpu.vector_store %arg8[%swap3A_1194, %swap3A_1195], %swap3A_1198 {strides = array<i32>} : memref<8x128xi32, #tpu.memory_space<vmem>>, vector<1x16xi32>,
        %get3A_1199 = arith.constant 5 : i32
        %get3A_1200 = arith.index_cast %get3A_1199 : i32 to index
        %get3A_1201 = arith.constant 80 : index
        %get3A_1202 = tpu.vector_load %arg8[%get3A_1200, %get3A_1201] {strides = array<i32>} : memref<8x128xi32, #tpu.memory_space<vmem>>, vector<1x16xi32>,
        %get3A_1203 = vector.shape_cast %get3A_1202 : vector<1x16xi32> to vector<16xi32>
        %ge3A_1204 = vector.broadcast %select_n3A_1083 : i32 to vector<16xi32>
        %ge3A_1205 = arith.cmpi sge, %get3A_1203, %ge3A_1204 : vector<16xi32>
        %add3A_1206 = arith.constant 25000 : i32
        %add3A_1207 = arith.addi %select_n3A_1083, %add3A_1206 : i32
        %lt3A_1208 = vector.broadcast %add3A_1207 : i32 to vector<16xi32>
        %lt3A_1209 = arith.cmpi slt, %get3A_1203, %lt3A_1208 : vector<16xi32>
        %and3A_1210 = arith.andi %ge3A_1205, %lt3A_1209 : vector<16xi1>
        %sub3A_1211 = vector.broadcast %select_n3A_1083 : i32 to vector<16xi32>
        %sub3A_1212 = arith.subi %get3A_1203, %sub3A_1211 : vector<16xi32>
        %jit3A_1213 = arith.constant 25000 : i32
        %broadcast_in_dim3A_1214 = vector.broadcast %jit3A_1213 : i32 to vector<16xi32>
        %select_n3A_1215 = arith.select %and3A_1210, %sub3A_1212, %broadcast_in_dim3A_1214 : vector<16xi1>, vector<16xi32>
        %swap3A_1216 = arith.constant 5 : i32
        %swap3A_1217 = arith.index_cast %swap3A_1216 : i32 to index
        %swap3A_1218 = arith.constant 80 : index
        %swap3A_1219 = tpu.vector_load %arg8[%swap3A_1217, %swap3A_1218] {strides = array<i32>} : memref<8x128xi32, #tpu.memory_space<vmem>>, vector<1x16xi32>,
        %swap3A_1220 = vector.shape_cast %swap3A_1219 : vector<1x16xi32> to vector<16xi32>
        %swap3A_1221 = vector.shape_cast %select_n3A_1215 : vector<16xi32> to vector<1x16xi32>
        tpu.vector_store %arg8[%swap3A_1217, %swap3A_1218], %swap3A_1221 {strides = array<i32>} : memref<8x128xi32, #tpu.memory_space<vmem>>, vector<1x16xi32>,
        %get3A_1222 = arith.constant 5 : i32
        %get3A_1223 = arith.index_cast %get3A_1222 : i32 to index
        %get3A_1224 = arith.constant 96 : index
        %get3A_1225 = tpu.vector_load %arg8[%get3A_1223, %get3A_1224] {strides = array<i32>} : memref<8x128xi32, #tpu.memory_space<vmem>>, vector<1x16xi32>,
        %get3A_1226 = vector.shape_cast %get3A_1225 : vector<1x16xi32> to vector<16xi32>
        %ge3A_1227 = vector.broadcast %select_n3A_1083 : i32 to vector<16xi32>
        %ge3A_1228 = arith.cmpi sge, %get3A_1226, %ge3A_1227 : vector<16xi32>
        %add3A_1229 = arith.constant 25000 : i32
        %add3A_1230 = arith.addi %select_n3A_1083, %add3A_1229 : i32
        %lt3A_1231 = vector.broadcast %add3A_1230 : i32 to vector<16xi32>
        %lt3A_1232 = arith.cmpi slt, %get3A_1226, %lt3A_1231 : vector<16xi32>
        %and3A_1233 = arith.andi %ge3A_1228, %lt3A_1232 : vector<16xi1>
        %sub3A_1234 = vector.broadcast %select_n3A_1083 : i32 to vector<16xi32>
        %sub3A_1235 = arith.subi %get3A_1226, %sub3A_1234 : vector<16xi32>
        %jit3A_1236 = arith.constant 25000 : i32
        %broadcast_in_dim3A_1237 = vector.broadcast %jit3A_1236 : i32 to vector<16xi32>
        %select_n3A_1238 = arith.select %and3A_1233, %sub3A_1235, %broadcast_in_dim3A_1237 : vector<16xi1>, vector<16xi32>
        %swap3A_1239 = arith.constant 5 : i32
        %swap3A_1240 = arith.index_cast %swap3A_1239 : i32 to index
        %swap3A_1241 = arith.constant 96 : index
        %swap3A_1242 = tpu.vector_load %arg8[%swap3A_1240, %swap3A_1241] {strides = array<i32>} : memref<8x128xi32, #tpu.memory_space<vmem>>, vector<1x16xi32>,
        %swap3A_1243 = vector.shape_cast %swap3A_1242 : vector<1x16xi32> to vector<16xi32>
        %swap3A_1244 = vector.shape_cast %select_n3A_1238 : vector<16xi32> to vector<1x16xi32>
        tpu.vector_store %arg8[%swap3A_1240, %swap3A_1241], %swap3A_1244 {strides = array<i32>} : memref<8x128xi32, #tpu.memory_space<vmem>>, vector<1x16xi32>,
        %get3A_1245 = arith.constant 5 : i32
        %get3A_1246 = arith.index_cast %get3A_1245 : i32 to index
        %get3A_1247 = arith.constant 112 : index
        %get3A_1248 = tpu.vector_load %arg8[%get3A_1246, %get3A_1247] {strides = array<i32>} : memref<8x128xi32, #tpu.memory_space<vmem>>, vector<1x16xi32>,
        %get3A_1249 = vector.shape_cast %get3A_1248 : vector<1x16xi32> to vector<16xi32>
        %ge3A_1250 = vector.broadcast %select_n3A_1083 : i32 to vector<16xi32>
        %ge3A_1251 = arith.cmpi sge, %get3A_1249, %ge3A_1250 : vector<16xi32>
        %add3A_1252 = arith.constant 25000 : i32
        %add3A_1253 = arith.addi %select_n3A_1083, %add3A_1252 : i32
        %lt3A_1254 = vector.broadcast %add3A_1253 : i32 to vector<16xi32>
        %lt3A_1255 = arith.cmpi slt, %get3A_1249, %lt3A_1254 : vector<16xi32>
        %and3A_1256 = arith.andi %ge3A_1251, %lt3A_1255 : vector<16xi1>
        %sub3A_1257 = vector.broadcast %select_n3A_1083 : i32 to vector<16xi32>
        %sub3A_1258 = arith.subi %get3A_1249, %sub3A_1257 : vector<16xi32>
        %jit3A_1259 = arith.constant 25000 : i32
        %broadcast_in_dim3A_1260 = vector.broadcast %jit3A_1259 : i32 to vector<16xi32>
        %select_n3A_1261 = arith.select %and3A_1256, %sub3A_1258, %broadcast_in_dim3A_1260 : vector<16xi1>, vector<16xi32>
        %swap3A_1262 = arith.constant 5 : i32
        %swap3A_1263 = arith.index_cast %swap3A_1262 : i32 to index
        %swap3A_1264 = arith.constant 112 : index
        %swap3A_1265 = tpu.vector_load %arg8[%swap3A_1263, %swap3A_1264] {strides = array<i32>} : memref<8x128xi32, #tpu.memory_space<vmem>>, vector<1x16xi32>,
        %swap3A_1266 = vector.shape_cast %swap3A_1265 : vector<1x16xi32> to vector<16xi32>
        %swap3A_1267 = vector.shape_cast %select_n3A_1261 : vector<16xi32> to vector<1x16xi32>
        tpu.vector_store %arg8[%swap3A_1263, %swap3A_1264], %swap3A_1267 {strides = array<i32>} : memref<8x128xi32, #tpu.memory_space<vmem>>, vector<1x16xi32>,
        %add3A_1268 = arith.constant 6 : i32
        %add3A_1269 = arith.addi %add3A_62, %add3A_1268 : i32
        %lt3A_1270 = arith.constant 6250 : i32
        %lt3A_1271 = arith.cmpi slt, %add3A_1269, %lt3A_1270 : i32
        %jit3A_1272 = arith.constant 50064 : i32
        %select_n3A_1273 = arith.select %lt3A_1271, %mul3A_0, %jit3A_1272 : i32
        %get3A_1274 = arith.constant 6 : i32
        %get3A_1275 = arith.index_cast %get3A_1274 : i32 to index
        %get3A_1276 = arith.constant 0 : index
        %get3A_1277 = tpu.vector_load %arg8[%get3A_1275, %get3A_1276] {strides = array<i32>} : memref<8x128xi32, #tpu.memory_space<vmem>>, vector<1x16xi32>,
        %get3A_1278 = vector.shape_cast %get3A_1277 : vector<1x16xi32> to vector<16xi32>
        %ge3A_1279 = vector.broadcast %select_n3A_1273 : i32 to vector<16xi32>
        %ge3A_1280 = arith.cmpi sge, %get3A_1278, %ge3A_1279 : vector<16xi32>
        %add3A_1281 = arith.constant 25000 : i32
        %add3A_1282 = arith.addi %select_n3A_1273, %add3A_1281 : i32
        %lt3A_1283 = vector.broadcast %add3A_1282 : i32 to vector<16xi32>
        %lt3A_1284 = arith.cmpi slt, %get3A_1278, %lt3A_1283 : vector<16xi32>
        %and3A_1285 = arith.andi %ge3A_1280, %lt3A_1284 : vector<16xi1>
        %sub3A_1286 = vector.broadcast %select_n3A_1273 : i32 to vector<16xi32>
        %sub3A_1287 = arith.subi %get3A_1278, %sub3A_1286 : vector<16xi32>
        %jit3A_1288 = arith.constant 25000 : i32
        %broadcast_in_dim3A_1289 = vector.broadcast %jit3A_1288 : i32 to vector<16xi32>
        %select_n3A_1290 = arith.select %and3A_1285, %sub3A_1287, %broadcast_in_dim3A_1289 : vector<16xi1>, vector<16xi32>
        %swap3A_1291 = arith.constant 6 : i32
        %swap3A_1292 = arith.index_cast %swap3A_1291 : i32 to index
        %swap3A_1293 = arith.constant 0 : index
        %swap3A_1294 = tpu.vector_load %arg8[%swap3A_1292, %swap3A_1293] {strides = array<i32>} : memref<8x128xi32, #tpu.memory_space<vmem>>, vector<1x16xi32>,
        %swap3A_1295 = vector.shape_cast %swap3A_1294 : vector<1x16xi32> to vector<16xi32>
        %swap3A_1296 = vector.shape_cast %select_n3A_1290 : vector<16xi32> to vector<1x16xi32>
        tpu.vector_store %arg8[%swap3A_1292, %swap3A_1293], %swap3A_1296 {strides = array<i32>} : memref<8x128xi32, #tpu.memory_space<vmem>>, vector<1x16xi32>,
        %get3A_1297 = arith.constant 6 : i32
        %get3A_1298 = arith.index_cast %get3A_1297 : i32 to index
        %get3A_1299 = arith.constant 16 : index
        %get3A_1300 = tpu.vector_load %arg8[%get3A_1298, %get3A_1299] {strides = array<i32>} : memref<8x128xi32, #tpu.memory_space<vmem>>, vector<1x16xi32>,
        %get3A_1301 = vector.shape_cast %get3A_1300 : vector<1x16xi32> to vector<16xi32>
        %ge3A_1302 = vector.broadcast %select_n3A_1273 : i32 to vector<16xi32>
        %ge3A_1303 = arith.cmpi sge, %get3A_1301, %ge3A_1302 : vector<16xi32>
        %add3A_1304 = arith.constant 25000 : i32
        %add3A_1305 = arith.addi %select_n3A_1273, %add3A_1304 : i32
        %lt3A_1306 = vector.broadcast %add3A_1305 : i32 to vector<16xi32>
        %lt3A_1307 = arith.cmpi slt, %get3A_1301, %lt3A_1306 : vector<16xi32>
        %and3A_1308 = arith.andi %ge3A_1303, %lt3A_1307 : vector<16xi1>
        %sub3A_1309 = vector.broadcast %select_n3A_1273 : i32 to vector<16xi32>
        %sub3A_1310 = arith.subi %get3A_1301, %sub3A_1309 : vector<16xi32>
        %jit3A_1311 = arith.constant 25000 : i32
        %broadcast_in_dim3A_1312 = vector.broadcast %jit3A_1311 : i32 to vector<16xi32>
        %select_n3A_1313 = arith.select %and3A_1308, %sub3A_1310, %broadcast_in_dim3A_1312 : vector<16xi1>, vector<16xi32>
        %swap3A_1314 = arith.constant 6 : i32
        %swap3A_1315 = arith.index_cast %swap3A_1314 : i32 to index
        %swap3A_1316 = arith.constant 16 : index
        %swap3A_1317 = tpu.vector_load %arg8[%swap3A_1315, %swap3A_1316] {strides = array<i32>} : memref<8x128xi32, #tpu.memory_space<vmem>>, vector<1x16xi32>,
        %swap3A_1318 = vector.shape_cast %swap3A_1317 : vector<1x16xi32> to vector<16xi32>
        %swap3A_1319 = vector.shape_cast %select_n3A_1313 : vector<16xi32> to vector<1x16xi32>
        tpu.vector_store %arg8[%swap3A_1315, %swap3A_1316], %swap3A_1319 {strides = array<i32>} : memref<8x128xi32, #tpu.memory_space<vmem>>, vector<1x16xi32>,
        %get3A_1320 = arith.constant 6 : i32
        %get3A_1321 = arith.index_cast %get3A_1320 : i32 to index
        %get3A_1322 = arith.constant 32 : index
        %get3A_1323 = tpu.vector_load %arg8[%get3A_1321, %get3A_1322] {strides = array<i32>} : memref<8x128xi32, #tpu.memory_space<vmem>>, vector<1x16xi32>,
        %get3A_1324 = vector.shape_cast %get3A_1323 : vector<1x16xi32> to vector<16xi32>
        %ge3A_1325 = vector.broadcast %select_n3A_1273 : i32 to vector<16xi32>
        %ge3A_1326 = arith.cmpi sge, %get3A_1324, %ge3A_1325 : vector<16xi32>
        %add3A_1327 = arith.constant 25000 : i32
        %add3A_1328 = arith.addi %select_n3A_1273, %add3A_1327 : i32
        %lt3A_1329 = vector.broadcast %add3A_1328 : i32 to vector<16xi32>
        %lt3A_1330 = arith.cmpi slt, %get3A_1324, %lt3A_1329 : vector<16xi32>
        %and3A_1331 = arith.andi %ge3A_1326, %lt3A_1330 : vector<16xi1>
        %sub3A_1332 = vector.broadcast %select_n3A_1273 : i32 to vector<16xi32>
        %sub3A_1333 = arith.subi %get3A_1324, %sub3A_1332 : vector<16xi32>
        %jit3A_1334 = arith.constant 25000 : i32
        %broadcast_in_dim3A_1335 = vector.broadcast %jit3A_1334 : i32 to vector<16xi32>
        %select_n3A_1336 = arith.select %and3A_1331, %sub3A_1333, %broadcast_in_dim3A_1335 : vector<16xi1>, vector<16xi32>
        %swap3A_1337 = arith.constant 6 : i32
        %swap3A_1338 = arith.index_cast %swap3A_1337 : i32 to index
        %swap3A_1339 = arith.constant 32 : index
        %swap3A_1340 = tpu.vector_load %arg8[%swap3A_1338, %swap3A_1339] {strides = array<i32>} : memref<8x128xi32, #tpu.memory_space<vmem>>, vector<1x16xi32>,
        %swap3A_1341 = vector.shape_cast %swap3A_1340 : vector<1x16xi32> to vector<16xi32>
        %swap3A_1342 = vector.shape_cast %select_n3A_1336 : vector<16xi32> to vector<1x16xi32>
        tpu.vector_store %arg8[%swap3A_1338, %swap3A_1339], %swap3A_1342 {strides = array<i32>} : memref<8x128xi32, #tpu.memory_space<vmem>>, vector<1x16xi32>,
        %get3A_1343 = arith.constant 6 : i32
        %get3A_1344 = arith.index_cast %get3A_1343 : i32 to index
        %get3A_1345 = arith.constant 48 : index
        %get3A_1346 = tpu.vector_load %arg8[%get3A_1344, %get3A_1345] {strides = array<i32>} : memref<8x128xi32, #tpu.memory_space<vmem>>, vector<1x16xi32>,
        %get3A_1347 = vector.shape_cast %get3A_1346 : vector<1x16xi32> to vector<16xi32>
        %ge3A_1348 = vector.broadcast %select_n3A_1273 : i32 to vector<16xi32>
        %ge3A_1349 = arith.cmpi sge, %get3A_1347, %ge3A_1348 : vector<16xi32>
        %add3A_1350 = arith.constant 25000 : i32
        %add3A_1351 = arith.addi %select_n3A_1273, %add3A_1350 : i32
        %lt3A_1352 = vector.broadcast %add3A_1351 : i32 to vector<16xi32>
        %lt3A_1353 = arith.cmpi slt, %get3A_1347, %lt3A_1352 : vector<16xi32>
        %and3A_1354 = arith.andi %ge3A_1349, %lt3A_1353 : vector<16xi1>
        %sub3A_1355 = vector.broadcast %select_n3A_1273 : i32 to vector<16xi32>
        %sub3A_1356 = arith.subi %get3A_1347, %sub3A_1355 : vector<16xi32>
        %jit3A_1357 = arith.constant 25000 : i32
        %broadcast_in_dim3A_1358 = vector.broadcast %jit3A_1357 : i32 to vector<16xi32>
        %select_n3A_1359 = arith.select %and3A_1354, %sub3A_1356, %broadcast_in_dim3A_1358 : vector<16xi1>, vector<16xi32>
        %swap3A_1360 = arith.constant 6 : i32
        %swap3A_1361 = arith.index_cast %swap3A_1360 : i32 to index
        %swap3A_1362 = arith.constant 48 : index
        %swap3A_1363 = tpu.vector_load %arg8[%swap3A_1361, %swap3A_1362] {strides = array<i32>} : memref<8x128xi32, #tpu.memory_space<vmem>>, vector<1x16xi32>,
        %swap3A_1364 = vector.shape_cast %swap3A_1363 : vector<1x16xi32> to vector<16xi32>
        %swap3A_1365 = vector.shape_cast %select_n3A_1359 : vector<16xi32> to vector<1x16xi32>
        tpu.vector_store %arg8[%swap3A_1361, %swap3A_1362], %swap3A_1365 {strides = array<i32>} : memref<8x128xi32, #tpu.memory_space<vmem>>, vector<1x16xi32>,
        %get3A_1366 = arith.constant 6 : i32
        %get3A_1367 = arith.index_cast %get3A_1366 : i32 to index
        %get3A_1368 = arith.constant 64 : index
        %get3A_1369 = tpu.vector_load %arg8[%get3A_1367, %get3A_1368] {strides = array<i32>} : memref<8x128xi32, #tpu.memory_space<vmem>>, vector<1x16xi32>,
        %get3A_1370 = vector.shape_cast %get3A_1369 : vector<1x16xi32> to vector<16xi32>
        %ge3A_1371 = vector.broadcast %select_n3A_1273 : i32 to vector<16xi32>
        %ge3A_1372 = arith.cmpi sge, %get3A_1370, %ge3A_1371 : vector<16xi32>
        %add3A_1373 = arith.constant 25000 : i32
        %add3A_1374 = arith.addi %select_n3A_1273, %add3A_1373 : i32
        %lt3A_1375 = vector.broadcast %add3A_1374 : i32 to vector<16xi32>
        %lt3A_1376 = arith.cmpi slt, %get3A_1370, %lt3A_1375 : vector<16xi32>
        %and3A_1377 = arith.andi %ge3A_1372, %lt3A_1376 : vector<16xi1>
        %sub3A_1378 = vector.broadcast %select_n3A_1273 : i32 to vector<16xi32>
        %sub3A_1379 = arith.subi %get3A_1370, %sub3A_1378 : vector<16xi32>
        %jit3A_1380 = arith.constant 25000 : i32
        %broadcast_in_dim3A_1381 = vector.broadcast %jit3A_1380 : i32 to vector<16xi32>
        %select_n3A_1382 = arith.select %and3A_1377, %sub3A_1379, %broadcast_in_dim3A_1381 : vector<16xi1>, vector<16xi32>
        %swap3A_1383 = arith.constant 6 : i32
        %swap3A_1384 = arith.index_cast %swap3A_1383 : i32 to index
        %swap3A_1385 = arith.constant 64 : index
        %swap3A_1386 = tpu.vector_load %arg8[%swap3A_1384, %swap3A_1385] {strides = array<i32>} : memref<8x128xi32, #tpu.memory_space<vmem>>, vector<1x16xi32>,
        %swap3A_1387 = vector.shape_cast %swap3A_1386 : vector<1x16xi32> to vector<16xi32>
        %swap3A_1388 = vector.shape_cast %select_n3A_1382 : vector<16xi32> to vector<1x16xi32>
        tpu.vector_store %arg8[%swap3A_1384, %swap3A_1385], %swap3A_1388 {strides = array<i32>} : memref<8x128xi32, #tpu.memory_space<vmem>>, vector<1x16xi32>,
        %get3A_1389 = arith.constant 6 : i32
        %get3A_1390 = arith.index_cast %get3A_1389 : i32 to index
        %get3A_1391 = arith.constant 80 : index
        %get3A_1392 = tpu.vector_load %arg8[%get3A_1390, %get3A_1391] {strides = array<i32>} : memref<8x128xi32, #tpu.memory_space<vmem>>, vector<1x16xi32>,
        %get3A_1393 = vector.shape_cast %get3A_1392 : vector<1x16xi32> to vector<16xi32>
        %ge3A_1394 = vector.broadcast %select_n3A_1273 : i32 to vector<16xi32>
        %ge3A_1395 = arith.cmpi sge, %get3A_1393, %ge3A_1394 : vector<16xi32>
        %add3A_1396 = arith.constant 25000 : i32
        %add3A_1397 = arith.addi %select_n3A_1273, %add3A_1396 : i32
        %lt3A_1398 = vector.broadcast %add3A_1397 : i32 to vector<16xi32>
        %lt3A_1399 = arith.cmpi slt, %get3A_1393, %lt3A_1398 : vector<16xi32>
        %and3A_1400 = arith.andi %ge3A_1395, %lt3A_1399 : vector<16xi1>
        %sub3A_1401 = vector.broadcast %select_n3A_1273 : i32 to vector<16xi32>
        %sub3A_1402 = arith.subi %get3A_1393, %sub3A_1401 : vector<16xi32>
        %jit3A_1403 = arith.constant 25000 : i32
        %broadcast_in_dim3A_1404 = vector.broadcast %jit3A_1403 : i32 to vector<16xi32>
        %select_n3A_1405 = arith.select %and3A_1400, %sub3A_1402, %broadcast_in_dim3A_1404 : vector<16xi1>, vector<16xi32>
        %swap3A_1406 = arith.constant 6 : i32
        %swap3A_1407 = arith.index_cast %swap3A_1406 : i32 to index
        %swap3A_1408 = arith.constant 80 : index
        %swap3A_1409 = tpu.vector_load %arg8[%swap3A_1407, %swap3A_1408] {strides = array<i32>} : memref<8x128xi32, #tpu.memory_space<vmem>>, vector<1x16xi32>,
        %swap3A_1410 = vector.shape_cast %swap3A_1409 : vector<1x16xi32> to vector<16xi32>
        %swap3A_1411 = vector.shape_cast %select_n3A_1405 : vector<16xi32> to vector<1x16xi32>
        tpu.vector_store %arg8[%swap3A_1407, %swap3A_1408], %swap3A_1411 {strides = array<i32>} : memref<8x128xi32, #tpu.memory_space<vmem>>, vector<1x16xi32>,
        %get3A_1412 = arith.constant 6 : i32
        %get3A_1413 = arith.index_cast %get3A_1412 : i32 to index
        %get3A_1414 = arith.constant 96 : index
        %get3A_1415 = tpu.vector_load %arg8[%get3A_1413, %get3A_1414] {strides = array<i32>} : memref<8x128xi32, #tpu.memory_space<vmem>>, vector<1x16xi32>,
        %get3A_1416 = vector.shape_cast %get3A_1415 : vector<1x16xi32> to vector<16xi32>
        %ge3A_1417 = vector.broadcast %select_n3A_1273 : i32 to vector<16xi32>
        %ge3A_1418 = arith.cmpi sge, %get3A_1416, %ge3A_1417 : vector<16xi32>
        %add3A_1419 = arith.constant 25000 : i32
        %add3A_1420 = arith.addi %select_n3A_1273, %add3A_1419 : i32
        %lt3A_1421 = vector.broadcast %add3A_1420 : i32 to vector<16xi32>
        %lt3A_1422 = arith.cmpi slt, %get3A_1416, %lt3A_1421 : vector<16xi32>
        %and3A_1423 = arith.andi %ge3A_1418, %lt3A_1422 : vector<16xi1>
        %sub3A_1424 = vector.broadcast %select_n3A_1273 : i32 to vector<16xi32>
        %sub3A_1425 = arith.subi %get3A_1416, %sub3A_1424 : vector<16xi32>
        %jit3A_1426 = arith.constant 25000 : i32
        %broadcast_in_dim3A_1427 = vector.broadcast %jit3A_1426 : i32 to vector<16xi32>
        %select_n3A_1428 = arith.select %and3A_1423, %sub3A_1425, %broadcast_in_dim3A_1427 : vector<16xi1>, vector<16xi32>
        %swap3A_1429 = arith.constant 6 : i32
        %swap3A_1430 = arith.index_cast %swap3A_1429 : i32 to index
        %swap3A_1431 = arith.constant 96 : index
        %swap3A_1432 = tpu.vector_load %arg8[%swap3A_1430, %swap3A_1431] {strides = array<i32>} : memref<8x128xi32, #tpu.memory_space<vmem>>, vector<1x16xi32>,
        %swap3A_1433 = vector.shape_cast %swap3A_1432 : vector<1x16xi32> to vector<16xi32>
        %swap3A_1434 = vector.shape_cast %select_n3A_1428 : vector<16xi32> to vector<1x16xi32>
        tpu.vector_store %arg8[%swap3A_1430, %swap3A_1431], %swap3A_1434 {strides = array<i32>} : memref<8x128xi32, #tpu.memory_space<vmem>>, vector<1x16xi32>,
        %get3A_1435 = arith.constant 6 : i32
        %get3A_1436 = arith.index_cast %get3A_1435 : i32 to index
        %get3A_1437 = arith.constant 112 : index
        %get3A_1438 = tpu.vector_load %arg8[%get3A_1436, %get3A_1437] {strides = array<i32>} : memref<8x128xi32, #tpu.memory_space<vmem>>, vector<1x16xi32>,
        %get3A_1439 = vector.shape_cast %get3A_1438 : vector<1x16xi32> to vector<16xi32>
        %ge3A_1440 = vector.broadcast %select_n3A_1273 : i32 to vector<16xi32>
        %ge3A_1441 = arith.cmpi sge, %get3A_1439, %ge3A_1440 : vector<16xi32>
        %add3A_1442 = arith.constant 25000 : i32
        %add3A_1443 = arith.addi %select_n3A_1273, %add3A_1442 : i32
        %lt3A_1444 = vector.broadcast %add3A_1443 : i32 to vector<16xi32>
        %lt3A_1445 = arith.cmpi slt, %get3A_1439, %lt3A_1444 : vector<16xi32>
        %and3A_1446 = arith.andi %ge3A_1441, %lt3A_1445 : vector<16xi1>
        %sub3A_1447 = vector.broadcast %select_n3A_1273 : i32 to vector<16xi32>
        %sub3A_1448 = arith.subi %get3A_1439, %sub3A_1447 : vector<16xi32>
        %jit3A_1449 = arith.constant 25000 : i32
        %broadcast_in_dim3A_1450 = vector.broadcast %jit3A_1449 : i32 to vector<16xi32>
        %select_n3A_1451 = arith.select %and3A_1446, %sub3A_1448, %broadcast_in_dim3A_1450 : vector<16xi1>, vector<16xi32>
        %swap3A_1452 = arith.constant 6 : i32
        %swap3A_1453 = arith.index_cast %swap3A_1452 : i32 to index
        %swap3A_1454 = arith.constant 112 : index
        %swap3A_1455 = tpu.vector_load %arg8[%swap3A_1453, %swap3A_1454] {strides = array<i32>} : memref<8x128xi32, #tpu.memory_space<vmem>>, vector<1x16xi32>,
        %swap3A_1456 = vector.shape_cast %swap3A_1455 : vector<1x16xi32> to vector<16xi32>
        %swap3A_1457 = vector.shape_cast %select_n3A_1451 : vector<16xi32> to vector<1x16xi32>
        tpu.vector_store %arg8[%swap3A_1453, %swap3A_1454], %swap3A_1457 {strides = array<i32>} : memref<8x128xi32, #tpu.memory_space<vmem>>, vector<1x16xi32>,
        %add3A_1458 = arith.constant 7 : i32
        %add3A_1459 = arith.addi %add3A_62, %add3A_1458 : i32
        %lt3A_1460 = arith.constant 6250 : i32
        %lt3A_1461 = arith.cmpi slt, %add3A_1459, %lt3A_1460 : i32
        %jit3A_1462 = arith.constant 50064 : i32
        %select_n3A_1463 = arith.select %lt3A_1461, %mul3A_0, %jit3A_1462 : i32
        %get3A_1464 = arith.constant 7 : i32
        %get3A_1465 = arith.index_cast %get3A_1464 : i32 to index
        %get3A_1466 = arith.constant 0 : index
        %get3A_1467 = tpu.vector_load %arg8[%get3A_1465, %get3A_1466] {strides = array<i32>} : memref<8x128xi32, #tpu.memory_space<vmem>>, vector<1x16xi32>,
        %get3A_1468 = vector.shape_cast %get3A_1467 : vector<1x16xi32> to vector<16xi32>
        %ge3A_1469 = vector.broadcast %select_n3A_1463 : i32 to vector<16xi32>
        %ge3A_1470 = arith.cmpi sge, %get3A_1468, %ge3A_1469 : vector<16xi32>
        %add3A_1471 = arith.constant 25000 : i32
        %add3A_1472 = arith.addi %select_n3A_1463, %add3A_1471 : i32
        %lt3A_1473 = vector.broadcast %add3A_1472 : i32 to vector<16xi32>
        %lt3A_1474 = arith.cmpi slt, %get3A_1468, %lt3A_1473 : vector<16xi32>
        %and3A_1475 = arith.andi %ge3A_1470, %lt3A_1474 : vector<16xi1>
        %sub3A_1476 = vector.broadcast %select_n3A_1463 : i32 to vector<16xi32>
        %sub3A_1477 = arith.subi %get3A_1468, %sub3A_1476 : vector<16xi32>
        %jit3A_1478 = arith.constant 25000 : i32
        %broadcast_in_dim3A_1479 = vector.broadcast %jit3A_1478 : i32 to vector<16xi32>
        %select_n3A_1480 = arith.select %and3A_1475, %sub3A_1477, %broadcast_in_dim3A_1479 : vector<16xi1>, vector<16xi32>
        %swap3A_1481 = arith.constant 7 : i32
        %swap3A_1482 = arith.index_cast %swap3A_1481 : i32 to index
        %swap3A_1483 = arith.constant 0 : index
        %swap3A_1484 = tpu.vector_load %arg8[%swap3A_1482, %swap3A_1483] {strides = array<i32>} : memref<8x128xi32, #tpu.memory_space<vmem>>, vector<1x16xi32>,
        %swap3A_1485 = vector.shape_cast %swap3A_1484 : vector<1x16xi32> to vector<16xi32>
        %swap3A_1486 = vector.shape_cast %select_n3A_1480 : vector<16xi32> to vector<1x16xi32>
        tpu.vector_store %arg8[%swap3A_1482, %swap3A_1483], %swap3A_1486 {strides = array<i32>} : memref<8x128xi32, #tpu.memory_space<vmem>>, vector<1x16xi32>,
        %get3A_1487 = arith.constant 7 : i32
        %get3A_1488 = arith.index_cast %get3A_1487 : i32 to index
        %get3A_1489 = arith.constant 16 : index
        %get3A_1490 = tpu.vector_load %arg8[%get3A_1488, %get3A_1489] {strides = array<i32>} : memref<8x128xi32, #tpu.memory_space<vmem>>, vector<1x16xi32>,
        %get3A_1491 = vector.shape_cast %get3A_1490 : vector<1x16xi32> to vector<16xi32>
        %ge3A_1492 = vector.broadcast %select_n3A_1463 : i32 to vector<16xi32>
        %ge3A_1493 = arith.cmpi sge, %get3A_1491, %ge3A_1492 : vector<16xi32>
        %add3A_1494 = arith.constant 25000 : i32
        %add3A_1495 = arith.addi %select_n3A_1463, %add3A_1494 : i32
        %lt3A_1496 = vector.broadcast %add3A_1495 : i32 to vector<16xi32>
        %lt3A_1497 = arith.cmpi slt, %get3A_1491, %lt3A_1496 : vector<16xi32>
        %and3A_1498 = arith.andi %ge3A_1493, %lt3A_1497 : vector<16xi1>
        %sub3A_1499 = vector.broadcast %select_n3A_1463 : i32 to vector<16xi32>
        %sub3A_1500 = arith.subi %get3A_1491, %sub3A_1499 : vector<16xi32>
        %jit3A_1501 = arith.constant 25000 : i32
        %broadcast_in_dim3A_1502 = vector.broadcast %jit3A_1501 : i32 to vector<16xi32>
        %select_n3A_1503 = arith.select %and3A_1498, %sub3A_1500, %broadcast_in_dim3A_1502 : vector<16xi1>, vector<16xi32>
        %swap3A_1504 = arith.constant 7 : i32
        %swap3A_1505 = arith.index_cast %swap3A_1504 : i32 to index
        %swap3A_1506 = arith.constant 16 : index
        %swap3A_1507 = tpu.vector_load %arg8[%swap3A_1505, %swap3A_1506] {strides = array<i32>} : memref<8x128xi32, #tpu.memory_space<vmem>>, vector<1x16xi32>,
        %swap3A_1508 = vector.shape_cast %swap3A_1507 : vector<1x16xi32> to vector<16xi32>
        %swap3A_1509 = vector.shape_cast %select_n3A_1503 : vector<16xi32> to vector<1x16xi32>
        tpu.vector_store %arg8[%swap3A_1505, %swap3A_1506], %swap3A_1509 {strides = array<i32>} : memref<8x128xi32, #tpu.memory_space<vmem>>, vector<1x16xi32>,
        %get3A_1510 = arith.constant 7 : i32
        %get3A_1511 = arith.index_cast %get3A_1510 : i32 to index
        %get3A_1512 = arith.constant 32 : index
        %get3A_1513 = tpu.vector_load %arg8[%get3A_1511, %get3A_1512] {strides = array<i32>} : memref<8x128xi32, #tpu.memory_space<vmem>>, vector<1x16xi32>,
        %get3A_1514 = vector.shape_cast %get3A_1513 : vector<1x16xi32> to vector<16xi32>
        %ge3A_1515 = vector.broadcast %select_n3A_1463 : i32 to vector<16xi32>
        %ge3A_1516 = arith.cmpi sge, %get3A_1514, %ge3A_1515 : vector<16xi32>
        %add3A_1517 = arith.constant 25000 : i32
        %add3A_1518 = arith.addi %select_n3A_1463, %add3A_1517 : i32
        %lt3A_1519 = vector.broadcast %add3A_1518 : i32 to vector<16xi32>
        %lt3A_1520 = arith.cmpi slt, %get3A_1514, %lt3A_1519 : vector<16xi32>
        %and3A_1521 = arith.andi %ge3A_1516, %lt3A_1520 : vector<16xi1>
        %sub3A_1522 = vector.broadcast %select_n3A_1463 : i32 to vector<16xi32>
        %sub3A_1523 = arith.subi %get3A_1514, %sub3A_1522 : vector<16xi32>
        %jit3A_1524 = arith.constant 25000 : i32
        %broadcast_in_dim3A_1525 = vector.broadcast %jit3A_1524 : i32 to vector<16xi32>
        %select_n3A_1526 = arith.select %and3A_1521, %sub3A_1523, %broadcast_in_dim3A_1525 : vector<16xi1>, vector<16xi32>
        %swap3A_1527 = arith.constant 7 : i32
        %swap3A_1528 = arith.index_cast %swap3A_1527 : i32 to index
        %swap3A_1529 = arith.constant 32 : index
        %swap3A_1530 = tpu.vector_load %arg8[%swap3A_1528, %swap3A_1529] {strides = array<i32>} : memref<8x128xi32, #tpu.memory_space<vmem>>, vector<1x16xi32>,
        %swap3A_1531 = vector.shape_cast %swap3A_1530 : vector<1x16xi32> to vector<16xi32>
        %swap3A_1532 = vector.shape_cast %select_n3A_1526 : vector<16xi32> to vector<1x16xi32>
        tpu.vector_store %arg8[%swap3A_1528, %swap3A_1529], %swap3A_1532 {strides = array<i32>} : memref<8x128xi32, #tpu.memory_space<vmem>>, vector<1x16xi32>,
        %get3A_1533 = arith.constant 7 : i32
        %get3A_1534 = arith.index_cast %get3A_1533 : i32 to index
        %get3A_1535 = arith.constant 48 : index
        %get3A_1536 = tpu.vector_load %arg8[%get3A_1534, %get3A_1535] {strides = array<i32>} : memref<8x128xi32, #tpu.memory_space<vmem>>, vector<1x16xi32>,
        %get3A_1537 = vector.shape_cast %get3A_1536 : vector<1x16xi32> to vector<16xi32>
        %ge3A_1538 = vector.broadcast %select_n3A_1463 : i32 to vector<16xi32>
        %ge3A_1539 = arith.cmpi sge, %get3A_1537, %ge3A_1538 : vector<16xi32>
        %add3A_1540 = arith.constant 25000 : i32
        %add3A_1541 = arith.addi %select_n3A_1463, %add3A_1540 : i32
        %lt3A_1542 = vector.broadcast %add3A_1541 : i32 to vector<16xi32>
        %lt3A_1543 = arith.cmpi slt, %get3A_1537, %lt3A_1542 : vector<16xi32>
        %and3A_1544 = arith.andi %ge3A_1539, %lt3A_1543 : vector<16xi1>
        %sub3A_1545 = vector.broadcast %select_n3A_1463 : i32 to vector<16xi32>
        %sub3A_1546 = arith.subi %get3A_1537, %sub3A_1545 : vector<16xi32>
        %jit3A_1547 = arith.constant 25000 : i32
        %broadcast_in_dim3A_1548 = vector.broadcast %jit3A_1547 : i32 to vector<16xi32>
        %select_n3A_1549 = arith.select %and3A_1544, %sub3A_1546, %broadcast_in_dim3A_1548 : vector<16xi1>, vector<16xi32>
        %swap3A_1550 = arith.constant 7 : i32
        %swap3A_1551 = arith.index_cast %swap3A_1550 : i32 to index
        %swap3A_1552 = arith.constant 48 : index
        %swap3A_1553 = tpu.vector_load %arg8[%swap3A_1551, %swap3A_1552] {strides = array<i32>} : memref<8x128xi32, #tpu.memory_space<vmem>>, vector<1x16xi32>,
        %swap3A_1554 = vector.shape_cast %swap3A_1553 : vector<1x16xi32> to vector<16xi32>
        %swap3A_1555 = vector.shape_cast %select_n3A_1549 : vector<16xi32> to vector<1x16xi32>
        tpu.vector_store %arg8[%swap3A_1551, %swap3A_1552], %swap3A_1555 {strides = array<i32>} : memref<8x128xi32, #tpu.memory_space<vmem>>, vector<1x16xi32>,
        %get3A_1556 = arith.constant 7 : i32
        %get3A_1557 = arith.index_cast %get3A_1556 : i32 to index
        %get3A_1558 = arith.constant 64 : index
        %get3A_1559 = tpu.vector_load %arg8[%get3A_1557, %get3A_1558] {strides = array<i32>} : memref<8x128xi32, #tpu.memory_space<vmem>>, vector<1x16xi32>,
        %get3A_1560 = vector.shape_cast %get3A_1559 : vector<1x16xi32> to vector<16xi32>
        %ge3A_1561 = vector.broadcast %select_n3A_1463 : i32 to vector<16xi32>
        %ge3A_1562 = arith.cmpi sge, %get3A_1560, %ge3A_1561 : vector<16xi32>
        %add3A_1563 = arith.constant 25000 : i32
        %add3A_1564 = arith.addi %select_n3A_1463, %add3A_1563 : i32
        %lt3A_1565 = vector.broadcast %add3A_1564 : i32 to vector<16xi32>
        %lt3A_1566 = arith.cmpi slt, %get3A_1560, %lt3A_1565 : vector<16xi32>
        %and3A_1567 = arith.andi %ge3A_1562, %lt3A_1566 : vector<16xi1>
        %sub3A_1568 = vector.broadcast %select_n3A_1463 : i32 to vector<16xi32>
        %sub3A_1569 = arith.subi %get3A_1560, %sub3A_1568 : vector<16xi32>
        %jit3A_1570 = arith.constant 25000 : i32
        %broadcast_in_dim3A_1571 = vector.broadcast %jit3A_1570 : i32 to vector<16xi32>
        %select_n3A_1572 = arith.select %and3A_1567, %sub3A_1569, %broadcast_in_dim3A_1571 : vector<16xi1>, vector<16xi32>
        %swap3A_1573 = arith.constant 7 : i32
        %swap3A_1574 = arith.index_cast %swap3A_1573 : i32 to index
        %swap3A_1575 = arith.constant 64 : index
        %swap3A_1576 = tpu.vector_load %arg8[%swap3A_1574, %swap3A_1575] {strides = array<i32>} : memref<8x128xi32, #tpu.memory_space<vmem>>, vector<1x16xi32>,
        %swap3A_1577 = vector.shape_cast %swap3A_1576 : vector<1x16xi32> to vector<16xi32>
        %swap3A_1578 = vector.shape_cast %select_n3A_1572 : vector<16xi32> to vector<1x16xi32>
        tpu.vector_store %arg8[%swap3A_1574, %swap3A_1575], %swap3A_1578 {strides = array<i32>} : memref<8x128xi32, #tpu.memory_space<vmem>>, vector<1x16xi32>,
        %get3A_1579 = arith.constant 7 : i32
        %get3A_1580 = arith.index_cast %get3A_1579 : i32 to index
        %get3A_1581 = arith.constant 80 : index
        %get3A_1582 = tpu.vector_load %arg8[%get3A_1580, %get3A_1581] {strides = array<i32>} : memref<8x128xi32, #tpu.memory_space<vmem>>, vector<1x16xi32>,
        %get3A_1583 = vector.shape_cast %get3A_1582 : vector<1x16xi32> to vector<16xi32>
        %ge3A_1584 = vector.broadcast %select_n3A_1463 : i32 to vector<16xi32>
        %ge3A_1585 = arith.cmpi sge, %get3A_1583, %ge3A_1584 : vector<16xi32>
        %add3A_1586 = arith.constant 25000 : i32
        %add3A_1587 = arith.addi %select_n3A_1463, %add3A_1586 : i32
        %lt3A_1588 = vector.broadcast %add3A_1587 : i32 to vector<16xi32>
        %lt3A_1589 = arith.cmpi slt, %get3A_1583, %lt3A_1588 : vector<16xi32>
        %and3A_1590 = arith.andi %ge3A_1585, %lt3A_1589 : vector<16xi1>
        %sub3A_1591 = vector.broadcast %select_n3A_1463 : i32 to vector<16xi32>
        %sub3A_1592 = arith.subi %get3A_1583, %sub3A_1591 : vector<16xi32>
        %jit3A_1593 = arith.constant 25000 : i32
        %broadcast_in_dim3A_1594 = vector.broadcast %jit3A_1593 : i32 to vector<16xi32>
        %select_n3A_1595 = arith.select %and3A_1590, %sub3A_1592, %broadcast_in_dim3A_1594 : vector<16xi1>, vector<16xi32>
        %swap3A_1596 = arith.constant 7 : i32
        %swap3A_1597 = arith.index_cast %swap3A_1596 : i32 to index
        %swap3A_1598 = arith.constant 80 : index
        %swap3A_1599 = tpu.vector_load %arg8[%swap3A_1597, %swap3A_1598] {strides = array<i32>} : memref<8x128xi32, #tpu.memory_space<vmem>>, vector<1x16xi32>,
        %swap3A_1600 = vector.shape_cast %swap3A_1599 : vector<1x16xi32> to vector<16xi32>
        %swap3A_1601 = vector.shape_cast %select_n3A_1595 : vector<16xi32> to vector<1x16xi32>
        tpu.vector_store %arg8[%swap3A_1597, %swap3A_1598], %swap3A_1601 {strides = array<i32>} : memref<8x128xi32, #tpu.memory_space<vmem>>, vector<1x16xi32>,
        %get3A_1602 = arith.constant 7 : i32
        %get3A_1603 = arith.index_cast %get3A_1602 : i32 to index
        %get3A_1604 = arith.constant 96 : index
        %get3A_1605 = tpu.vector_load %arg8[%get3A_1603, %get3A_1604] {strides = array<i32>} : memref<8x128xi32, #tpu.memory_space<vmem>>, vector<1x16xi32>,
        %get3A_1606 = vector.shape_cast %get3A_1605 : vector<1x16xi32> to vector<16xi32>
        %ge3A_1607 = vector.broadcast %select_n3A_1463 : i32 to vector<16xi32>
        %ge3A_1608 = arith.cmpi sge, %get3A_1606, %ge3A_1607 : vector<16xi32>
        %add3A_1609 = arith.constant 25000 : i32
        %add3A_1610 = arith.addi %select_n3A_1463, %add3A_1609 : i32
        %lt3A_1611 = vector.broadcast %add3A_1610 : i32 to vector<16xi32>
        %lt3A_1612 = arith.cmpi slt, %get3A_1606, %lt3A_1611 : vector<16xi32>
        %and3A_1613 = arith.andi %ge3A_1608, %lt3A_1612 : vector<16xi1>
        %sub3A_1614 = vector.broadcast %select_n3A_1463 : i32 to vector<16xi32>
        %sub3A_1615 = arith.subi %get3A_1606, %sub3A_1614 : vector<16xi32>
        %jit3A_1616 = arith.constant 25000 : i32
        %broadcast_in_dim3A_1617 = vector.broadcast %jit3A_1616 : i32 to vector<16xi32>
        %select_n3A_1618 = arith.select %and3A_1613, %sub3A_1615, %broadcast_in_dim3A_1617 : vector<16xi1>, vector<16xi32>
        %swap3A_1619 = arith.constant 7 : i32
        %swap3A_1620 = arith.index_cast %swap3A_1619 : i32 to index
        %swap3A_1621 = arith.constant 96 : index
        %swap3A_1622 = tpu.vector_load %arg8[%swap3A_1620, %swap3A_1621] {strides = array<i32>} : memref<8x128xi32, #tpu.memory_space<vmem>>, vector<1x16xi32>,
        %swap3A_1623 = vector.shape_cast %swap3A_1622 : vector<1x16xi32> to vector<16xi32>
        %swap3A_1624 = vector.shape_cast %select_n3A_1618 : vector<16xi32> to vector<1x16xi32>
        tpu.vector_store %arg8[%swap3A_1620, %swap3A_1621], %swap3A_1624 {strides = array<i32>} : memref<8x128xi32, #tpu.memory_space<vmem>>, vector<1x16xi32>,
        %get3A_1625 = arith.constant 7 : i32
        %get3A_1626 = arith.index_cast %get3A_1625 : i32 to index
        %get3A_1627 = arith.constant 112 : index
        %get3A_1628 = tpu.vector_load %arg8[%get3A_1626, %get3A_1627] {strides = array<i32>} : memref<8x128xi32, #tpu.memory_space<vmem>>, vector<1x16xi32>,
        %get3A_1629 = vector.shape_cast %get3A_1628 : vector<1x16xi32> to vector<16xi32>
        %ge3A_1630 = vector.broadcast %select_n3A_1463 : i32 to vector<16xi32>
        %ge3A_1631 = arith.cmpi sge, %get3A_1629, %ge3A_1630 : vector<16xi32>
        %add3A_1632 = arith.constant 25000 : i32
        %add3A_1633 = arith.addi %select_n3A_1463, %add3A_1632 : i32
        %lt3A_1634 = vector.broadcast %add3A_1633 : i32 to vector<16xi32>
        %lt3A_1635 = arith.cmpi slt, %get3A_1629, %lt3A_1634 : vector<16xi32>
        %and3A_1636 = arith.andi %ge3A_1631, %lt3A_1635 : vector<16xi1>
        %sub3A_1637 = vector.broadcast %select_n3A_1463 : i32 to vector<16xi32>
        %sub3A_1638 = arith.subi %get3A_1629, %sub3A_1637 : vector<16xi32>
        %jit3A_1639 = arith.constant 25000 : i32
        %broadcast_in_dim3A_1640 = vector.broadcast %jit3A_1639 : i32 to vector<16xi32>
        %select_n3A_1641 = arith.select %and3A_1636, %sub3A_1638, %broadcast_in_dim3A_1640 : vector<16xi1>, vector<16xi32>
        %swap3A_1642 = arith.constant 7 : i32
        %swap3A_1643 = arith.index_cast %swap3A_1642 : i32 to index
        %swap3A_1644 = arith.constant 112 : index
        %swap3A_1645 = tpu.vector_load %arg8[%swap3A_1643, %swap3A_1644] {strides = array<i32>} : memref<8x128xi32, #tpu.memory_space<vmem>>, vector<1x16xi32>,
        %swap3A_1646 = vector.shape_cast %swap3A_1645 : vector<1x16xi32> to vector<16xi32>
        %swap3A_1647 = vector.shape_cast %select_n3A_1641 : vector<16xi32> to vector<1x16xi32>
        tpu.vector_store %arg8[%swap3A_1643, %swap3A_1644], %swap3A_1647 {strides = array<i32>} : memref<8x128xi32, #tpu.memory_space<vmem>>, vector<1x16xi32>,
      } else {
      }
      %mul3A_68 = arith.constant 2 : i32
      %mul3A_69 = arith.muli %select_n3A_57, %mul3A_68 : i32
      %min3A = arith.constant 6249 : i32
      %min3A_70 = arith.minsi %add3A_62, %min3A : i32
      %add3A_71 = arith.constant 1 : i32
      %add3A_72 = arith.addi %add3A_62, %add3A_71 : i32
      %min3A_73 = arith.constant 6249 : i32
      %min3A_74 = arith.minsi %add3A_72, %min3A_73 : i32
      %dma_start3A = arith.constant 0 : i32
      %dma_start3A_75 = tpu.memref_slice %arg7[%mul3A_69, %dma_start3A] : memref<8x128xi32, #tpu.memory_space<vmem>> -> memref<1x128xi32, #tpu.memory_space<vmem>>
      %dma_start3A_76 = tpu.memref_squeeze %dma_start3A_75 : memref<1x128xi32, #tpu.memory_space<vmem>> -> memref<128xi32, #tpu.memory_space<vmem>>
      %dma_start3A_77 = arith.constant 0 : i32
      %dma_start3A_78 = arith.constant 0 : i32
      %dma_start3A_79 = tpu.memref_slice %arg2[%dma_start3A_77, %dma_start3A_78] : memref<50000x32xi32, #tpu.memory_space<hbm>> -> memref<50000x32xi32, #tpu.memory_space<hbm>>
      tpu.enqueue_indirect_dma source(%dma_start3A_79 : memref<50000x32xi32, #tpu.memory_space<hbm>>) target(%arg9 : memref<128x32xi32, #tpu.memory_space<vmem>>) offsets(%dma_start3A_76 : memref<128xi32, #tpu.memory_space<vmem>>) semaphore(%arg14 : memref<!tpu.dma_semaphore, #tpu.memory_space<semaphore_mem>>)
      %mul3A_80 = arith.constant 128 : i32
      %mul3A_81 = arith.muli %min3A_70, %mul3A_80 : i32
      %dma_start3A_82 = arith.constant 0 : i32
      %dma_start3A_83 = tpu.memref_slice %arg3[%mul3A_81, %dma_start3A_82] : memref<800000x64xf32, #tpu.memory_space<hbm>> -> memref<128x64xf32, #tpu.memory_space<hbm>>
      %dma_start3A_84 = arith.constant 0 : i32
      %dma_start3A_85 = tpu.memref_slice %arg3[%mul3A_81, %dma_start3A_84] : memref<800000x64xf32, #tpu.memory_space<hbm>> -> memref<128x64xf32, #tpu.memory_space<hbm>>
      tpu.enqueue_dma source(%dma_start3A_85 : memref<128x64xf32, #tpu.memory_space<hbm>>) target(%arg11 : memref<128x64xf32, #tpu.memory_space<vmem>>) target_semaphore(%arg16 : memref<!tpu.dma_semaphore, #tpu.memory_space<semaphore_mem>>)
      %add3A_86 = arith.constant 1 : i32
      %add3A_87 = arith.addi %mul3A_69, %add3A_86 : i32
      %dma_start3A_88 = arith.constant 0 : i32
      %dma_start3A_89 = tpu.memref_slice %arg7[%add3A_87, %dma_start3A_88] : memref<8x128xi32, #tpu.memory_space<vmem>> -> memref<1x128xi32, #tpu.memory_space<vmem>>
      %dma_start3A_90 = tpu.memref_squeeze %dma_start3A_89 : memref<1x128xi32, #tpu.memory_space<vmem>> -> memref<128xi32, #tpu.memory_space<vmem>>
      %dma_start3A_91 = arith.constant 0 : i32
      %dma_start3A_92 = arith.constant 0 : i32
      %dma_start3A_93 = tpu.memref_slice %arg2[%dma_start3A_91, %dma_start3A_92] : memref<50000x32xi32, #tpu.memory_space<hbm>> -> memref<50000x32xi32, #tpu.memory_space<hbm>>
      tpu.enqueue_indirect_dma source(%dma_start3A_93 : memref<50000x32xi32, #tpu.memory_space<hbm>>) target(%arg10 : memref<128x32xi32, #tpu.memory_space<vmem>>) offsets(%dma_start3A_90 : memref<128xi32, #tpu.memory_space<vmem>>) semaphore(%arg15 : memref<!tpu.dma_semaphore, #tpu.memory_space<semaphore_mem>>)
      %mul3A_94 = arith.constant 128 : i32
      %mul3A_95 = arith.muli %min3A_74, %mul3A_94 : i32
      %dma_start3A_96 = arith.constant 0 : i32
      %dma_start3A_97 = tpu.memref_slice %arg3[%mul3A_95, %dma_start3A_96] : memref<800000x64xf32, #tpu.memory_space<hbm>> -> memref<128x64xf32, #tpu.memory_space<hbm>>
      %dma_start3A_98 = arith.constant 0 : i32
      %dma_start3A_99 = tpu.memref_slice %arg3[%mul3A_95, %dma_start3A_98] : memref<800000x64xf32, #tpu.memory_space<hbm>> -> memref<128x64xf32, #tpu.memory_space<hbm>>
      tpu.enqueue_dma source(%dma_start3A_99 : memref<128x64xf32, #tpu.memory_space<hbm>>) target(%arg12 : memref<128x64xf32, #tpu.memory_space<vmem>>) target_semaphore(%arg17 : memref<!tpu.dma_semaphore, #tpu.memory_space<semaphore_mem>>)
      %dma_wait3A = arith.constant 0 : i32
      %dma_wait3A_100 = tpu.memref_slice %arg3[%mul3A_81, %dma_wait3A] : memref<800000x64xf32, #tpu.memory_space<hbm>> -> memref<128x64xf32, #tpu.memory_space<hbm>>
      %dma_wait3A_101 = arith.constant 0 : i32
      %dma_wait3A_102 = tpu.memref_slice %arg3[%mul3A_81, %dma_wait3A_101] : memref<800000x64xf32, #tpu.memory_space<hbm>> -> memref<128x64xf32, #tpu.memory_space<hbm>>
      tpu.wait_dma2 semaphore(%arg16 : memref<!tpu.dma_semaphore, #tpu.memory_space<semaphore_mem>>) src(%dma_wait3A_102 : memref<128x64xf32, #tpu.memory_space<hbm>>) dst(%arg11 : memref<128x64xf32, #tpu.memory_space<vmem>>)
      %dma_wait3A_103 = arith.constant 0 : i32
      %dma_wait3A_104 = tpu.memref_slice %arg7[%mul3A_69, %dma_wait3A_103] : memref<8x128xi32, #tpu.memory_space<vmem>> -> memref<1x128xi32, #tpu.memory_space<vmem>>
      %dma_wait3A_105 = tpu.memref_squeeze %dma_wait3A_104 : memref<1x128xi32, #tpu.memory_space<vmem>> -> memref<128xi32, #tpu.memory_space<vmem>>
      %dma_wait3A_106 = arith.constant 0 : i32
      %dma_wait3A_107 = arith.constant 0 : i32
      %dma_wait3A_108 = tpu.memref_slice %arg2[%dma_wait3A_106, %dma_wait3A_107] : memref<50000x32xi32, #tpu.memory_space<hbm>> -> memref<50000x32xi32, #tpu.memory_space<hbm>>
      tpu.wait_indirect_dma semaphore(%arg14 : memref<!tpu.dma_semaphore, #tpu.memory_space<semaphore_mem>>) src(%dma_wait3A_108 : memref<50000x32xi32, #tpu.memory_space<hbm>>) dst(%arg9 : memref<128x32xi32, #tpu.memory_space<vmem>>)
      %scan3A_109 = arith.constant 0 : i32
      %scan3A_110 = arith.constant 0 : i32
      %scan3A_111 = arith.constant 128 : i32
      %scan3A_112 = arith.addi %scan3A_110, %scan3A_111 : i32
      %scan3A_113 = arith.constant 1 : i32
      scf.for %scan3A_133 = %scan3A_110 to %scan3A_112 step %scan3A_113  : i32 {
        %get3A = arith.index_cast %scan3A_133 : i32 to index
        %get3A_134 = arith.constant 0 : index
        %get3A_135 = tpu.vector_load %arg9[%get3A, %get3A_134] {strides = array<i32>} : memref<128x32xi32, #tpu.memory_space<vmem>>, vector<1x16xi32>,
        %get3A_136 = vector.shape_cast %get3A_135 : vector<1x16xi32> to vector<16xi32>
        %shift_right_arithmetic3A = arith.constant 16 : i32
        %shift_right_arithmetic3A_137 = vector.broadcast %shift_right_arithmetic3A : i32 to vector<16xi32>
        %shift_right_arithmetic3A_138 = arith.shrsi %get3A_136, %shift_right_arithmetic3A_137 : vector<16xi32>
        %convert_element_type3A_139 = arith.sitofp %shift_right_arithmetic3A_138 : vector<16xi32> to vector<16xf32>
        %shift_left3A = arith.constant 16 : i32
        %shift_left3A_140 = vector.broadcast %shift_left3A : i32 to vector<16xi32>
        %shift_left3A_141 = arith.shli %get3A_136, %shift_left3A_140 : vector<16xi32>
        %shift_right_arithmetic3A_142 = arith.constant 16 : i32
        %shift_right_arithmetic3A_143 = vector.broadcast %shift_right_arithmetic3A_142 : i32 to vector<16xi32>
        %shift_right_arithmetic3A_144 = arith.shrsi %shift_left3A_141, %shift_right_arithmetic3A_143 : vector<16xi32>
        %convert_element_type3A_145 = arith.sitofp %shift_right_arithmetic3A_144 : vector<16xi32> to vector<16xf32>
        %get3A_146 = arith.index_cast %scan3A_133 : i32 to index
        %get3A_147 = arith.constant 0 : index
        %get3A_148 = tpu.vector_load %arg11[%get3A_146, %get3A_147] {strides = array<i32>} : memref<128x64xf32, #tpu.memory_space<vmem>>, vector<1x16xf32>,
        %get3A_149 = vector.shape_cast %get3A_148 : vector<1x16xf32> to vector<16xf32>
        %mul3A_150 = arith.mulf %get3A_149, %convert_element_type3A_145 : vector<16xf32>
        %swap3A = arith.index_cast %scan3A_133 : i32 to index
        %swap3A_151 = arith.constant 0 : index
        %swap3A_152 = tpu.vector_load %arg11[%swap3A, %swap3A_151] {strides = array<i32>} : memref<128x64xf32, #tpu.memory_space<vmem>>, vector<1x16xf32>,
        %swap3A_153 = vector.shape_cast %swap3A_152 : vector<1x16xf32> to vector<16xf32>
        %swap3A_154 = vector.shape_cast %mul3A_150 : vector<16xf32> to vector<1x16xf32>
        tpu.vector_store %arg11[%swap3A, %swap3A_151], %swap3A_154 {strides = array<i32>} : memref<128x64xf32, #tpu.memory_space<vmem>>, vector<1x16xf32>,
        %get3A_155 = arith.index_cast %scan3A_133 : i32 to index
        %get3A_156 = arith.constant 16 : index
        %get3A_157 = tpu.vector_load %arg11[%get3A_155, %get3A_156] {strides = array<i32>} : memref<128x64xf32, #tpu.memory_space<vmem>>, vector<1x16xf32>,
        %get3A_158 = vector.shape_cast %get3A_157 : vector<1x16xf32> to vector<16xf32>
        %mul3A_159 = arith.mulf %get3A_158, %convert_element_type3A_139 : vector<16xf32>
        %swap3A_160 = arith.index_cast %scan3A_133 : i32 to index
        %swap3A_161 = arith.constant 16 : index
        %swap3A_162 = tpu.vector_load %arg11[%swap3A_160, %swap3A_161] {strides = array<i32>} : memref<128x64xf32, #tpu.memory_space<vmem>>, vector<1x16xf32>,
        %swap3A_163 = vector.shape_cast %swap3A_162 : vector<1x16xf32> to vector<16xf32>
        %swap3A_164 = vector.shape_cast %mul3A_159 : vector<16xf32> to vector<1x16xf32>
        tpu.vector_store %arg11[%swap3A_160, %swap3A_161], %swap3A_164 {strides = array<i32>} : memref<128x64xf32, #tpu.memory_space<vmem>>, vector<1x16xf32>,
        %get3A_165 = arith.index_cast %scan3A_133 : i32 to index
        %get3A_166 = arith.constant 16 : index
        %get3A_167 = tpu.vector_load %arg9[%get3A_165, %get3A_166] {strides = array<i32>} : memref<128x32xi32, #tpu.memory_space<vmem>>, vector<1x16xi32>,
        %get3A_168 = vector.shape_cast %get3A_167 : vector<1x16xi32> to vector<16xi32>
        %shift_right_arithmetic3A_169 = arith.constant 16 : i32
        %shift_right_arithmetic3A_170 = vector.broadcast %shift_right_arithmetic3A_169 : i32 to vector<16xi32>
        %shift_right_arithmetic3A_171 = arith.shrsi %get3A_168, %shift_right_arithmetic3A_170 : vector<16xi32>
        %convert_element_type3A_172 = arith.sitofp %shift_right_arithmetic3A_171 : vector<16xi32> to vector<16xf32>
        %shift_left3A_173 = arith.constant 16 : i32
        %shift_left3A_174 = vector.broadcast %shift_left3A_173 : i32 to vector<16xi32>
        %shift_left3A_175 = arith.shli %get3A_168, %shift_left3A_174 : vector<16xi32>
        %shift_right_arithmetic3A_176 = arith.constant 16 : i32
        %shift_right_arithmetic3A_177 = vector.broadcast %shift_right_arithmetic3A_176 : i32 to vector<16xi32>
        %shift_right_arithmetic3A_178 = arith.shrsi %shift_left3A_175, %shift_right_arithmetic3A_177 : vector<16xi32>
        %convert_element_type3A_179 = arith.sitofp %shift_right_arithmetic3A_178 : vector<16xi32> to vector<16xf32>
        %get3A_180 = arith.index_cast %scan3A_133 : i32 to index
        %get3A_181 = arith.constant 32 : index
        %get3A_182 = tpu.vector_load %arg11[%get3A_180, %get3A_181] {strides = array<i32>} : memref<128x64xf32, #tpu.memory_space<vmem>>, vector<1x16xf32>,
        %get3A_183 = vector.shape_cast %get3A_182 : vector<1x16xf32> to vector<16xf32>
        %mul3A_184 = arith.mulf %get3A_183, %convert_element_type3A_179 : vector<16xf32>
        %swap3A_185 = arith.index_cast %scan3A_133 : i32 to index
        %swap3A_186 = arith.constant 32 : index
        %swap3A_187 = tpu.vector_load %arg11[%swap3A_185, %swap3A_186] {strides = array<i32>} : memref<128x64xf32, #tpu.memory_space<vmem>>, vector<1x16xf32>,
        %swap3A_188 = vector.shape_cast %swap3A_187 : vector<1x16xf32> to vector<16xf32>
        %swap3A_189 = vector.shape_cast %mul3A_184 : vector<16xf32> to vector<1x16xf32>
        tpu.vector_store %arg11[%swap3A_185, %swap3A_186], %swap3A_189 {strides = array<i32>} : memref<128x64xf32, #tpu.memory_space<vmem>>, vector<1x16xf32>,
        %get3A_190 = arith.index_cast %scan3A_133 : i32 to index
        %get3A_191 = arith.constant 48 : index
        %get3A_192 = tpu.vector_load %arg11[%get3A_190, %get3A_191] {strides = array<i32>} : memref<128x64xf32, #tpu.memory_space<vmem>>, vector<1x16xf32>,
        %get3A_193 = vector.shape_cast %get3A_192 : vector<1x16xf32> to vector<16xf32>
        %mul3A_194 = arith.mulf %get3A_193, %convert_element_type3A_172 : vector<16xf32>
        %swap3A_195 = arith.index_cast %scan3A_133 : i32 to index
        %swap3A_196 = arith.constant 48 : index
        %swap3A_197 = tpu.vector_load %arg11[%swap3A_195, %swap3A_196] {strides = array<i32>} : memref<128x64xf32, #tpu.memory_space<vmem>>, vector<1x16xf32>,
        %swap3A_198 = vector.shape_cast %swap3A_197 : vector<1x16xf32> to vector<16xf32>
        %swap3A_199 = vector.shape_cast %mul3A_194 : vector<16xf32> to vector<1x16xf32>
        tpu.vector_store %arg11[%swap3A_195, %swap3A_196], %swap3A_199 {strides = array<i32>} : memref<128x64xf32, #tpu.memory_space<vmem>>, vector<1x16xf32>,
      }
      %scan3A_114 = arith.constant 128 : i32
      "tpu.region"() ({
        %run_scoped3A = tpu.sem_alloc : memref<!tpu.dma_semaphore, #tpu.memory_space<semaphore_mem>>
        %dma_start3A_133 = arith.constant 0 : i32
        %dma_start3A_134 = tpu.memref_slice %arg8[%mul3A_69, %dma_start3A_133] : memref<8x128xi32, #tpu.memory_space<vmem>> -> memref<1x128xi32, #tpu.memory_space<vmem>>
        %dma_start3A_135 = tpu.memref_squeeze %dma_start3A_134 : memref<1x128xi32, #tpu.memory_space<vmem>> -> memref<128xi32, #tpu.memory_space<vmem>>
        %dma_start3A_136 = arith.constant 0 : i32
        %dma_start3A_137 = arith.constant 0 : i32
        %dma_start3A_138 = tpu.memref_slice %arg13[%dma_start3A_136, %dma_start3A_137] : memref<25088x64xf32, #tpu.memory_space<vmem_shared>> -> memref<25088x64xf32, #tpu.memory_space<vmem_shared>>
        tpu.enqueue_indirect_dma source(%arg11 : memref<128x64xf32, #tpu.memory_space<vmem>>) target(%dma_start3A_138 : memref<25088x64xf32, #tpu.memory_space<vmem_shared>>) offsets(%dma_start3A_135 : memref<128xi32, #tpu.memory_space<vmem>>) semaphore(%run_scoped3A : memref<!tpu.dma_semaphore, #tpu.memory_space<semaphore_mem>>) {add = true}
        %dma_wait3A_139 = arith.constant 0 : i32
        %dma_wait3A_140 = tpu.memref_slice %arg8[%mul3A_69, %dma_wait3A_139] : memref<8x128xi32, #tpu.memory_space<vmem>> -> memref<1x128xi32, #tpu.memory_space<vmem>>
        %dma_wait3A_141 = tpu.memref_squeeze %dma_wait3A_140 : memref<1x128xi32, #tpu.memory_space<vmem>> -> memref<128xi32, #tpu.memory_space<vmem>>
        %dma_wait3A_142 = arith.constant 0 : i32
        %dma_wait3A_143 = arith.constant 0 : i32
        %dma_wait3A_144 = tpu.memref_slice %arg13[%dma_wait3A_142, %dma_wait3A_143] : memref<25088x64xf32, #tpu.memory_space<vmem_shared>> -> memref<25088x64xf32, #tpu.memory_space<vmem_shared>>
        tpu.wait_indirect_dma semaphore(%run_scoped3A : memref<!tpu.dma_semaphore, #tpu.memory_space<semaphore_mem>>) src(%arg11 : memref<128x64xf32, #tpu.memory_space<vmem>>) dst(%dma_wait3A_144 : memref<25088x64xf32, #tpu.memory_space<vmem_shared>>)
        tpu.yield
      }) : () -> ()
      %dma_wait3A_115 = arith.constant 0 : i32
      %dma_wait3A_116 = tpu.memref_slice %arg3[%mul3A_95, %dma_wait3A_115] : memref<800000x64xf32, #tpu.memory_space<hbm>> -> memref<128x64xf32, #tpu.memory_space<hbm>>
      %dma_wait3A_117 = arith.constant 0 : i32
      %dma_wait3A_118 = tpu.memref_slice %arg3[%mul3A_95, %dma_wait3A_117] : memref<800000x64xf32, #tpu.memory_space<hbm>> -> memref<128x64xf32, #tpu.memory_space<hbm>>
      tpu.wait_dma2 semaphore(%arg17 : memref<!tpu.dma_semaphore, #tpu.memory_space<semaphore_mem>>) src(%dma_wait3A_118 : memref<128x64xf32, #tpu.memory_space<hbm>>) dst(%arg12 : memref<128x64xf32, #tpu.memory_space<vmem>>)
      %dma_wait3A_119 = arith.constant 0 : i32
      %dma_wait3A_120 = tpu.memref_slice %arg7[%add3A_87, %dma_wait3A_119] : memref<8x128xi32, #tpu.memory_space<vmem>> -> memref<1x128xi32, #tpu.memory_space<vmem>>
      %dma_wait3A_121 = tpu.memref_squeeze %dma_wait3A_120 : memref<1x128xi32, #tpu.memory_space<vmem>> -> memref<128xi32, #tpu.memory_space<vmem>>
      %dma_wait3A_122 = arith.constant 0 : i32
      %dma_wait3A_123 = arith.constant 0 : i32
      %dma_wait3A_124 = tpu.memref_slice %arg2[%dma_wait3A_122, %dma_wait3A_123] : memref<50000x32xi32, #tpu.memory_space<hbm>> -> memref<50000x32xi32, #tpu.memory_space<hbm>>
      tpu.wait_indirect_dma semaphore(%arg15 : memref<!tpu.dma_semaphore, #tpu.memory_space<semaphore_mem>>) src(%dma_wait3A_124 : memref<50000x32xi32, #tpu.memory_space<hbm>>) dst(%arg10 : memref<128x32xi32, #tpu.memory_space<vmem>>)
      %scan3A_125 = arith.constant 0 : i32
      %scan3A_126 = arith.constant 0 : i32
      %scan3A_127 = arith.constant 128 : i32
      %scan3A_128 = arith.addi %scan3A_126, %scan3A_127 : i32
      %scan3A_129 = arith.constant 1 : i32
      scf.for %scan3A_133 = %scan3A_126 to %scan3A_128 step %scan3A_129  : i32 {
        %get3A = arith.index_cast %scan3A_133 : i32 to index
        %get3A_134 = arith.constant 0 : index
        %get3A_135 = tpu.vector_load %arg10[%get3A, %get3A_134] {strides = array<i32>} : memref<128x32xi32, #tpu.memory_space<vmem>>, vector<1x16xi32>,
        %get3A_136 = vector.shape_cast %get3A_135 : vector<1x16xi32> to vector<16xi32>
        %shift_right_arithmetic3A = arith.constant 16 : i32
        %shift_right_arithmetic3A_137 = vector.broadcast %shift_right_arithmetic3A : i32 to vector<16xi32>
        %shift_right_arithmetic3A_138 = arith.shrsi %get3A_136, %shift_right_arithmetic3A_137 : vector<16xi32>
        %convert_element_type3A_139 = arith.sitofp %shift_right_arithmetic3A_138 : vector<16xi32> to vector<16xf32>
        %shift_left3A = arith.constant 16 : i32
        %shift_left3A_140 = vector.broadcast %shift_left3A : i32 to vector<16xi32>
        %shift_left3A_141 = arith.shli %get3A_136, %shift_left3A_140 : vector<16xi32>
        %shift_right_arithmetic3A_142 = arith.constant 16 : i32
        %shift_right_arithmetic3A_143 = vector.broadcast %shift_right_arithmetic3A_142 : i32 to vector<16xi32>
        %shift_right_arithmetic3A_144 = arith.shrsi %shift_left3A_141, %shift_right_arithmetic3A_143 : vector<16xi32>
        %convert_element_type3A_145 = arith.sitofp %shift_right_arithmetic3A_144 : vector<16xi32> to vector<16xf32>
        %get3A_146 = arith.index_cast %scan3A_133 : i32 to index
        %get3A_147 = arith.constant 0 : index
        %get3A_148 = tpu.vector_load %arg12[%get3A_146, %get3A_147] {strides = array<i32>} : memref<128x64xf32, #tpu.memory_space<vmem>>, vector<1x16xf32>,
        %get3A_149 = vector.shape_cast %get3A_148 : vector<1x16xf32> to vector<16xf32>
        %mul3A_150 = arith.mulf %get3A_149, %convert_element_type3A_145 : vector<16xf32>
        %swap3A = arith.index_cast %scan3A_133 : i32 to index
        %swap3A_151 = arith.constant 0 : index
        %swap3A_152 = tpu.vector_load %arg12[%swap3A, %swap3A_151] {strides = array<i32>} : memref<128x64xf32, #tpu.memory_space<vmem>>, vector<1x16xf32>,
        %swap3A_153 = vector.shape_cast %swap3A_152 : vector<1x16xf32> to vector<16xf32>
        %swap3A_154 = vector.shape_cast %mul3A_150 : vector<16xf32> to vector<1x16xf32>
        tpu.vector_store %arg12[%swap3A, %swap3A_151], %swap3A_154 {strides = array<i32>} : memref<128x64xf32, #tpu.memory_space<vmem>>, vector<1x16xf32>,
        %get3A_155 = arith.index_cast %scan3A_133 : i32 to index
        %get3A_156 = arith.constant 16 : index
        %get3A_157 = tpu.vector_load %arg12[%get3A_155, %get3A_156] {strides = array<i32>} : memref<128x64xf32, #tpu.memory_space<vmem>>, vector<1x16xf32>,
        %get3A_158 = vector.shape_cast %get3A_157 : vector<1x16xf32> to vector<16xf32>
        %mul3A_159 = arith.mulf %get3A_158, %convert_element_type3A_139 : vector<16xf32>
        %swap3A_160 = arith.index_cast %scan3A_133 : i32 to index
        %swap3A_161 = arith.constant 16 : index
        %swap3A_162 = tpu.vector_load %arg12[%swap3A_160, %swap3A_161] {strides = array<i32>} : memref<128x64xf32, #tpu.memory_space<vmem>>, vector<1x16xf32>,
        %swap3A_163 = vector.shape_cast %swap3A_162 : vector<1x16xf32> to vector<16xf32>
        %swap3A_164 = vector.shape_cast %mul3A_159 : vector<16xf32> to vector<1x16xf32>
        tpu.vector_store %arg12[%swap3A_160, %swap3A_161], %swap3A_164 {strides = array<i32>} : memref<128x64xf32, #tpu.memory_space<vmem>>, vector<1x16xf32>,
        %get3A_165 = arith.index_cast %scan3A_133 : i32 to index
        %get3A_166 = arith.constant 16 : index
        %get3A_167 = tpu.vector_load %arg10[%get3A_165, %get3A_166] {strides = array<i32>} : memref<128x32xi32, #tpu.memory_space<vmem>>, vector<1x16xi32>,
        %get3A_168 = vector.shape_cast %get3A_167 : vector<1x16xi32> to vector<16xi32>
        %shift_right_arithmetic3A_169 = arith.constant 16 : i32
        %shift_right_arithmetic3A_170 = vector.broadcast %shift_right_arithmetic3A_169 : i32 to vector<16xi32>
        %shift_right_arithmetic3A_171 = arith.shrsi %get3A_168, %shift_right_arithmetic3A_170 : vector<16xi32>
        %convert_element_type3A_172 = arith.sitofp %shift_right_arithmetic3A_171 : vector<16xi32> to vector<16xf32>
        %shift_left3A_173 = arith.constant 16 : i32
        %shift_left3A_174 = vector.broadcast %shift_left3A_173 : i32 to vector<16xi32>
        %shift_left3A_175 = arith.shli %get3A_168, %shift_left3A_174 : vector<16xi32>
        %shift_right_arithmetic3A_176 = arith.constant 16 : i32
        %shift_right_arithmetic3A_177 = vector.broadcast %shift_right_arithmetic3A_176 : i32 to vector<16xi32>
        %shift_right_arithmetic3A_178 = arith.shrsi %shift_left3A_175, %shift_right_arithmetic3A_177 : vector<16xi32>
        %convert_element_type3A_179 = arith.sitofp %shift_right_arithmetic3A_178 : vector<16xi32> to vector<16xf32>
        %get3A_180 = arith.index_cast %scan3A_133 : i32 to index
        %get3A_181 = arith.constant 32 : index
        %get3A_182 = tpu.vector_load %arg12[%get3A_180, %get3A_181] {strides = array<i32>} : memref<128x64xf32, #tpu.memory_space<vmem>>, vector<1x16xf32>,
        %get3A_183 = vector.shape_cast %get3A_182 : vector<1x16xf32> to vector<16xf32>
        %mul3A_184 = arith.mulf %get3A_183, %convert_element_type3A_179 : vector<16xf32>
        %swap3A_185 = arith.index_cast %scan3A_133 : i32 to index
        %swap3A_186 = arith.constant 32 : index
        %swap3A_187 = tpu.vector_load %arg12[%swap3A_185, %swap3A_186] {strides = array<i32>} : memref<128x64xf32, #tpu.memory_space<vmem>>, vector<1x16xf32>,
        %swap3A_188 = vector.shape_cast %swap3A_187 : vector<1x16xf32> to vector<16xf32>
        %swap3A_189 = vector.shape_cast %mul3A_184 : vector<16xf32> to vector<1x16xf32>
        tpu.vector_store %arg12[%swap3A_185, %swap3A_186], %swap3A_189 {strides = array<i32>} : memref<128x64xf32, #tpu.memory_space<vmem>>, vector<1x16xf32>,
        %get3A_190 = arith.index_cast %scan3A_133 : i32 to index
        %get3A_191 = arith.constant 48 : index
        %get3A_192 = tpu.vector_load %arg12[%get3A_190, %get3A_191] {strides = array<i32>} : memref<128x64xf32, #tpu.memory_space<vmem>>, vector<1x16xf32>,
        %get3A_193 = vector.shape_cast %get3A_192 : vector<1x16xf32> to vector<16xf32>
        %mul3A_194 = arith.mulf %get3A_193, %convert_element_type3A_172 : vector<16xf32>
        %swap3A_195 = arith.index_cast %scan3A_133 : i32 to index
        %swap3A_196 = arith.constant 48 : index
        %swap3A_197 = tpu.vector_load %arg12[%swap3A_195, %swap3A_196] {strides = array<i32>} : memref<128x64xf32, #tpu.memory_space<vmem>>, vector<1x16xf32>,
        %swap3A_198 = vector.shape_cast %swap3A_197 : vector<1x16xf32> to vector<16xf32>
        %swap3A_199 = vector.shape_cast %mul3A_194 : vector<16xf32> to vector<1x16xf32>
        tpu.vector_store %arg12[%swap3A_195, %swap3A_196], %swap3A_199 {strides = array<i32>} : memref<128x64xf32, #tpu.memory_space<vmem>>, vector<1x16xf32>,
      }
      %scan3A_130 = arith.constant 128 : i32
      %add3A_131 = arith.constant 1 : i32
      %add3A_132 = arith.addi %mul3A_69, %add3A_131 : i32
      "tpu.region"() ({
        %run_scoped3A = tpu.sem_alloc : memref<!tpu.dma_semaphore, #tpu.memory_space<semaphore_mem>>
        %dma_start3A_133 = arith.constant 0 : i32
        %dma_start3A_134 = tpu.memref_slice %arg8[%add3A_132, %dma_start3A_133] : memref<8x128xi32, #tpu.memory_space<vmem>> -> memref<1x128xi32, #tpu.memory_space<vmem>>
        %dma_start3A_135 = tpu.memref_squeeze %dma_start3A_134 : memref<1x128xi32, #tpu.memory_space<vmem>> -> memref<128xi32, #tpu.memory_space<vmem>>
        %dma_start3A_136 = arith.constant 0 : i32
        %dma_start3A_137 = arith.constant 0 : i32
        %dma_start3A_138 = tpu.memref_slice %arg13[%dma_start3A_136, %dma_start3A_137] : memref<25088x64xf32, #tpu.memory_space<vmem_shared>> -> memref<25088x64xf32, #tpu.memory_space<vmem_shared>>
        tpu.enqueue_indirect_dma source(%arg12 : memref<128x64xf32, #tpu.memory_space<vmem>>) target(%dma_start3A_138 : memref<25088x64xf32, #tpu.memory_space<vmem_shared>>) offsets(%dma_start3A_135 : memref<128xi32, #tpu.memory_space<vmem>>) semaphore(%run_scoped3A : memref<!tpu.dma_semaphore, #tpu.memory_space<semaphore_mem>>) {add = true}
        %dma_wait3A_139 = arith.constant 0 : i32
        %dma_wait3A_140 = tpu.memref_slice %arg8[%add3A_132, %dma_wait3A_139] : memref<8x128xi32, #tpu.memory_space<vmem>> -> memref<1x128xi32, #tpu.memory_space<vmem>>
        %dma_wait3A_141 = tpu.memref_squeeze %dma_wait3A_140 : memref<1x128xi32, #tpu.memory_space<vmem>> -> memref<128xi32, #tpu.memory_space<vmem>>
        %dma_wait3A_142 = arith.constant 0 : i32
        %dma_wait3A_143 = arith.constant 0 : i32
        %dma_wait3A_144 = tpu.memref_slice %arg13[%dma_wait3A_142, %dma_wait3A_143] : memref<25088x64xf32, #tpu.memory_space<vmem_shared>> -> memref<25088x64xf32, #tpu.memory_space<vmem_shared>>
        tpu.wait_indirect_dma semaphore(%run_scoped3A : memref<!tpu.dma_semaphore, #tpu.memory_space<semaphore_mem>>) src(%arg12 : memref<128x64xf32, #tpu.memory_space<vmem>>) dst(%dma_wait3A_144 : memref<25088x64xf32, #tpu.memory_space<vmem_shared>>)
        tpu.yield
      }) : () -> ()
    }
    %scan3A_38 = arith.constant 196 : i32
    %barrier3A_39 = arith.constant 0 : index
    tpu.barrier barrier_id(%barrier3A_39)
    %mul3A_40 = arith.constant 1560 : i32
    %mul3A_41 = arith.muli %arg1, %mul3A_40 : i32
    %add3A_42 = arith.addi %mul3A_0, %mul3A_41 : i32
    %mul3A_43 = arith.constant 1560 : i32
    %mul3A_44 = arith.muli %arg1, %mul3A_43 : i32
    "tpu.region"() ({
      %run_scoped3A = tpu.sem_alloc : memref<!tpu.dma_semaphore, #tpu.memory_space<semaphore_mem>>
      %dma_start3A = arith.constant 0 : i32
      %dma_start3A_47 = tpu.memref_slice %arg6[%add3A_42, %dma_start3A] : memref<50000x64xf32, #tpu.memory_space<hbm>> -> memref<1560x64xf32, #tpu.memory_space<hbm>>
      %dma_start3A_48 = arith.constant 0 : i32
      %dma_start3A_49 = tpu.memref_slice %arg13[%mul3A_44, %dma_start3A_48] : memref<25088x64xf32, #tpu.memory_space<vmem_shared>> -> memref<1560x64xf32, #tpu.memory_space<vmem_shared>>
      tpu.enqueue_dma source(%dma_start3A_49 : memref<1560x64xf32, #tpu.memory_space<vmem_shared>>) target(%dma_start3A_47 : memref<1560x64xf32, #tpu.memory_space<hbm>>) target_semaphore(%run_scoped3A : memref<!tpu.dma_semaphore, #tpu.memory_space<semaphore_mem>>)
      %dma_wait3A = arith.constant 0 : i32
      %dma_wait3A_50 = tpu.memref_slice %arg6[%add3A_42, %dma_wait3A] : memref<50000x64xf32, #tpu.memory_space<hbm>> -> memref<1560x64xf32, #tpu.memory_space<hbm>>
      %dma_wait3A_51 = arith.constant 0 : i32
      %dma_wait3A_52 = tpu.memref_slice %arg13[%mul3A_44, %dma_wait3A_51] : memref<25088x64xf32, #tpu.memory_space<vmem_shared>> -> memref<1560x64xf32, #tpu.memory_space<vmem_shared>>
      tpu.wait_dma2 semaphore(%run_scoped3A : memref<!tpu.dma_semaphore, #tpu.memory_space<semaphore_mem>>) src(%dma_wait3A_52 : memref<1560x64xf32, #tpu.memory_space<vmem_shared>>) dst(%dma_wait3A_50 : memref<1560x64xf32, #tpu.memory_space<hbm>>)
      tpu.yield
    }) : () -> ()
    %eq3A = arith.constant 15 : i32
    %eq3A_45 = arith.cmpi eq, %arg1, %eq3A : i32
    %convert_element_type3A = arith.extui %eq3A_45 : i1 to i32
    %cond3A = arith.constant 0 : i32
    %cond3A_46 = arith.cmpi ne, %convert_element_type3A, %cond3A : i32
    scf.if %cond3A_46 {
      %add3A_47 = arith.constant 24960 : i32
      %add3A_48 = arith.addi %mul3A_0, %add3A_47 : i32
      "tpu.region"() ({
        %run_scoped3A = tpu.sem_alloc : memref<!tpu.dma_semaphore, #tpu.memory_space<semaphore_mem>>
        %dma_start3A = arith.constant 0 : i32
        %dma_start3A_49 = tpu.memref_slice %arg6[%add3A_48, %dma_start3A] : memref<50000x64xf32, #tpu.memory_space<hbm>> -> memref<40x64xf32, #tpu.memory_space<hbm>>
        %dma_start3A_50 = arith.constant 24960 : i32
        %dma_start3A_51 = arith.constant 0 : i32
        %dma_start3A_52 = tpu.memref_slice %arg13[%dma_start3A_50, %dma_start3A_51] : memref<25088x64xf32, #tpu.memory_space<vmem_shared>> -> memref<40x64xf32, #tpu.memory_space<vmem_shared>>
        tpu.enqueue_dma source(%dma_start3A_52 : memref<40x64xf32, #tpu.memory_space<vmem_shared>>) target(%dma_start3A_49 : memref<40x64xf32, #tpu.memory_space<hbm>>) target_semaphore(%run_scoped3A : memref<!tpu.dma_semaphore, #tpu.memory_space<semaphore_mem>>)
        %dma_wait3A = arith.constant 0 : i32
        %dma_wait3A_53 = tpu.memref_slice %arg6[%add3A_48, %dma_wait3A] : memref<50000x64xf32, #tpu.memory_space<hbm>> -> memref<40x64xf32, #tpu.memory_space<hbm>>
        %dma_wait3A_54 = arith.constant 24960 : i32
        %dma_wait3A_55 = arith.constant 0 : i32
        %dma_wait3A_56 = tpu.memref_slice %arg13[%dma_wait3A_54, %dma_wait3A_55] : memref<25088x64xf32, #tpu.memory_space<vmem_shared>> -> memref<40x64xf32, #tpu.memory_space<vmem_shared>>
        tpu.wait_dma2 semaphore(%run_scoped3A : memref<!tpu.dma_semaphore, #tpu.memory_space<semaphore_mem>>) src(%dma_wait3A_56 : memref<40x64xf32, #tpu.memory_space<vmem_shared>>) dst(%dma_wait3A_53 : memref<40x64xf32, #tpu.memory_space<hbm>>)
        tpu.yield
      }) : () -> ()
    } else {
    }
    return
  }
}

module attributes {stable_mosaic.version = 14 : i64} {
  func.func @_mlp_body(%arg0: i32, %arg1: memref<4000x256xf32, #tpu.memory_space<vmem>>, %arg2: memref<256x256xbf16, #tpu.memory_space<vmem>>, %arg3: memref<1x256xf32, #tpu.memory_space<vmem>>, %arg4: memref<256x256xbf16, #tpu.memory_space<vmem>>, %arg5: memref<1x256xf32, #tpu.memory_space<vmem>>, %arg6: memref<4000x256xf32, #tpu.memory_space<vmem>>) attributes {dimension_semantics = [#tpu.dimension_semantics<arbitrary>], iteration_bounds = array<i64: 50>, scalar_prefetch = 0 : i64, scratch_operands = 0 : i64, tpu.core_type = #tpu.core_type<tc>, window_params = [{transform_indices = @transform_0, window_bounds = array<i64: 4000, 256>}, {pipeline_mode = #tpu.pipeline_mode<synchronous>, transform_indices = @transform_1, window_bounds = array<i64: 256, 256>}, {pipeline_mode = #tpu.pipeline_mode<synchronous>, transform_indices = @transform_2, window_bounds = array<i64: 1, 256>}, {pipeline_mode = #tpu.pipeline_mode<synchronous>, transform_indices = @transform_3, window_bounds = array<i64: 256, 256>}, {pipeline_mode = #tpu.pipeline_mode<synchronous>, transform_indices = @transform_4, window_bounds = array<i64: 1, 256>}, {transform_indices = @transform_5, window_bounds = array<i64: 4000, 256>}]} {
    %get3A = arith.constant 0 : index
    %get3A_0 = arith.constant 0 : index
    %get3A_1 = vector.load %arg1[%get3A, %get3A_0] : memref<4000x256xf32, #tpu.memory_space<vmem>>, vector<4000x256xf32>
    %convert_element_type3A = arith.truncf %get3A_1 : vector<4000x256xf32> to vector<4000x256xbf16>
    %get3A_2 = arith.constant 0 : index
    %get3A_3 = arith.constant 0 : index
    %get3A_4 = vector.load %arg2[%get3A_2, %get3A_3] : memref<256x256xbf16, #tpu.memory_space<vmem>>, vector<256x256xbf16>
    %dot_general3A = arith.constant dense<0.000000e+00> : vector<4000x256xf32>
    %dot_general3A_5 = tpu.matmul %convert_element_type3A, %get3A_4, %dot_general3A {dimension_numbers = #tpu.dot_dimension_numbers<[1], [0], [0], [1], [0, 0, 1, 1], [], []>, transpose_lhs_hint = false} : vector<4000x256xbf16>, vector<256x256xbf16>, vector<4000x256xf32> -> vector<4000x256xf32>
    %get3A_6 = arith.constant 0 : index
    %get3A_7 = arith.constant 0 : index
    %get3A_8 = vector.load %arg3[%get3A_6, %get3A_7] : memref<1x256xf32, #tpu.memory_space<vmem>>, vector<1x256xf32>
    %add3A = vector.broadcast %get3A_8 : vector<1x256xf32> to vector<4000x256xf32>
    %add3A_9 = arith.addf %dot_general3A_5, %add3A : vector<4000x256xf32>
    %abs3A = math.absf %add3A_9 : vector<4000x256xf32>
    %mul3A = arith.constant -5.000000e-01 : f32
    %mul3A_10 = vector.broadcast %mul3A : f32 to vector<4000x256xf32>
    %mul3A_11 = arith.mulf %mul3A_10, %abs3A : vector<4000x256xf32>
    %exp3A = math.exp %mul3A_11 : vector<4000x256xf32>
    %mul3A_12 = arith.constant -0.0174140781 : f32
    %mul3A_13 = vector.broadcast %mul3A_12 : f32 to vector<4000x256xf32>
    %mul3A_14 = arith.mulf %mul3A_13, %exp3A : vector<4000x256xf32>
    %add3A_15 = arith.constant 0.0826912373 : f32
    %add3A_16 = vector.broadcast %add3A_15 : f32 to vector<4000x256xf32>
    %add3A_17 = arith.addf %mul3A_14, %add3A_16 : vector<4000x256xf32>
    %mul3A_18 = arith.mulf %add3A_17, %exp3A : vector<4000x256xf32>
    %add3A_19 = arith.constant -0.190354332 : f32
    %add3A_20 = vector.broadcast %add3A_19 : f32 to vector<4000x256xf32>
    %add3A_21 = arith.addf %mul3A_18, %add3A_20 : vector<4000x256xf32>
    %mul3A_22 = arith.mulf %add3A_21, %exp3A : vector<4000x256xf32>
    %add3A_23 = arith.constant 0.315747321 : f32
    %add3A_24 = vector.broadcast %add3A_23 : f32 to vector<4000x256xf32>
    %add3A_25 = arith.addf %mul3A_22, %add3A_24 : vector<4000x256xf32>
    %mul3A_26 = arith.mulf %add3A_25, %exp3A : vector<4000x256xf32>
    %add3A_27 = arith.constant -0.497373223 : f32
    %add3A_28 = vector.broadcast %add3A_27 : f32 to vector<4000x256xf32>
    %add3A_29 = arith.addf %mul3A_26, %add3A_28 : vector<4000x256xf32>
    %mul3A_30 = arith.mulf %add3A_29, %exp3A : vector<4000x256xf32>
    %add3A_31 = arith.constant 0.99984771 : f32
    %add3A_32 = vector.broadcast %add3A_31 : f32 to vector<4000x256xf32>
    %add3A_33 = arith.addf %mul3A_30, %add3A_32 : vector<4000x256xf32>
    %mul3A_34 = arith.mulf %add3A_33, %exp3A : vector<4000x256xf32>
    %add3A_35 = arith.constant 1.47206504E-6 : f32
    %add3A_36 = vector.broadcast %add3A_35 : f32 to vector<4000x256xf32>
    %add3A_37 = arith.addf %mul3A_34, %add3A_36 : vector<4000x256xf32>
    %max3A = arith.constant 0.000000e+00 : f32
    %max3A_38 = vector.broadcast %max3A : f32 to vector<4000x256xf32>
    %max3A_39 = arith.maximumf %add3A_9, %max3A_38 : vector<4000x256xf32>
    %mul3A_40 = arith.constant 2.000000e+00 : f32
    %mul3A_41 = vector.broadcast %mul3A_40 : f32 to vector<4000x256xf32>
    %mul3A_42 = arith.mulf %mul3A_41, %add3A_37 : vector<4000x256xf32>
    %add3A_43 = arith.addf %max3A_39, %mul3A_42 : vector<4000x256xf32>
    %convert_element_type3A_44 = arith.truncf %add3A_43 : vector<4000x256xf32> to vector<4000x256xbf16>
    %get3A_45 = arith.constant 0 : index
    %get3A_46 = arith.constant 0 : index
    %get3A_47 = vector.load %arg4[%get3A_45, %get3A_46] : memref<256x256xbf16, #tpu.memory_space<vmem>>, vector<256x256xbf16>
    %dot_general3A_48 = arith.constant dense<0.000000e+00> : vector<4000x256xf32>
    %dot_general3A_49 = tpu.matmul %convert_element_type3A_44, %get3A_47, %dot_general3A_48 {dimension_numbers = #tpu.dot_dimension_numbers<[1], [0], [0], [1], [0, 0, 1, 1], [], []>, transpose_lhs_hint = false} : vector<4000x256xbf16>, vector<256x256xbf16>, vector<4000x256xf32> -> vector<4000x256xf32>
    %get3A_50 = arith.constant 0 : index
    %get3A_51 = arith.constant 0 : index
    %get3A_52 = vector.load %arg5[%get3A_50, %get3A_51] : memref<1x256xf32, #tpu.memory_space<vmem>>, vector<1x256xf32>
    %add3A_53 = vector.broadcast %get3A_52 : vector<1x256xf32> to vector<4000x256xf32>
    %add3A_54 = arith.addf %dot_general3A_49, %add3A_53 : vector<4000x256xf32>
    %swap3A = arith.constant 0 : index
    %swap3A_55 = arith.constant 0 : index
    %swap3A_56 = vector.load %arg6[%swap3A, %swap3A_55] : memref<4000x256xf32, #tpu.memory_space<vmem>>, vector<4000x256xf32>
    tpu.vector_store %arg6[%swap3A, %swap3A_55], %add3A_54 {strides = array<i32>} : memref<4000x256xf32, #tpu.memory_space<vmem>>, vector<4000x256xf32>,
    return
  }
  func.func @transform_0(%arg0: i32) -> (i32, i32) {
    %c0_i32 = arith.constant 0 : i32
    %c0_i32_0 = arith.constant 0 : i32
    return %arg0, %c0_i32 : i32, i32
  }
  func.func @transform_1(%arg0: i32) -> (i32, i32) {
    %c0_i32 = arith.constant 0 : i32
    %c0_i32_0 = arith.constant 0 : i32
    %c0_i32_1 = arith.constant 0 : i32
    return %c0_i32, %c0_i32_0 : i32, i32
  }
  func.func @transform_2(%arg0: i32) -> (i32, i32) {
    %c0_i32 = arith.constant 0 : i32
    %c0_i32_0 = arith.constant 0 : i32
    %c0_i32_1 = arith.constant 0 : i32
    return %c0_i32, %c0_i32_0 : i32, i32
  }
  func.func @transform_3(%arg0: i32) -> (i32, i32) {
    %c0_i32 = arith.constant 0 : i32
    %c0_i32_0 = arith.constant 0 : i32
    %c0_i32_1 = arith.constant 0 : i32
    return %c0_i32, %c0_i32_0 : i32, i32
  }
  func.func @transform_4(%arg0: i32) -> (i32, i32) {
    %c0_i32 = arith.constant 0 : i32
    %c0_i32_0 = arith.constant 0 : i32
    %c0_i32_1 = arith.constant 0 : i32
    return %c0_i32, %c0_i32_0 : i32, i32
  }
  func.func @transform_5(%arg0: i32) -> (i32, i32) {
    %c0_i32 = arith.constant 0 : i32
    %c0_i32_0 = arith.constant 0 : i32
    return %arg0, %c0_i32 : i32, i32
  }
}

</mosaic_0001>

<sc_bundles>
// kernel: kernel.4.cloned.1.call-start
scs
__scs_entry_jumppad:
0x0: {  	(pc) =	sbr.rel $0x88, $3  }
0x1: {  	(tag) =	ssettag $0x0;
	lr =	simm.s32 $0x1  }
0x2: {  	[smem:$0x3F9A] =	sst lr;
	_ =	strace $0xD0000000  }
0x3: {  	_ = 	snop  }
0x4: {  	_ = 	snop  }
0x5: {  	_ = 	snop  }
0x6: {  	_ = 	snop  }
0x7: {  	_ = 	snop  }
__scs_overlays_trampoline_lowered:
0x8: {  	[smem:$0x3FA9] =	sst s0  }
0x9: {  	[smem:$0x3FAA] =	sst s1  }
0xa: {  	[smem:$0x3FAB] =	sst s2  }
0xb: {  	[smem:$0x3FAC] =	sst s3  }
0xc: {  	[smem:$0x3FAD] =	sst s4  }
0xd: {  	[smem:$0x3FAE] =	sst s5  }
0xe: {  	[smem:$0x3FAF] =	sst s6  }
0xf: {  	[smem:$0x3FB0] =	sst s7  }
0x10: {  	[smem:$0x3FB1] =	sst s8  }
0x11: {  	[smem:$0x3FB2] =	sst s9;
	s0 =	simm.s32 @!p0 $0x0  }
0x12: {  	s1 =	sld [smem:$0x3F98];
	s0 =	simm.s32 @p0 $0x1  }
0x13: {  	[smem:$0x3FB3] =	sst s0;
	s0 =	simm.s32 @!p1 $0x0  }
0x14: {  	s2 =	sld [smem:$0x3F97];
	s0 =	simm.s32 @p1 $0x1  }
0x15: {  	[smem:$0x3FB4] =	sst s0;
	s0 =	simm.s32 @!p2 $0x0  }
0x16: {  	s3 =	sld [smem:$0x3FDB];
	s0 =	simm.s32 @p2 $0x1  }
0x17: {  	s4 =	simm.s32 $0x1BF5;
	[smem:$0x3FB6] =	sst s0  }
0x18: {  	s0 =	sld [smem:$0x3F99];
	_ =	swait.ge [sflag:s4], $0x0  }
0x19: {  	s7 =	sld [smem:$0x3F9A]  }
0x1a: {  	s8 =	sadd.s32 $0xFFFFE003, lr  }
0x1b: {  	s9 =	sadd.s32 $0xFFFFFEF7, lr;
	s5 =	simm.s32 $0xFFFFFFFF;
	p2 =	slt.u32 s8, $0xFFFFF086  }
0x1c: {  	p1 =	slt.u32 s9, $0xF7A;
	s5 =	simm.s32 @!p2 $0x0  }
0x1d: {  	s5 =	simm.s32 @p1 $0x1;
	p0 =	seq.s32 s7, s2  }
0x1e: {  	s7 =	smul.u32 @!p0 $0xF7A, s2;
	p2 =	seq.s32 @!p0 s5, $0x0  }
0x1f: {  	s9 =	smul.u32 $0xF7A, s1;
	s8 =	simm.s32 @!p0 $0x1BF5;
	p2 =	por !p2, p0  }
0x20: {  	[sflag:s8] =	ssyncset.s32 @!p0 $0xFFFFF086;
	s6 =	sadd.s32 @!p0 s3, s7;
	s7 =	simm.s32 @!p0 $0x108  }
0x21: {  	s3 =	sadd.s32 s3, s9;
	s6 =	sadd.s32 @!p0 $0x88, s6;
	s7 =	simm.s32 @p2 $0x1082  }
0x22: {  	[simem:s7], [sflag:s8] =	dma.local @!p0 [hbm:s6], $0xF7A  }
0x23: {  	s9 =	sor.u32 $0xD0000000, s2;
	s6 =	simm.s32 $0x108;
	_ =	swait.ge @!p0 [sflag:s8], $0x0  }
0x24: {  	s3 =	sadd.s32 $0x88, s3;
	s6 =	simm.s32 @!p1 $0x1082;
	[sflag:s4] =	ssyncset.s32 $0xFFFFF086  }
0x25: {  	[simem:s6], [sflag:s4] =	dma.local [hbm:s3], $0xF7A  }
0x26: {  	[smem:$0x3F9A] =	sst s1;
	(tag) =	ssettag s2;
	_ =	strace s9  }
0x27: {  	s1 =	sld [smem:$0x3FAA]  }
0x28: {  	s2 =	sld [smem:$0x3FAB]  }
0x29: {  	s4 =	sld [smem:$0x3FAD]  }
0x2a: {  	p0 =	seq.s32 s5, $0x0;
	s5 =	sld [smem:$0x3FAE]  }
0x2b: {  	s6 =	sld [smem:$0x3FAF]  }
0x2c: {  	s7 =	sld [smem:$0x3FB0]  }
0x2d: {  	s3 =	simm.s32 $0x108;
	s8 =	sld [smem:$0x3FB1]  }
0x2e: {  	s3 =	simm.s32 @!p0 $0x1082;
	s9 =	sld [smem:$0x3FB2]  }
0x2f: {  	lr =	sadd.s32 s0, s3;
	s0 =	sld [smem:$0x3FA9]  }
0x30: {  	s3 =	sld [smem:$0x3FAC]  }
0x31: {  	[smem:$0x3FB5] =	sst s10  }
0x32: {  	s10 =	sld [smem:$0x3FB3];
	_ =	sdelay $0x3  }
0x33: {  	p0 =	seq.s32 s10, $0x1;
	s10 =	sld [smem:$0x3FB5];
	_ =	sdelay $0x3  }
0x34: {  	[smem:$0x3FB5] =	sst s10  }
0x35: {  	s10 =	sld [smem:$0x3FB4];
	_ =	sdelay $0x3  }
0x36: {  	p1 =	seq.s32 s10, $0x1;
	s10 =	sld [smem:$0x3FB5];
	_ =	sdelay $0x3  }
0x37: {  	[smem:$0x3FB5] =	sst s10  }
0x38: {  	s10 =	sld [smem:$0x3FB6]  }
0x39: {  	_ = 	snop;
	(pc) =	sbr.ind lr, $3  }
0x3a: {  	_ = 	snop  }
0x3b: {  	_ = 	snop  }
0x3c: {  	p2 =	seq.s32 s10, $0x1;
	s10 =	sld [smem:$0x3FB5]  }
0x3d: {  	_ =	shalt  }
0x3e: {  	_ =	shalt  }
0x3f: {  	_ =	shalt  }
0x40: {  	_ =	shalt  }
0x41: {  	_ =	shalt  }
0x42: {  	_ =	shalt  }
0x43: {  	_ =	shalt  }
0x44: {  	_ =	shalt  }
0x45: {  	_ =	shalt  }
0x46: {  	_ =	shalt  }
0x47: {  	_ =	shalt  }
0x48: {  	_ =	shalt  }
0x49: {  	_ =	shalt  }
0x4a: {  	_ =	shalt  }
0x4b: {  	_ =	shalt  }
0x4c: {  	_ =	shalt  }
0x4d: {  	_ =	shalt  }
0x4e: {  	_ =	shalt  }
0x4f: {  	_ =	shalt  }
0x50: {  	_ =	shalt  }
0x51: {  	_ =	shalt  }
0x52: {  	_ =	shalt  }
0x53: {  	_ =	shalt  }
0x54: {  	_ =	shalt  }
0x55: {  	_ =	shalt  }
0x56: {  	_ =	shalt  }
0x57: {  	_ =	shalt  }
0x58: {  	_ =	shalt  }
0x59: {  	_ =	shalt  }
0x5a: {  	_ =	shalt  }
0x5b: {  	_ =	shalt  }
0x5c: {  	_ =	shalt  }
0x5d: {  	_ =	shalt  }
0x5e: {  	_ =	shalt  }
0x5f: {  	_ =	shalt  }
0x60: {  	_ =	shalt  }
0x61: {  	_ =	shalt  }
0x62: {  	_ =	shalt  }
0x63: {  	_ =	shalt  }
0x64: {  	_ =	shalt  }
0x65: {  	_ =	shalt  }
0x66: {  	_ =	shalt  }
0x67: {  	_ =	shalt  }
0x68: {  	_ =	shalt  }
0x69: {  	_ =	shalt  }
0x6a: {  	_ =	shalt  }
0x6b: {  	_ =	shalt  }
0x6c: {  	_ =	shalt  }
0x6d: {  	_ =	shalt  }
0x6e: {  	_ =	shalt  }
0x6f: {  	_ =	shalt  }
0x70: {  	_ =	shalt  }
0x71: {  	_ =	shalt  }
0x72: {  	_ =	shalt  }
0x73: {  	_ =	shalt  }
0x74: {  	_ =	shalt  }
0x75: {  	_ =	shalt  }
0x76: {  	_ =	shalt  }
0x77: {  	_ =	shalt  }
0x78: {  	_ =	shalt  }
0x79: {  	_ =	shalt  }
0x7a: {  	_ =	shalt  }
0x7b: {  	_ =	shalt  }
0x7c: {  	_ =	shalt  }
0x7d: {  	_ =	shalt  }
0x7e: {  	_ =	shalt  }
0x7f: {  	_ =	shalt  }
0x80: {  	_ =	shalt  }
0x81: {  	_ =	shalt  }
0x82: {  	_ =	shalt  }
0x83: {  	_ =	shalt  }
0x84: {  	_ =	shalt  }
0x85: {  	_ =	shalt  }
0x86: {  	_ =	shalt  }
0x87: {  	_ =	shalt  }
.Lfunc_end0:
.L_simem_size_0:
called_computation.1_lowered:
.L_overlay_start_0:
0x88: {  	s2 =	sld [smem:$0x3FD9]  }
0x89: {  	s3 =	sld [smem:$0x3FFE];
	_ =	sdelay $0x1  }
0x8a: {  	s1 =	srdreg.scid  }
0x8b: {  	s0 =	sand.u32 $0x1, s1  }
0x8c: {  	s17 =	sshll.u32 s0, $0xA;
	s2 =	sadd.s32 s3, s2  }
0x8d: {  	s2 =	sadd.s32 s2, s17  }
0x8e: {  	[smem:$0x3FC1] =	sst s2  }
0x8f: {  	_ = 	snop  }
0x90: {  	s2 =	sld [smem:$0x3FD0];
	(tm) =	ssettm $0x1  }
0x91: {  	s18 =	sld [smem:$0x3FFB];
	_ =	sdelay $0x3  }
0x92: {  	_ =	strace s18  }
0x93: {  	s3 =	sld [smem:$0x3FFC];
	_ =	sdelay $0x3  }
0x94: {  	_ =	strace s3  }
0x95: {  	s3 =	sld [smem:$0x3FFD];
	_ =	sdelay $0x3  }
0x96: {  	_ =	strace s3  }
0x97: {  	_ =	strace $0x8FFFFFFF  }
0x98: {  	s19 =	sld [smem:$0x3FDB];
	_ =	sdelay $0x1  }
0x99: {  	s4 =	simm.s32 $_scs_section_size  }
0x9a: {  	s5 =	simm.s32 $_size__tile_overlayer_lowered;
	s6 =	simm.s32 $_tile_overlayer_lowered  }
0x9b: {  	s22 =	simm.s32 $0x1BFF;
	s21 =	sshll.u32 s6, $0x1;
	s3 =	sadd.s32 s4, s19  }
0x9c: {  	s7 =	simm.s32 $0x0;
	s20 =	sshll.u32 s5, $0x1;
	s5 =	sadd.s32 s21, s3  }
0x9d: {  	[timem:s7], [sflag:s22] =	dma.local [hbm:s5], s20  }
0x9e: {  	_ =	swait.ge [sflag:s22], s20  }
0x9f: {  	s4 =	ssub.s32 $0x0, s20;
	[sflag:s22] =	ssyncset.done $0x0  }
0xa0: {  	[sflag:s22] =	ssyncadd.s32 s4;
	_ =	sdelay $0x1  }
0xa1: {  	s23 =	simm.s32 $0x1B8B  }
0xa2: {  	_ =	swait.ge [sflag:s23], $0x1  }
0xa3: {  	[sflag:s23] =	ssyncset.done $0x0  }
0xa4: {  	s25 =	simm.s32 $0x1B8E;
	s24 =	sld [smem:$0x3FFE];
	[sflag:s23] =	ssyncadd.s32 $0xFFFFFFFF  }
0xa5: {  	s26 =	simm.s32 $execute0_lowered;
	[smem:$0x3FD2] =	sst s25  }
0xa6: {  	s5 =	sshll.u32 s26, $0x1;
	_ =	strace $0x80000049;
	[dreg:$0x1] =	wrdreg $0xFFFFFFFF  }
0xa7: {  	s28 =	simm.s32 $_size_execute0_lowered;
	s3 =	sadd.s32 s3, s5;
	[dreg:$0x0] =	wrdreg $0x0  }
0xa8: {  	s5 =	sshll.u32 s28, $0x1;
	[dreg:$0x2] =	wrdreg s3  }
0xa9: {  	[dreg:$0x3] =	wrdreg s5  }
0xaa: {  	[dreg:$0x4] =	wrdreg $0xC0  }
0xab: {  	_ =	task [dreg:s7], $0x5FFFF  }
0xac: {  	[dreg:$0x1] =	wrdreg $0xFFFFFFFF  }
0xad: {  	[dreg:$0x0] =	wrdreg $0x60  }
0xae: {  	[dreg:$0x2] =	wrdreg s24  }
0xaf: {  	[dreg:$0x3] =	wrdreg s2  }
0xb0: {  	[dreg:$0x4] =	wrdreg $0x68000  }
0xb1: {  	[dreg:$0x5] =	wrdreg $0x9  }
0xb2: {  	_ =	task.clear_ibuf [dreg:s7], $0x6FFFF;
	_ =	strace $0x90000049  }
0xb3: {  	s29 =	simm.s32 $0x9;
	_ =	strace $0x8000004B  }
0xb4: {  	_ =	swait.ge [sflag:s29], $0x1  }
0xb5: {  	[sflag:s29] =	ssyncadd.s32 $0xFFFFFFFF  }
0xb6: {  	_ =	strace $0x9000004B  }
0xb7: {  	_ =	sfence  }
0xb8: {  	s30 =	sld [smem:$0x0];
	_ =	sdelay $0x2  }
0xb9: {  	s31 =	sshll.u32 s1, $0xD;
	s1 =	sshrl.u32 s1, $0x2  }
0xba: {  	s3 =	sand.u32 $0x4000, s31;
	s1 =	sadd.s32 s1, s30  }
0xbb: {  	s0 =	sor.u32 s3, s0;
	s1 =	sshll.u32 s1, $0x11  }
0xbc: {  	s0 =	sor.u32 s1, s0  }
0xbd: {  	s0 =	sadd.s32 $0x8F2B, s0  }
0xbe: {  	[sflag:s0] =	ssyncadd.remote.s32 $0x1  }
0xbf: {  	_ =	sfence.sel $0xFFFF  }
0xc0: {  	[dreg:$0x0] =	wrdreg $0xFFFFFFFF;
	(pc) =	sbr.abs _section_cstart, $3  }
0xc1: {  	[dreg:$0x1] =	wrdreg $0xFFFFFFFF  }
0xc2: {  	_ =	task.clear_ibuf [dreg:s7], $0x2FFFF;
	_ =	strace $0x9FFFFFFF  }
0xc3: {  	(tm) =	ssettm $0x7FFFFFFF  }
tec
execute0_lowered:
.L_overlay_start_1:
0x0: {  	(tag) =	ssettag $0x1  }
0x1: {  	s0 =	rddreg [dreg:$0x0]  }
0x2: {  	s2 =	rddreg [dreg:$0x1]  }
0x3: {  	s1 =	rddreg [dreg:$0x2];
	s3 =	simm.s32 $0x0  }
0x4: {  	s4 =	srdreg.scid;
	s12 =	stileid.u32;
	s29 =	simm.s32 $0x2800  }
0x5: {  	s30 =	simm.s32 $0x5;
	s31 =	simm.s32 $0x400;
	[smem:$0x7FF] =	sst s3  }
0x6: {  	s9 =	sand.u32 $0x1, s4;
	s7 =	smul.u32 $0x62000, s12;
	s4 =	sadd.s32 $0xC66800, s0  }
0x7: {  	s5 =	sadd.s32 $0x61B000, s0;
	s6 =	sadd.s32 $0xC4E000, s0;
	s19 =	smul.u32 $0x618, s12  }
0x8: {  	s23 =	smul.u32 $0x61800, s12;
	p0 =	sne.s32 s12, $0xF;
	s8 =	ssub.s32 $0x2, s9  }
0x9: {  	s28 =	smul.u32 $0x188, s12;
	s10 =	sshrl.u32 s8, $0x1;
	s11 =	sshrl.u32 s7, $0x2  }
0xa: {  	s12 =	simm.s32 $0x3;
	s26 =	ssub.s32 s8, s10;
	s8 =	sadd.s32 s11, s1  }
0xb: {  	_ =	strace $0x8000004A;
	s20 =	smul.u32 $0x61A8, s9;
	s11 =	sadd.s32 $0x2000, s8  }
0xc: {  	s9 =	smul.u32 $0x186A00, s9;
	s13 =	sadd.s32 $0x4000, s8;
	[dreg:$0x4] =	wrdreg s11  }
0xd: {  	s7 =	sadd.s32 $0xC35800, s0;
	s14 =	sadd.s32 $0x6000, s8;
	[dreg:$0x5] =	wrdreg s13  }
0xe: {  	s24 =	sshrl.u32 s23, $0x2;
	s15 =	sadd.s32 $0x8000, s8;
	[dreg:$0x6] =	wrdreg s14  }
0xf: {  	s10 =	sadd.s32 s19, s20;
	s16 =	sadd.s32 $0xA000, s8;
	[dreg:$0x7] =	wrdreg s15  }
0x10: {  	s9 =	sshrl.u32 s9, $0x3;
	s17 =	sadd.s32 $0xC000, s8;
	[dreg:$0x8] =	wrdreg s16  }
0x11: {  	s25 =	sadd.s32 s24, s1;
	s18 =	sadd.s32 $0xE000, s8;
	[dreg:$0x9] =	wrdreg s17  }
0x12: {  	s21 =	sadd.s32 $0x12000, s8;
	s22 =	sadd.s32 $0x14000, s8;
	[dreg:$0xa] =	wrdreg s18  }
0x13: {  	s10 =	sshll.u32 s10, $0x3;
	s0 =	smax.u32 s26, $0x1;
	[dreg:$0xc] =	wrdreg s21  }
0x14: {  	s26 =	sshrl.u32 s25, $0x3;
	s11 =	sadd.s32 $0x10000, s8;
	[dreg:$0xd] =	wrdreg s22  }
0x15: {  	s13 =	sadd.s32 $0x16000, s8;
	s10 =	sadd.s32 s2, s10;
	[dreg:$0x11] =	wrdreg s0  }
0x16: {  	s2 =	sadd.s32 s2, s9;
	[dreg:$0x12] =	wrdreg s26;
	s26 =	sadd.s32 $0x18000, s8  }
0x17: {  	s0 =	simm.s32 $0x80;
	s14 =	simm.s32 $0x4;
	[dreg:$0xb] =	wrdreg s11  }
0x18: {  	s15 =	simm.s32 $0x2;
	s16 =	simm.s32 $0x0;
	[dreg:$0xe] =	wrdreg s13  }
0x19: {  	[dreg:$0xf] =	wrdreg s10;
	s2 =	sadd.s32 $0x30C00, s2;
	s10 =	simm.s32 $0x1800  }
0x1a: {  	s11 =	simm.s32 $0x4800;
	[dreg:$0x10] =	wrdreg s2;
	s2 =	sadd.s32 $0x186000, s1  }
0x1b: {  	v0 =	vimm.f32 $0.0e+00;
	s13 =	simm.s32 $0x1;
	s25 =	sshrl.u32 @!p0 s2, $0x3;
	s2 =	simm.s32 $0x800  }
.LBB2_1:
0x1c: {  	s17 =	simm.s32 $0x100;
	s9 =	simm.s32 $0x0  }
.LBB2_2:
0x1d: {  	p1 =	sne.s32 s17, $0x7F00;
	[tilespmem:s9+$0x2830] =	vst v0;
	s18 =	smov.u32 s17;
	s17 =	sadd.s32 $0x100, s17  }
.Ltmp0:
0x1e: {  	[tilespmem:s9+$0x2820] =	vst v0;
	(pc) =	sbr.rel @p1 .LBB2_2-.Ltmp0, $3  }
0x1f: {  	[tilespmem:s9+$0x2800] =	vst v0  }
0x20: {  	[tilespmem:s9+$0x2810] =	vst v0;
	_ =	sdelay $0x1  }
0x21: {  	s9 =	sshra.s32 s18, $0x2  }
0x22: {  	[tilespmem:s9+$0x2830] =	vst v0  }
0x23: {  	[tilespmem:s9+$0x2820] =	vst v0  }
0x24: {  	[tilespmem:s9+$0x2800] =	vst v0  }
0x25: {  	[tilespmem:s9+$0x2810] =	vst v0  }
0x26: {  	[spmem:s8] =	stream.linear.scatter [tilespmem:s29], [sflag:$0x5], $0x2000, $0x38;
	[tilespmem:$0x1F000] =	vst v63  }
0x27: {  	_ =	swait.ge [sflag:s30], $0x2000  }
0x28: {  	[sflag:s30] =	ssyncset.done $0x0  }
0x29: {  	s21 =	rddreg [dreg:$0x4];
	[sflag:s30] =	ssyncadd.s32 $0xFFFFE000  }
0x2a: {  	[spmem:s21] =	stream.linear.scatter [tilespmem:s29], [sflag:$0x5], $0x2000, $0x38;
	[tilespmem:$0x1F000] =	vst v63  }
0x2b: {  	_ =	swait.ge [sflag:s30], $0x2000  }
0x2c: {  	[sflag:s30] =	ssyncset.done $0x0  }
0x2d: {  	s22 =	rddreg [dreg:$0x5];
	[sflag:s30] =	ssyncadd.s32 $0xFFFFE000  }
0x2e: {  	[spmem:s22] =	stream.linear.scatter [tilespmem:s29], [sflag:$0x5], $0x2000, $0x38;
	[tilespmem:$0x1F000] =	vst v63  }
0x2f: {  	_ =	swait.ge [sflag:s30], $0x2000  }
0x30: {  	[sflag:s30] =	ssyncset.done $0x0  }
0x31: {  	s23 =	rddreg [dreg:$0x6];
	[sflag:s30] =	ssyncadd.s32 $0xFFFFE000  }
0x32: {  	[spmem:s23] =	stream.linear.scatter [tilespmem:s29], [sflag:$0x5], $0x2000, $0x38;
	[tilespmem:$0x1F000] =	vst v63  }
0x33: {  	_ =	swait.ge [sflag:s30], $0x2000  }
0x34: {  	[sflag:s30] =	ssyncset.done $0x0  }
0x35: {  	s24 =	rddreg [dreg:$0x7];
	[sflag:s30] =	ssyncadd.s32 $0xFFFFE000  }
0x36: {  	[spmem:s24] =	stream.linear.scatter [tilespmem:s29], [sflag:$0x5], $0x2000, $0x38;
	[tilespmem:$0x1F000] =	vst v63  }
0x37: {  	_ =	swait.ge [sflag:s30], $0x2000  }
0x38: {  	[sflag:s30] =	ssyncset.done $0x0  }
0x39: {  	s17 =	rddreg [dreg:$0x8];
	[sflag:s30] =	ssyncadd.s32 $0xFFFFE000  }
0x3a: {  	[spmem:s17] =	stream.linear.scatter [tilespmem:s29], [sflag:$0x5], $0x2000, $0x38;
	[tilespmem:$0x1F000] =	vst v63  }
0x3b: {  	_ =	swait.ge [sflag:s30], $0x2000  }
0x3c: {  	[sflag:s30] =	ssyncset.done $0x0  }
0x3d: {  	s18 =	rddreg [dreg:$0x9];
	[sflag:s30] =	ssyncadd.s32 $0xFFFFE000  }
0x3e: {  	[spmem:s18] =	stream.linear.scatter [tilespmem:s29], [sflag:$0x5], $0x2000, $0x38;
	[tilespmem:$0x1F000] =	vst v63  }
0x3f: {  	_ =	swait.ge [sflag:s30], $0x2000  }
0x40: {  	[sflag:s30] =	ssyncset.done $0x0  }
0x41: {  	s19 =	rddreg [dreg:$0xa];
	[sflag:s30] =	ssyncadd.s32 $0xFFFFE000  }
0x42: {  	[spmem:s19] =	stream.linear.scatter [tilespmem:s29], [sflag:$0x5], $0x2000, $0x38;
	[tilespmem:$0x1F000] =	vst v63  }
0x43: {  	_ =	swait.ge [sflag:s30], $0x2000  }
0x44: {  	[sflag:s30] =	ssyncset.done $0x0  }
0x45: {  	s21 =	rddreg [dreg:$0xb];
	[sflag:s30] =	ssyncadd.s32 $0xFFFFE000  }
0x46: {  	[spmem:s21] =	stream.linear.scatter [tilespmem:s29], [sflag:$0x5], $0x2000, $0x38;
	[tilespmem:$0x1F000] =	vst v63  }
0x47: {  	_ =	swait.ge [sflag:s30], $0x2000  }
0x48: {  	[sflag:s30] =	ssyncset.done $0x0  }
0x49: {  	s22 =	rddreg [dreg:$0xc];
	[sflag:s30] =	ssyncadd.s32 $0xFFFFE000  }
0x4a: {  	[spmem:s22] =	stream.linear.scatter [tilespmem:s29], [sflag:$0x5], $0x2000, $0x38;
	[tilespmem:$0x1F000] =	vst v63  }
0x4b: {  	_ =	swait.ge [sflag:s30], $0x2000  }
0x4c: {  	[sflag:s30] =	ssyncset.done $0x0  }
0x4d: {  	s23 =	rddreg [dreg:$0xd];
	[sflag:s30] =	ssyncadd.s32 $0xFFFFE000  }
0x4e: {  	[spmem:s23] =	stream.linear.scatter [tilespmem:s29], [sflag:$0x5], $0x2000, $0x38;
	[tilespmem:$0x1F000] =	vst v63  }
0x4f: {  	_ =	swait.ge [sflag:s30], $0x2000  }
0x50: {  	[sflag:s30] =	ssyncset.done $0x0  }
0x51: {  	s24 =	rddreg [dreg:$0xe];
	[sflag:s30] =	ssyncadd.s32 $0xFFFFE000  }
0x52: {  	[spmem:s24] =	stream.linear.scatter [tilespmem:s29], [sflag:$0x5], $0x2000, $0x38;
	[tilespmem:$0x1F000] =	vst v63  }
0x53: {  	_ =	swait.ge [sflag:s30], $0x2000  }
0x54: {  	[sflag:s30] =	ssyncset.done $0x0  }
0x55: {  	[sflag:s30] =	ssyncadd.s32 $0xFFFFE000  }
0x56: {  	[spmem:s26] =	stream.linear.scatter [tilespmem:s29], [sflag:$0x5], $0x800, $0x38;
	[tilespmem:$0x1F000] =	vst v63  }
0x57: {  	_ =	swait.ge [sflag:s30], $0x800  }
0x58: {  	[sflag:s30] =	ssyncset.done $0x0  }
0x59: {  	[sflag:s30] =	ssyncadd.s32 $0xFFFFF800  }
0x5a: {  	s17 =	simm.s32 $0x0;
	[bflag:$0x0] =	sbarrier.arrive $0xFFFF  }
.LBB2_4:
0x5b: {  	s19 =	sand.u32 $0x3, s17  }
0x5c: {  	p1 =	sne.s32 s19, $0x0  }
.Ltmp1:
0x5d: {  	_ = 	snop;
	(pc) =	sbr.rel @p1 .LBB2_6-.Ltmp1, $3  }
0x5e: {  	_ =	sdelay $0x1  }
0x5f: {  	s9 =	sshll.u32 s17, $0x1  }
0x60: {  	s18 =	sadd.s32 s28, s9  }
0x61: {  	s9 =	sshll.u32 s18, $0x4  }
0x62: {  	s21 =	sadd.s32 s6, s9  }
0x63: {  	[tilespmem:s3], [sflag:$0x5] =	stream.linear.gather [hbm4b:s21+s3], $0x400, $0x38;
	[tilespmem:$0x1F000] =	vst v63  }
0x64: {  	_ =	swait.ge [sflag:s30], $0x400  }
0x65: {  	[sflag:s30] =	ssyncset.done $0x0  }
0x66: {  	s9 =	sadd.s32 s7, s9;
	[sflag:s30] =	ssyncadd.s32 $0xFFFFFC00  }
0x67: {  	[tilespmem:s31], [sflag:$0x5] =	stream.linear.gather [hbm4b:s9+s3], $0x400, $0x38;
	[tilespmem:$0x1F000] =	vst v63  }
0x68: {  	_ =	swait.ge [sflag:s30], $0x400  }
0x69: {  	[sflag:s30] =	ssyncset.done $0x0  }
0x6a: {  	[sflag:s30] =	ssyncadd.s32 $0xFFFFFC00  }
0x6b: {  	v1 =	vld [tilespmem:$0x400]  }
0x6c: {  	v2 =	vld [tilespmem:$0x410]  }
0x6d: {  	v3 =	vld [tilespmem:$0x420]  }
0x6e: {  	v4 =	vld [tilespmem:$0x430]  }
0x6f: {  	v6 =	vld [tilespmem:$0x440]  }
0x70: {  	v7 =	vld [tilespmem:$0x450]  }
0x71: {  	v8 =	vld [tilespmem:$0x460]  }
0x72: {  	p1 =	slt.u32 s18, $0x186A;
	s9 =	smov.u32 s20;
	v10 =	vld [tilespmem:$0x480]  }
0x73: {  	s9 =	simm.s32 @!p1 $0xC390;
	v59 =	vld [tilespmem:$0x490]  }
0x74: {  	v14 =	vmov s9;
	s24 =	sadd.s32 $0x61A8, s9;
	v11 =	vld [tilespmem:$0x4A0];
	vm0 =	vge.s32 v1, s9  }
0x75: {  	v15 =	vld [tilespmem:$0x4C0];
	vm1 =	vlt.s32 v1, s24;
	vm2 =	vge.s32 v2, s9;
	vm3 =	vlt.s32 v2, s24  }
0x76: {  	v17 =	vld [tilespmem:$0x4E0];
	v1 =	vsub.s32 v1, v14;
	v2 =	vsub.s32 v2, v14;
	vm11 =	vge.s32 v3, s9  }
0x77: {  	vm12 =	vlt.s32 v3, s24;
	vm14 =	vge.s32 v4, s9;
	vm15 =	vlt.s32 v4, s24  }
0x78: {  	v9 =	vld [tilespmem:$0x470];
	vm5 =	vge.s32 v6, s9;
	vm6 =	vlt.s32 v6, s24;
	vm7 =	vge.s32 v7, s9  }
0x79: {  	vm8 =	vlt.s32 v7, s24;
	v55 =	vsub.s32 v6, v14;
	v56 =	vsub.s32 v7, v14  }
0x7a: {  	vm9 =	vge.s32 v8, s9;
	v61 =	vsub.s32 v10, v14;
	v6 =	vsub.s32 v59, v14  }
0x7b: {  	v62 =	vsub.s32 v11, v14;
	v35 =	vsub.s32 v15, v14;
	v37 =	vsub.s32 v17, v14  }
0x7c: {  	vm0 =	vmand vm0, vm1;
	vm10 =	vmand vm2, vm3;
	vm13 =	vmand vm11, vm12  }
0x7d: {  	vm4 =	vmand vm14, vm15;
	vm1 =	vmand vm7, vm8;
	vm11 =	vge.s32 v9, s9  }
0x7e: {  	vm12 =	vlt.s32 v9, s24;
	v9 =	vsub.s32 v9, v14;
	vm14 =	vge.s32 v10, s9  }
0x7f: {  	vm15 =	vlt.s32 v10, s24;
	vm8 =	vge.s32 v11, s9;
	v5 =	vnsel vm0, $0x61A8, v1  }
0x80: {  	v13 =	vld [tilespmem:$0x4B0];
	v1 =	vnsel vm10, $0x61A8, v2;
	v2 =	vsub.s32 v3, v14;
	v3 =	vsub.s32 v4, v14  }
0x81: {  	vm0 =	vmand vm5, vm6;
	v58 =	vnsel vm1, $0x61A8, v56;
	vm10 =	vlt.s32 v8, s24  }
0x82: {  	v16 =	vld [tilespmem:$0x4D0];
	v8 =	vsub.s32 v8, v14;
	vm5 =	vge.s32 v59, s9;
	vm6 =	vlt.s32 v59, s24  }
0x83: {  	v18 =	vld [tilespmem:$0x4F0];
	v2 =	vnsel vm13, $0x61A8, v2;
	v3 =	vnsel vm4, $0x61A8, v3;
	v57 =	vnsel vm0, $0x61A8, v55  }
0x84: {  	vm0 =	vmand vm9, vm10;
	vm13 =	vmand vm11, vm12;
	vm4 =	vmand vm14, vm15  }
0x85: {  	vm7 =	vmand vm5, vm6;
	vm9 =	vlt.s32 v11, s24;
	vm10 =	vge.s32 v13, s9  }
0x86: {  	v19 =	vld [tilespmem:$0x500];
	vm11 =	vlt.s32 v13, s24;
	v13 =	vsub.s32 v13, v14;
	vm12 =	vge.s32 v15, s9  }
0x87: {  	v20 =	vld [tilespmem:$0x510];
	vm14 =	vge.s32 v16, s9;
	vm15 =	vlt.s32 v16, s24;
	v16 =	vsub.s32 v16, v14  }
0x88: {  	v22 =	vld [tilespmem:$0x520];
	v14 =	vsub.s32 v18, v14;
	v12 =	vnsel vm0, $0x61A8, v8;
	v60 =	vnsel vm13, $0x61A8, v9  }
0x89: {  	v38 =	vld [tilespmem:$0x530];
	v9 =	vnsel vm4, $0x61A8, v61;
	v6 =	vnsel vm7, $0x61A8, v6;
	vm0 =	vmand vm8, vm9  }
0x8a: {  	v41 =	vld [tilespmem:$0x550];
	vm1 =	vmand vm10, vm11;
	vm13 =	vlt.s32 v15, s24;
	vm6 =	vmand vm14, vm15  }
0x8b: {  	v44 =	vld [tilespmem:$0x560];
	vm7 =	vge.s32 v17, s9;
	vm8 =	vlt.s32 v17, s24;
	vm10 =	vge.s32 v18, s9  }
0x8c: {  	v28 =	vld [tilespmem:$0x5A0];
	vm11 =	vlt.s32 v18, s24;
	v11 =	vnsel vm0, $0x61A8, v62;
	v63 =	vnsel vm1, $0x61A8, v13  }
0x8d: {  	p1 =	slt.u32 s18, $0x1868;
	v29 =	vld [tilespmem:$0x5B0];
	s9 =	smov.u32 s20;
	vm0 =	vmand vm12, vm13;
	v36 =	vnsel vm6, $0x61A8, v16;
	vm9 =	vmand vm7, vm8  }
0x8e: {  	v30 =	vld [tilespmem:$0x5C0];
	vm12 =	vmand vm10, vm11;
	s9 =	simm.s32 @!p1 $0xC390;
	v15 =	vnsel vm0, $0x61A8, v35;
	v16 =	vnsel vm9, $0x61A8, v37  }
0x8f: {  	v31 =	vld [tilespmem:$0x5D0];
	v14 =	vnsel vm12, $0x61A8, v14;
	v23 =	vmov s9;
	vm13 =	vge.s32 v19, s9  }
0x90: {  	v32 =	vld [tilespmem:$0x5E0];
	s22 =	sadd.s32 $0x61A8, s9;
	vm15 =	vge.s32 v20, s9;
	vm8 =	vge.s32 v22, s9;
	vm11 =	vge.s32 v38, s9  }
0x91: {  	v48 =	vld [tilespmem:$0x5F0];
	vm4 =	vge.s32 v41, s9;
	vm14 =	vlt.s32 v19, s22;
	vm6 =	vlt.s32 v20, s22  }
0x92: {  	v39 =	vsub.s32 v19, v23;
	v40 =	vsub.s32 v20, v23;
	vm9 =	vlt.s32 v22, s22  }
0x93: {  	v24 =	vld [tilespmem:$0x540];
	v43 =	vsub.s32 v22, v23;
	vm12 =	vlt.s32 v38, s22;
	v18 =	vsub.s32 v38, v23  }
0x94: {  	vm5 =	vlt.s32 v41, s22;
	v20 =	vsub.s32 v41, v23;
	v22 =	vsub.s32 v44, v23  }
0x95: {  	v25 =	vld [tilespmem:$0x570];
	[tilespmem:$0x420] =	vst v2;
	v45 =	vsub.s32 v28, v23;
	v46 =	vsub.s32 v29, v23;
	v2 =	vsub.s32 v30, v23  }
0x96: {  	v26 =	vld [tilespmem:$0x580];
	v49 =	vsub.s32 v31, v23;
	v52 =	vsub.s32 v32, v23;
	v54 =	vsub.s32 v48, v23  }
0x97: {  	vm0 =	vmand vm13, vm14;
	vm7 =	vmand vm15, vm6;
	vm10 =	vmand vm8, vm9  }
0x98: {  	vm13 =	vmand vm11, vm12;
	vm14 =	vge.s32 v24, s9;
	vm15 =	vlt.s32 v24, s22  }
0x99: {  	v24 =	vsub.s32 v24, v23;
	vm1 =	vmand vm4, vm5;
	vm6 =	vge.s32 v44, s9  }
0x9a: {  	v27 =	vld [tilespmem:$0x590];
	vm8 =	vge.s32 v25, s9;
	vm9 =	vlt.s32 v25, s22;
	v25 =	vsub.s32 v25, v23  }
0x9b: {  	vm11 =	vge.s32 v26, s9;
	vm12 =	vlt.s32 v26, s22;
	v26 =	vsub.s32 v26, v23  }
0x9c: {  	vm5 =	vge.s32 v28, s9;
	v21 =	vnsel vm0, $0x61A8, v39;
	v42 =	vnsel vm7, $0x61A8, v40  }
0x9d: {  	v19 =	vnsel vm10, $0x61A8, v43;
	v18 =	vnsel vm13, $0x61A8, v18;
	vm0 =	vmand vm14, vm15  }
0x9e: {  	v20 =	vnsel vm1, $0x61A8, v20;
	vm7 =	vlt.s32 v44, s22;
	vm10 =	vmand vm8, vm9  }
0x9f: {  	vm13 =	vmand vm11, vm12;
	vm14 =	vge.s32 v27, s9;
	vm15 =	vlt.s32 v27, s22  }
0xa0: {  	v27 =	vsub.s32 v27, v23;
	vm8 =	vlt.s32 v29, s22;
	vm9 =	vge.s32 v30, s9  }
0xa1: {  	v50 =	vld [tilespmem:$0x610];
	vm11 =	vge.s32 v31, s9;
	vm12 =	vlt.s32 v31, s22;
	v24 =	vnsel vm0, $0x61A8, v24  }
0xa2: {  	v53 =	vld [tilespmem:$0x620];
	vm0 =	vmand vm6, vm7;
	v25 =	vnsel vm10, $0x61A8, v25;
	v26 =	vnsel vm13, $0x61A8, v26  }
0xa3: {  	v56 =	vld [tilespmem:$0x630];
	[tilespmem:$0x400] =	vst v5;
	vm4 =	vmand vm14, vm15;
	vm6 =	vlt.s32 v28, s22;
	vm7 =	vge.s32 v29, s9  }
0xa4: {  	v59 =	vld [tilespmem:$0x650];
	[tilespmem:$0x410] =	vst v1;
	vm10 =	vlt.s32 v30, s22;
	vm13 =	vmand vm11, vm12;
	vm14 =	vge.s32 v32, s9  }
0xa5: {  	[tilespmem:$0x430] =	vst v3;
	v3 =	vld [tilespmem:$0x600];
	vm15 =	vlt.s32 v32, s22;
	v22 =	vnsel vm0, $0x61A8, v22;
	v27 =	vnsel vm4, $0x61A8, v27  }
0xa6: {  	[tilespmem:$0x440] =	vst v57;
	v57 =	vld [tilespmem:$0x640];
	vm0 =	vmand vm5, vm6;
	vm1 =	vmand vm7, vm8;
	v51 =	vnsel vm13, $0x61A8, v49  }
0xa7: {  	[tilespmem:$0x470] =	vst v60;
	v60 =	vld [tilespmem:$0x660];
	vm6 =	vmand vm14, vm15;
	vm7 =	vge.s32 v48, s9;
	vm8 =	vlt.s32 v48, s22  }
0xa8: {  	[tilespmem:$0x450] =	vst v58;
	p1 =	slt.u32 s18, $0x1866;
	v62 =	vld [tilespmem:$0x670];
	s9 =	smov.u32 s20;
	v1 =	vnsel vm0, $0x61A8, v45;
	v47 =	vnsel vm1, $0x61A8, v46;
	vm0 =	vmand vm9, vm10  }
0xa9: {  	[tilespmem:$0x4D0] =	vst v36;
	v36 =	vld [tilespmem:$0x6F0];
	v7 =	vnsel vm6, $0x61A8, v52;
	vm9 =	vmand vm7, vm8;
	s9 =	simm.s32 @!p1 $0xC390;
	v2 =	vnsel vm0, $0x61A8, v2  }
0xaa: {  	[tilespmem:$0x460] =	vst v12;
	v23 =	vld [tilespmem:$0x680];
	v8 =	vnsel vm9, $0x61A8, v54;
	v55 =	vmov s9;
	vm10 =	vge.s32 v3, s9  }
0xab: {  	[tilespmem:$0x480] =	vst v9;
	v31 =	vld [tilespmem:$0x6C0];
	s23 =	sadd.s32 $0x61A8, s9;
	vm12 =	vge.s32 v50, s9;
	vm15 =	vge.s32 v53, s9;
	vm8 =	vge.s32 v56, s9  }
0xac: {  	[tilespmem:$0x490] =	vst v6;
	vm11 =	vlt.s32 v3, s23;
	vm13 =	vlt.s32 v50, s23;
	v3 =	vsub.s32 v3, v55  }
0xad: {  	[tilespmem:$0x4A0] =	vst v11;
	v58 =	vsub.s32 v50, v55;
	vm6 =	vlt.s32 v53, s23;
	v12 =	vsub.s32 v53, v55  }
0xae: {  	[tilespmem:$0x4B0] =	vst v63;
	v28 =	vld [tilespmem:$0x690];
	vm9 =	vlt.s32 v56, s23;
	v61 =	vsub.s32 v56, v55;
	v6 =	vsub.s32 v57, v55  }
0xaf: {  	[tilespmem:$0x4E0] =	vst v16;
	v29 =	vld [tilespmem:$0x6A0];
	v11 =	vsub.s32 v59, v55;
	v13 =	vsub.s32 v60, v55;
	v16 =	vsub.s32 v62, v55  }
0xb0: {  	[tilespmem:$0x4C0] =	vst v15;
	v30 =	vld [tilespmem:$0x6B0];
	v15 =	vsub.s32 v23, v55;
	v37 =	vsub.s32 v31, v55;
	v9 =	vsub.s32 v36, v55  }
0xb1: {  	[tilespmem:$0x4F0] =	vst v14;
	v32 =	vld [tilespmem:$0x6D0];
	vm0 =	vmand vm10, vm11;
	vm14 =	vmand vm12, vm13;
	vm7 =	vmand vm15, vm6  }
0xb2: {  	[tilespmem:$0x500] =	vst v21;
	vm10 =	vmand vm8, vm9;
	vm11 =	vge.s32 v57, s9;
	vm12 =	vlt.s32 v57, s23  }
0xb3: {  	[tilespmem:$0x510] =	vst v42;
	vm13 =	vge.s32 v59, s9;
	vm15 =	vge.s32 v60, s9;
	vm6 =	vlt.s32 v60, s23  }
0xb4: {  	[tilespmem:$0x520] =	vst v19;
	vm8 =	vlt.s32 v62, s23;
	v17 =	vsub.s32 v28, v55;
	vm4 =	vge.s32 v29, s9  }
0xb5: {  	[tilespmem:$0x530] =	vst v18;
	vm5 =	vlt.s32 v29, s23;
	v33 =	vsub.s32 v29, v55;
	v34 =	vsub.s32 v30, v55  }
0xb6: {  	[tilespmem:$0x550] =	vst v20;
	v39 =	vsub.s32 v32, v55;
	v3 =	vnsel vm0, $0x61A8, v3;
	v10 =	vnsel vm14, $0x61A8, v58  }
0xb7: {  	[tilespmem:$0x540] =	vst v24;
	v12 =	vnsel vm7, $0x61A8, v12;
	v63 =	vnsel vm10, $0x61A8, v61;
	vm0 =	vmand vm11, vm12  }
0xb8: {  	[tilespmem:$0x570] =	vst v25;
	vm14 =	vlt.s32 v59, s23;
	vm7 =	vge.s32 v62, s9;
	vm10 =	vge.s32 v23, s9  }
0xb9: {  	[tilespmem:$0x580] =	vst v26;
	vm11 =	vlt.s32 v23, s23;
	vm1 =	vmand vm13, vm14;
	v6 =	vnsel vm0, $0x61A8, v6  }
0xba: {  	[tilespmem:$0x560] =	vst v22;
	vm0 =	vmand vm15, vm6;
	vm9 =	vmand vm7, vm8;
	vm12 =	vmand vm10, vm11  }
0xbb: {  	[tilespmem:$0x5A0] =	vst v1;
	v1 =	vld [tilespmem:$0x6E0];
	vm13 =	vge.s32 v28, s9;
	vm14 =	vlt.s32 v28, s23;
	vm6 =	vge.s32 v30, s9  }
0xbc: {  	[tilespmem:$0x590] =	vst v27;
	vm7 =	vlt.s32 v30, s23;
	vm8 =	vge.s32 v31, s9;
	vm10 =	vge.s32 v32, s9  }
0xbd: {  	v38 =	vld [tilespmem:$0x700];
	[tilespmem:$0x5D0] =	vst v51;
	vm11 =	vlt.s32 v32, s23;
	v11 =	vnsel vm1, $0x61A8, v11;
	v13 =	vnsel vm0, $0x61A8, v13  }
0xbe: {  	v40 =	vld [tilespmem:$0x710];
	[tilespmem:$0x5B0] =	vst v47;
	v16 =	vnsel vm9, $0x61A8, v16;
	v15 =	vnsel vm12, $0x61A8, v15;
	vm15 =	vmand vm13, vm14  }
0xbf: {  	v44 =	vld [tilespmem:$0x730];
	[tilespmem:$0x5E0] =	vst v7;
	vm0 =	vmand vm4, vm5;
	vm1 =	vmand vm6, vm7;
	vm9 =	vlt.s32 v31, s23  }
0xc0: {  	v42 =	vld [tilespmem:$0x720];
	[tilespmem:$0x5C0] =	vst v2;
	vm12 =	vmand vm10, vm11;
	vm13 =	vge.s32 v1, s9;
	vm14 =	vlt.s32 v1, s23  }
0xc1: {  	v48 =	vld [tilespmem:$0x750];
	[tilespmem:$0x5F0] =	vst v8;
	v1 =	vsub.s32 v1, v55;
	vm4 =	vge.s32 v36, s9;
	vm5 =	vlt.s32 v36, s23  }
0xc2: {  	v46 =	vld [tilespmem:$0x740];
	[tilespmem:$0x600] =	vst v3;
	v17 =	vnsel vm15, $0x61A8, v17;
	v2 =	vnsel vm0, $0x61A8, v33;
	v35 =	vnsel vm1, $0x61A8, v34  }
0xc3: {  	v49 =	vld [tilespmem:$0x760];
	p1 =	slt.u32 s18, $0x1864;
	[tilespmem:$0x610] =	vst v10;
	s9 =	smov.u32 s20;
	vm0 =	vmand vm8, vm9;
	v41 =	vnsel vm12, $0x61A8, v39;
	vm15 =	vmand vm13, vm14  }
0xc4: {  	v51 =	vld [tilespmem:$0x780];
	[tilespmem:$0x620] =	vst v12;
	vm6 =	vmand vm4, vm5;
	s9 =	simm.s32 @!p1 $0xC390;
	v3 =	vnsel vm0, $0x61A8, v37;
	v1 =	vnsel vm15, $0x61A8, v1  }
0xc5: {  	v54 =	vld [tilespmem:$0x790];
	[tilespmem:$0x630] =	vst v63;
	v9 =	vnsel vm6, $0x61A8, v9;
	v43 =	vmov s9;
	vm7 =	vge.s32 v38, s9  }
0xc6: {  	v50 =	vld [tilespmem:$0x770];
	[tilespmem:$0x640] =	vst v6;
	s24 =	sadd.s32 $0x61A8, s9;
	vm9 =	vge.s32 v40, s9;
	vm12 =	vge.s32 v42, s9;
	vm15 =	vge.s32 v44, s9  }
0xc7: {  	v57 =	vld [tilespmem:$0x7B0];
	[tilespmem:$0x650] =	vst v11;
	vm6 =	vge.s32 v46, s9;
	vm8 =	vlt.s32 v38, s24;
	vm10 =	vlt.s32 v40, s24  }
0xc8: {  	[tilespmem:$0x660] =	vst v13;
	v45 =	vsub.s32 v38, v43;
	v47 =	vsub.s32 v40, v43;
	vm13 =	vlt.s32 v42, s24  }
0xc9: {  	v8 =	vsub.s32 v42, v43;
	vm4 =	vlt.s32 v44, s24;
	v12 =	vsub.s32 v44, v43;
	[tilespmem:$0x6C0] =	vst v3  }
0xca: {  	v3 =	vsub.s32 v46, v43;
	v52 =	vsub.s32 v48, v43;
	[tilespmem:$0x6E0] =	vst v1;
	v1 =	vsub.s32 v49, v43  }
0xcb: {  	[tilespmem:$0x670] =	vst v16;
	v56 =	vsub.s32 v50, v43;
	v5 =	vsub.s32 v51, v43;
	v59 =	vsub.s32 v54, v43  }
0xcc: {  	[tilespmem:$0x680] =	vst v15;
	v62 =	vsub.s32 v57, v43;
	vm0 =	vmand vm7, vm8;
	vm11 =	vmand vm9, vm10  }
0xcd: {  	[tilespmem:$0x690] =	vst v17;
	vm14 =	vmand vm12, vm13;
	vm5 =	vmand vm15, vm4;
	vm7 =	vlt.s32 v46, s24  }
0xce: {  	v55 =	vld [tilespmem:$0x7A0];
	[tilespmem:$0x6A0] =	vst v2;
	vm8 =	vge.s32 v48, s9;
	vm9 =	vlt.s32 v48, s24;
	vm10 =	vge.s32 v49, s9  }
0xcf: {  	[tilespmem:$0x6B0] =	vst v35;
	vm12 =	vge.s32 v50, s9;
	vm13 =	vlt.s32 v50, s24;
	vm15 =	vge.s32 v51, s9  }
0xd0: {  	[tilespmem:$0x6D0] =	vst v41;
	v6 =	vnsel vm0, $0x61A8, v45;
	v11 =	vnsel vm11, $0x61A8, v47;
	v8 =	vnsel vm14, $0x61A8, v8  }
0xd1: {  	v60 =	vld [tilespmem:$0x7D0];
	[tilespmem:$0x6F0] =	vst v9;
	v2 =	vnsel vm5, $0x61A8, v12;
	vm0 =	vmand vm6, vm7;
	vm1 =	vmand vm8, vm9  }
0xd2: {  	v58 =	vld [tilespmem:$0x7C0];
	vm11 =	vlt.s32 v49, s24;
	vm14 =	vmand vm12, vm13;
	vm6 =	vlt.s32 v51, s24;
	[tilespmem:$0x700] =	vst v6  }
0xd3: {  	vm8 =	vge.s32 v54, s9;
	vm9 =	vlt.s32 v54, s24;
	vm12 =	vlt.s32 v55, s24;
	[tilespmem:$0x710] =	vst v11  }
0xd4: {  	v61 =	vld [tilespmem:$0x7E0];
	vm13 =	vge.s32 v57, s9;
	v3 =	vnsel vm0, $0x61A8, v3;
	v53 =	vnsel vm1, $0x61A8, v52;
	[tilespmem:$0x720] =	vst v8  }
0xd5: {  	v63 =	vld [tilespmem:$0x7F0];
	vm0 =	vmand vm10, vm11;
	v6 =	vnsel vm14, $0x61A8, v56;
	vm7 =	vmand vm15, vm6;
	[tilespmem:$0x730] =	vst v2  }
0xd6: {  	vm10 =	vmand vm8, vm9;
	vm11 =	vge.s32 v55, s9;
	vm14 =	vlt.s32 v57, s24;
	[tilespmem:$0x740] =	vst v3  }
0xd7: {  	vm15 =	vge.s32 v58, s9;
	vm6 =	vlt.s32 v58, s24;
	vm8 =	vlt.s32 v60, s24;
	[tilespmem:$0x750] =	vst v53  }
0xd8: {  	v1 =	vnsel vm0, $0x61A8, v1;
	v2 =	vnsel vm7, $0x61A8, v5;
	v3 =	vnsel vm10, $0x61A8, v59;
	[tilespmem:$0x770] =	vst v6  }
0xd9: {  	vm0 =	vmand vm11, vm12;
	vm1 =	vmand vm13, vm14;
	vm7 =	vge.s32 v60, s9;
	[tilespmem:$0x760] =	vst v1  }
0xda: {  	vm10 =	vge.s32 v61, s9;
	vm11 =	vlt.s32 v61, s24;
	vm13 =	vge.s32 v63, s9;
	[tilespmem:$0x780] =	vst v2  }
0xdb: {  	vm14 =	vlt.s32 v63, s24;
	v1 =	vsub.s32 v55, v43;
	v5 =	vnsel vm1, $0x61A8, v62;
	[tilespmem:$0x790] =	vst v3  }
0xdc: {  	v2 =	vsub.s32 v58, v43;
	v1 =	vnsel vm0, $0x61A8, v1;
	vm0 =	vmand vm15, vm6;
	[tilespmem:$0x7B0] =	vst v5  }
0xdd: {  	vm9 =	vmand vm7, vm8;
	[tilespmem:$0x7A0] =	vst v1;
	v1 =	vsub.s32 v60, v43;
	v2 =	vnsel vm0, $0x61A8, v2  }
0xde: {  	vm12 =	vmand vm10, vm11;
	v1 =	vnsel vm9, $0x61A8, v1;
	[tilespmem:$0x7C0] =	vst v2;
	v2 =	vsub.s32 v61, v43  }
0xdf: {  	vm15 =	vmand vm13, vm14;
	v2 =	vnsel vm12, $0x61A8, v2;
	[tilespmem:$0x7D0] =	vst v1;
	v1 =	vsub.s32 v63, v43  }
0xe0: {  	[tilespmem:$0x7E0] =	vst v2;
	v1 =	vnsel vm15, $0x61A8, v1  }
0xe1: {  	[tilespmem:$0x7F0] =	vst v1  }
.LBB2_6:
0xe2: {  	s19 =	sshll.u32 s19, $0x8;
	s9 =	smin.u32 s18, $0x1869  }
0xe3: {  	[tilespmem:s2], [sflag:$0x1] =	stream.indirect.gather [hbm4b:s4+s0], $0x20, s19, s0, $0xb8;
	[tilespmem:$0x1F000] =	vst v63  }
0xe4: {  	s22 =	sor.u32 $0x1, s18;
	s9 =	sshll.u32 s9, $0xA  }
0xe5: {  	s21 =	simm.s32 $0x0;
	s23 =	smin.u32 s22, $0x1869;
	s9 =	sadd.s32 s5, s9  }
0xe6: {  	[tilespmem:s29], [sflag:$0x3] =	stream.linear.gather [hbm4b:s9+s21], $0x2000, $0x38;
	[tilespmem:$0x1F000] =	vst v63  }
0xe7: {  	s18 =	sor.u32 $0x80, s19;
	s9 =	sshll.u32 s23, $0xA  }
0xe8: {  	[tilespmem:s10], [sflag:$0x2] =	stream.indirect.gather [hbm4b:s4+s0], $0x20, s18, s0, $0xb8;
	[tilespmem:$0x1F000] =	vst v63  }
0xe9: {  	s9 =	sadd.s32 s5, s9  }
0xea: {  	[tilespmem:s11], [sflag:$0x4] =	stream.linear.gather [hbm4b:s9+s21], $0x2000, $0x38;
	[tilespmem:$0x1F000] =	vst v63  }
0xeb: {  	_ =	swait.ge [sflag:s12], $0x2000  }
0xec: {  	[sflag:s12] =	ssyncset.done $0x0  }
0xed: {  	[sflag:s12] =	ssyncadd.s32 $0xFFFFE000  }
0xee: {  	_ =	swait.ge [sflag:s13], $0x1000  }
0xef: {  	[sflag:s13] =	ssyncset.done $0x0  }
0xf0: {  	s24 =	simm.s32 $0x0;
	[sflag:s13] =	ssyncadd.s32 $0xFFFFF000  }
0xf1: {  	v1 =	vld [tilespmem:s24+$0x800];
	_ =	sdelay $0x1  }
0xf2: {  	s9 =	simm.s32 $0x2820  }
0xf3: {  	v2 =	vld [tilespmem:s9+$0xFFFFFFF0]  }
0xf4: {  	v3 =	vld [tilespmem:s9+$0xFFFFFFE0]  }
0xf5: {  	v4 =	vshra.s32 v1, $0x10;
	v1 =	vshll.u32 v1, $0x10  }
0xf6: {  	v4 =	vcvt.s32.f32 v4;
	v1 =	vshra.s32 v1, $0x10  }
0xf7: {  	v1 =	vcvt.s32.f32 v1  }
0xf8: {  	v2 =	vmul.f32 v4, v2  }
0xf9: {  	v1 =	vmul.f32 v1, v3  }
0xfa: {  	[tilespmem:s9+$0xFFFFFFF0] =	vst v2  }
0xfb: {  	[tilespmem:s9+$0xFFFFFFE0] =	vst v1  }
0xfc: {  	v1 =	vld [tilespmem:s24+$0x810];
	_ =	sdelay $0x2  }
0xfd: {  	v2 =	vld [tilespmem:s9+$0x10];
	_ =	sdelay $0x1  }
0xfe: {  	v3 =	vld [tilespmem:s9+$0x0];
	v63 =	vshra.s32 v1, $0x10  }
0xff: {  	v1 =	vshll.u32 v1, $0x10;
	v4 =	vcvt.s32.f32 v63  }
0x100: {  	v1 =	vshra.s32 v1, $0x10  }
0x101: {  	v1 =	vcvt.s32.f32 v1;
	v2 =	vmul.f32 v4, v2;
	_ =	sdelay $0x1  }
0x102: {  	s22 =	simm.s32 $0x100;
	s21 =	simm.s32 $0x80;
	v1 =	vmul.f32 v1, v3;
	[tilespmem:s9+$0x10] =	vst v2  }
.LBB2_7:
0x103: {  	s23 =	sshra.s32 s21, $0x2  }
0x104: {  	[tilespmem:s9+$0x0] =	vst v1;
	s9 =	sadd.s32 $0x40, s9;
	s21 =	smov.u32 s22;
	s24 =	sadd.s32 $0x80, s22  }
0x105: {  	p1 =	sne.s32 s22, $0x3F80;
	v1 =	vld [tilespmem:s23+$0x800];
	_ =	sdelay $0x2  }
0x106: {  	v2 =	vld [tilespmem:s9+$0xFFFFFFF0]  }
0x107: {  	v3 =	vld [tilespmem:s9+$0xFFFFFFE0]  }
0x108: {  	v4 =	vshra.s32 v1, $0x10;
	v1 =	vshll.u32 v1, $0x10  }
0x109: {  	v4 =	vcvt.s32.f32 v4;
	v1 =	vshra.s32 v1, $0x10  }
0x10a: {  	v1 =	vcvt.s32.f32 v1  }
0x10b: {  	v2 =	vmul.f32 v4, v2  }
0x10c: {  	v1 =	vmul.f32 v1, v3  }
0x10d: {  	[tilespmem:s9+$0xFFFFFFF0] =	vst v2  }
0x10e: {  	[tilespmem:s9+$0xFFFFFFE0] =	vst v1  }
0x10f: {  	v1 =	vld [tilespmem:s23+$0x810];
	_ =	sdelay $0x2  }
0x110: {  	v2 =	vld [tilespmem:s9+$0x10]  }
0x111: {  	v3 =	vld [tilespmem:s9+$0x0]  }
0x112: {  	v4 =	vshra.s32 v1, $0x10;
	v1 =	vshll.u32 v1, $0x10  }
.Ltmp2:
0x113: {  	v4 =	vcvt.s32.f32 v4;
	v1 =	vshra.s32 v1, $0x10;
	(pc) =	sbr.rel @p1 .LBB2_7-.Ltmp2, $4  }
0x114: {  	v1 =	vcvt.s32.f32 v1  }
0x115: {  	v2 =	vmul.f32 v4, v2  }
0x116: {  	v1 =	vmul.f32 v1, v3  }
0x117: {  	s22 =	smov.u32 s24;
	[tilespmem:s9+$0x10] =	vst v2  }
0x118: {  	s21 =	sshra.s32 s21, $0x2;
	[tilespmem:s9+$0x0] =	vst v1  }
0x119: {  	v1 =	vld [tilespmem:s21+$0x800];
	_ =	sdelay $0x1  }
0x11a: {  	s22 =	sadd.s32 $0x40, s9  }
0x11b: {  	v2 =	vld [tilespmem:s22+$0xFFFFFFF0]  }
0x11c: {  	v3 =	vld [tilespmem:s22+$0xFFFFFFE0]  }
0x11d: {  	v4 =	vshra.s32 v1, $0x10;
	v1 =	vshll.u32 v1, $0x10  }
0x11e: {  	v4 =	vcvt.s32.f32 v4;
	v1 =	vshra.s32 v1, $0x10  }
0x11f: {  	v1 =	vcvt.s32.f32 v1  }
0x120: {  	v2 =	vmul.f32 v4, v2  }
0x121: {  	v1 =	vmul.f32 v1, v3  }
0x122: {  	[tilespmem:s22+$0xFFFFFFF0] =	vst v2  }
0x123: {  	[tilespmem:s22+$0xFFFFFFE0] =	vst v1  }
0x124: {  	v1 =	vld [tilespmem:s21+$0x810];
	_ =	sdelay $0x2  }
0x125: {  	v2 =	vld [tilespmem:s22+$0x10]  }
0x126: {  	v3 =	vld [tilespmem:s22+$0x0]  }
0x127: {  	v61 =	vshra.s32 v1, $0x10;
	v1 =	vshll.u32 v1, $0x10  }
0x128: {  	v4 =	vcvt.s32.f32 v61;
	v1 =	vshra.s32 v1, $0x10  }
0x129: {  	v1 =	vcvt.s32.f32 v1  }
0x12a: {  	v2 =	vmul.f32 v4, v2  }
0x12b: {  	v1 =	vmul.f32 v1, v3  }
0x12c: {  	[tilespmem:s22+$0x10] =	vst v2  }
0x12d: {  	s23 =	sor.u32 $0x400, s19;
	[tilespmem:s22+$0x0] =	vst v1  }
0x12e: {  	[spmem:s1] =	stream.indirect.scatter.add.f32 [tilespmem:s29], [sflag:$0x5], $0x40, s23, s0, $0xb8;
	[tilespmem:$0x1F000] =	vst v63  }
0x12f: {  	_ =	swait.ge [sflag:s30], $0x2000  }
0x130: {  	[sflag:s30] =	ssyncset.done $0x0  }
0x131: {  	[sflag:s30] =	ssyncadd.s32 $0xFFFFE000  }
0x132: {  	_ =	swait.ge [sflag:s14], $0x2000  }
0x133: {  	[sflag:s14] =	ssyncset.done $0x0  }
0x134: {  	[sflag:s14] =	ssyncadd.s32 $0xFFFFE000  }
0x135: {  	_ =	swait.ge [sflag:s15], $0x1000  }
0x136: {  	[sflag:s15] =	ssyncset.done $0x0  }
0x137: {  	s24 =	simm.s32 $0x0;
	[sflag:s15] =	ssyncadd.s32 $0xFFFFF000  }
0x138: {  	v1 =	vld [tilespmem:s24+$0x1800];
	_ =	sdelay $0x1  }
0x139: {  	s9 =	simm.s32 $0x4820  }
0x13a: {  	v2 =	vld [tilespmem:s9+$0xFFFFFFF0]  }
0x13b: {  	v3 =	vld [tilespmem:s9+$0xFFFFFFE0]  }
0x13c: {  	v62 =	vshra.s32 v1, $0x10;
	v1 =	vshll.u32 v1, $0x10  }
0x13d: {  	v4 =	vcvt.s32.f32 v62;
	v1 =	vshra.s32 v1, $0x10  }
0x13e: {  	v1 =	vcvt.s32.f32 v1  }
0x13f: {  	v2 =	vmul.f32 v4, v2  }
0x140: {  	v1 =	vmul.f32 v1, v3  }
0x141: {  	[tilespmem:s9+$0xFFFFFFF0] =	vst v2  }
0x142: {  	[tilespmem:s9+$0xFFFFFFE0] =	vst v1  }
0x143: {  	v1 =	vld [tilespmem:s24+$0x1810];
	_ =	sdelay $0x2  }
0x144: {  	v2 =	vld [tilespmem:s9+$0x10];
	_ =	sdelay $0x1  }
0x145: {  	v3 =	vld [tilespmem:s9+$0x0];
	v63 =	vshra.s32 v1, $0x10  }
0x146: {  	v1 =	vshll.u32 v1, $0x10;
	v4 =	vcvt.s32.f32 v63  }
0x147: {  	v1 =	vshra.s32 v1, $0x10  }
0x148: {  	v1 =	vcvt.s32.f32 v1;
	v2 =	vmul.f32 v4, v2;
	_ =	sdelay $0x1  }
0x149: {  	s19 =	simm.s32 $0x80;
	s21 =	simm.s32 $0x100;
	v1 =	vmul.f32 v1, v3;
	[tilespmem:s9+$0x10] =	vst v2  }
.LBB2_9:
0x14a: {  	s22 =	sshra.s32 s19, $0x2  }
0x14b: {  	[tilespmem:s9+$0x0] =	vst v1;
	s9 =	sadd.s32 $0x40, s9;
	s19 =	smov.u32 s21;
	s23 =	sadd.s32 $0x80, s21  }
0x14c: {  	p1 =	sne.s32 s21, $0x3F80;
	v1 =	vld [tilespmem:s22+$0x1800];
	_ =	sdelay $0x2  }
0x14d: {  	v2 =	vld [tilespmem:s9+$0xFFFFFFF0]  }
0x14e: {  	v3 =	vld [tilespmem:s9+$0xFFFFFFE0]  }
0x14f: {  	v4 =	vshra.s32 v1, $0x10;
	v1 =	vshll.u32 v1, $0x10  }
0x150: {  	v4 =	vcvt.s32.f32 v4;
	v1 =	vshra.s32 v1, $0x10  }
0x151: {  	v1 =	vcvt.s32.f32 v1  }
0x152: {  	v2 =	vmul.f32 v4, v2  }
0x153: {  	v1 =	vmul.f32 v1, v3  }
0x154: {  	[tilespmem:s9+$0xFFFFFFF0] =	vst v2  }
0x155: {  	[tilespmem:s9+$0xFFFFFFE0] =	vst v1  }
0x156: {  	v1 =	vld [tilespmem:s22+$0x1810];
	_ =	sdelay $0x2  }
0x157: {  	v2 =	vld [tilespmem:s9+$0x10]  }
0x158: {  	v3 =	vld [tilespmem:s9+$0x0]  }
0x159: {  	v4 =	vshra.s32 v1, $0x10;
	v1 =	vshll.u32 v1, $0x10  }
.Ltmp3:
0x15a: {  	v4 =	vcvt.s32.f32 v4;
	v1 =	vshra.s32 v1, $0x10;
	(pc) =	sbr.rel @p1 .LBB2_9-.Ltmp3, $4  }
0x15b: {  	v1 =	vcvt.s32.f32 v1  }
0x15c: {  	v2 =	vmul.f32 v4, v2  }
0x15d: {  	v1 =	vmul.f32 v1, v3  }
0x15e: {  	s21 =	smov.u32 s23;
	[tilespmem:s9+$0x10] =	vst v2  }
0x15f: {  	s19 =	sshra.s32 s19, $0x2;
	[tilespmem:s9+$0x0] =	vst v1  }
0x160: {  	v1 =	vld [tilespmem:s19+$0x1800];
	_ =	sdelay $0x1  }
0x161: {  	s23 =	sadd.s32 $0x40, s9  }
0x162: {  	v2 =	vld [tilespmem:s23+$0xFFFFFFF0]  }
0x163: {  	v3 =	vld [tilespmem:s23+$0xFFFFFFE0]  }
0x164: {  	v4 =	vshra.s32 v1, $0x10;
	v1 =	vshll.u32 v1, $0x10  }
0x165: {  	v4 =	vcvt.s32.f32 v4;
	v1 =	vshra.s32 v1, $0x10  }
0x166: {  	v1 =	vcvt.s32.f32 v1  }
0x167: {  	v2 =	vmul.f32 v4, v2  }
0x168: {  	v1 =	vmul.f32 v1, v3  }
0x169: {  	[tilespmem:s23+$0xFFFFFFF0] =	vst v2  }
0x16a: {  	[tilespmem:s23+$0xFFFFFFE0] =	vst v1  }
0x16b: {  	v1 =	vld [tilespmem:s19+$0x1810];
	_ =	sdelay $0x2  }
0x16c: {  	v2 =	vld [tilespmem:s23+$0x10]  }
0x16d: {  	v3 =	vld [tilespmem:s23+$0x0]  }
0x16e: {  	v63 =	vshra.s32 v1, $0x10;
	v1 =	vshll.u32 v1, $0x10  }
0x16f: {  	v4 =	vcvt.s32.f32 v63;
	v1 =	vshra.s32 v1, $0x10  }
0x170: {  	v1 =	vcvt.s32.f32 v1  }
0x171: {  	v2 =	vmul.f32 v4, v2  }
0x172: {  	s17 =	sadd.s32 $0x1, s17;
	v1 =	vmul.f32 v1, v3  }
0x173: {  	p1 =	sne.s32 s17, $0xC4;
	[tilespmem:s23+$0x10] =	vst v2  }
.Ltmp4:
0x174: {  	s24 =	sor.u32 $0x400, s18;
	[tilespmem:s23+$0x0] =	vst v1;
	(pc) =	sbr.rel @p1 .LBB2_4-.Ltmp4, $4  }
0x175: {  	[spmem:s1] =	stream.indirect.scatter.add.f32 [tilespmem:s11], [sflag:$0x5], $0x40, s24, s0, $0xb8;
	[tilespmem:$0x1F000] =	vst v63  }
0x176: {  	_ =	swait.ge [sflag:s30], $0x2000  }
0x177: {  	[sflag:s30] =	ssyncset.done $0x0  }
0x178: {  	[sflag:s30] =	ssyncadd.s32 $0xFFFFE000  }
0x179: {  	s9 =	stileid.u32;
	[bflag:$0x0] =	sbarrier.arrive $0xFFFF  }
0x17a: {  	s9 =	sshll.u32 s9, $0x6;
	s17 =	rddreg [dreg:$0xf]  }
0x17b: {  	s18 =	rddreg [dreg:$0x12];
	s9 =	sor.u32 $0x1C05, s9  }
0x17c: {  	[hbm:s17], [sflag:s9] =	dma.local [spmem:s18], $0x30C0  }
0x17d: {  	_ =	swait.ge [sflag:s30], $0x30C0  }
0x17e: {  	[sflag:s30] =	ssyncset.done $0x0  }
0x17f: {  	s17 =	rddreg [dreg:$0x10];
	[sflag:s30] =	ssyncadd.s32 $0xFFFFCF40  }
0x180: {  	[hbm:s17], [sflag:s9] =	dma.local @!p0 [spmem:s25], $0x140  }
0x181: {  	s9 =	simm.s32 @!p0 $0x5  }
0x182: {  	_ =	swait.ge @!p0 [sflag:s9], $0x140  }
0x183: {  	s16 =	sadd.s32 $0x1, s16;
	s24 =	rddreg [dreg:$0x11]  }
0x184: {  	p1 =	sne.s32 s16, s24  }
.Ltmp5:
0x185: {  	_ = 	snop;
	(pc) =	sbr.rel @p1 .LBB2_1-.Ltmp5, $3  }
0x186: {  	_ =	sdelay $0x1  }
0x187: {  	[sflag:s9] =	ssyncset.done @!p0 $0x0  }
0x188: {  	[sflag:s9] =	ssyncadd.s32 @!p0 $0xFFFFFEC0  }
0x189: {  	_ =	sfence.sel $0x180000  }
0x18a: {  	[bflag:$0x0] =	sbarrier.arrive $0xFFFF  }
0x18b: {  	_ =	strace $0x9000004A  }
0x18c: {  	s0 =	stileid.u32;
	[bflag:$0x2] =	sbarrier.arrive $0xFFFF  }
0x18d: {  	p0 =	sne.s32 s0, $0x0;
	s0 =	rddreg [dreg:$0x3]  }
0x18e: {  	s0 =	sadd.s32 @!p0 $0x100000, s0  }
0x18f: {  	[sflag:s0] =	ssyncadd.tile.s32 @!p0 $0x1;
	_ =	shalt  }
.Lfunc_end2:
_tile_overlayer_lowered:
.L_overlay_start_2:
0x190: {  	(tag) =	ssettag $0x2  }
0x191: {  	s0 =	rddreg [dreg:$0x0];
	s2 =	stileid.u32  }
0x192: {  	s1 =	rddreg [dreg:$0x1];
	p0 =	sne.s32 s2, $0x0  }
0x193: {  	s3 =	rddreg [dreg:$0x2];
	[bflag:$0x3] =	sbarrier.arrive $0xFFFF;
	s2 =	simm.s32 @!p0 $0x1C05  }
0x194: {  	[timem:s3], [sflag:s2] =	dma.local @!p0 [hbm:s0], s1  }
0x195: {  	s0 =	simm.s32 @!p0 $0x5  }
0x196: {  	_ =	swait.ge @!p0 [sflag:s0], s1  }
0x197: {  	s1 =	ssub.s32 @!p0 $0x0, s1;
	[sflag:s0] =	ssyncset.done @!p0 $0x0  }
0x198: {  	[sflag:s0] =	ssyncadd.s32 @!p0 s1  }
0x199: {  	[bflag:$0x3] =	sbarrier.arrive $0xFFFF  }
0x19a: {  	_ =	shalt  }

// kernel: sparse-core-data-format-call.cloned.1.call-start
scs
called_computation_lowered:
.L_overlay_start_0:
0x0: {  	s1 =	sld [smem:$0x3FD9]  }
0x1: {  	s2 =	sld [smem:$0x3FFE];
	_ =	sdelay $0x1  }
0x2: {  	s3 =	srdreg.scid  }
0x3: {  	s0 =	sand.u32 $0x1, s3  }
0x4: {  	s17 =	sshll.u32 s0, $0xA;
	s1 =	sadd.s32 s2, s1  }
0x5: {  	s1 =	sadd.s32 s1, s17  }
0x6: {  	[smem:$0x3FC1] =	sst s1  }
0x7: {  	_ = 	snop  }
0x8: {  	(tm) =	ssettm $0x1  }
0x9: {  	s18 =	sld [smem:$0x3FFB];
	_ =	sdelay $0x3  }
0xa: {  	_ =	strace s18  }
0xb: {  	s1 =	sld [smem:$0x3FFC];
	_ =	sdelay $0x3  }
0xc: {  	_ =	strace s1  }
0xd: {  	s1 =	sld [smem:$0x3FFD];
	_ =	sdelay $0x3  }
0xe: {  	_ =	strace s1  }
0xf: {  	_ =	strace $0x8FFFFFFF  }
0x10: {  	s19 =	sld [smem:$0x3FDB];
	_ =	sdelay $0x1  }
0x11: {  	s20 =	simm.s32 $_scs_section_size  }
0x12: {  	s4 =	simm.s32 $_size__tile_overlayer_lowered;
	s5 =	simm.s32 $_tile_overlayer_lowered  }
0x13: {  	s23 =	simm.s32 $0x1BFF;
	s22 =	sshll.u32 s5, $0x1;
	s1 =	sadd.s32 s20, s19  }
0x14: {  	s6 =	simm.s32 $0x0;
	s21 =	sshll.u32 s4, $0x1;
	s4 =	sadd.s32 s22, s1  }
0x15: {  	[timem:s6], [sflag:s23] =	dma.local [hbm:s4], s21  }
0x16: {  	_ =	swait.ge [sflag:s23], s21  }
0x17: {  	s2 =	ssub.s32 $0x0, s21;
	[sflag:s23] =	ssyncset.done $0x0  }
0x18: {  	[sflag:s23] =	ssyncadd.s32 s2;
	_ =	sdelay $0x1  }
0x19: {  	s24 =	simm.s32 $0x1B8B  }
0x1a: {  	_ =	swait.ge [sflag:s24], $0x1  }
0x1b: {  	[sflag:s24] =	ssyncset.done $0x0  }
0x1c: {  	s26 =	simm.s32 $0x1B8E;
	s25 =	sld [smem:$0x3FFE];
	[sflag:s24] =	ssyncadd.s32 $0xFFFFFFFF  }
0x1d: {  	s27 =	simm.s32 $execute0_lowered;
	[smem:$0x3FD2] =	sst s26  }
0x1e: {  	s4 =	sshll.u32 s27, $0x1;
	_ =	strace $0x80000046;
	[dreg:$0x1] =	wrdreg $0xFFFFFFFF  }
0x1f: {  	s28 =	simm.s32 $_size_execute0_lowered;
	s1 =	sadd.s32 s1, s4;
	[dreg:$0x0] =	wrdreg $0x0  }
0x20: {  	s4 =	sshll.u32 s28, $0x1;
	[dreg:$0x2] =	wrdreg s1  }
0x21: {  	[dreg:$0x3] =	wrdreg s4  }
0x22: {  	[dreg:$0x4] =	wrdreg $0xC0  }
0x23: {  	_ =	task [dreg:s6], $0x5FFFF  }
0x24: {  	[dreg:$0x1] =	wrdreg $0xFFFFFFFF  }
0x25: {  	[dreg:$0x0] =	wrdreg $0x60  }
0x26: {  	[dreg:$0x2] =	wrdreg s25  }
0x27: {  	[dreg:$0x3] =	wrdreg $0x9  }
0x28: {  	_ =	task.clear_ibuf [dreg:s6], $0x4FFFF;
	_ =	strace $0x90000046  }
0x29: {  	s29 =	simm.s32 $0x9;
	_ =	strace $0x80000048  }
0x2a: {  	_ =	swait.ge [sflag:s29], $0x1  }
0x2b: {  	[sflag:s29] =	ssyncadd.s32 $0xFFFFFFFF  }
0x2c: {  	_ =	strace $0x90000048  }
0x2d: {  	_ =	sfence  }
0x2e: {  	s30 =	sld [smem:$0x0];
	_ =	sdelay $0x2  }
0x2f: {  	s31 =	sshll.u32 s3, $0xD;
	s3 =	sshrl.u32 s3, $0x2  }
0x30: {  	s2 =	sand.u32 $0x4000, s31;
	s1 =	sadd.s32 s3, s30  }
0x31: {  	s0 =	sor.u32 s2, s0;
	s1 =	sshll.u32 s1, $0x11  }
0x32: {  	s0 =	sor.u32 s1, s0  }
0x33: {  	s0 =	sadd.s32 $0x8F2B, s0  }
0x34: {  	[sflag:s0] =	ssyncadd.remote.s32 $0x1  }
0x35: {  	_ =	sfence.sel $0xFFFF  }
0x36: {  	[dreg:$0x0] =	wrdreg $0xFFFFFFFF;
	(pc) =	sbr.abs _section_cstart, $3  }
0x37: {  	[dreg:$0x1] =	wrdreg $0xFFFFFFFF  }
0x38: {  	_ =	task.clear_ibuf [dreg:s6], $0x2FFFF;
	_ =	strace $0x9FFFFFFF  }
0x39: {  	(tm) =	ssettm $0x7FFFFFFF  }
tec
execute0_lowered:
.L_overlay_start_1:
0x0: {  	(tag) =	ssettag $0x1  }
0x1: {  	s0 =	srdreg.scid  }
0x2: {  	s1 =	sshll.u32 s0, $0x4  }
0x3: {  	s4 =	rddreg [dreg:$0x0];
	s0 =	stileid.u32;
	s1 =	sand.u32 $0x10, s1  }
0x4: {  	s7 =	simm.s32 $0x1;
	s8 =	simm.s32 $0x2;
	s1 =	sor.u32 s0, s1  }
0x5: {  	s9 =	simm.s32 $0x0;
	s12 =	simm.s32 $0x0;
	s2 =	sshll.u32 s1, $0x3  }
0x6: {  	s11 =	simm.s32 $0x0;
	s3 =	sadd.s32 $0x800, s4;
	s6 =	ssub.s32 $0x61A8, s2  }
.Ltmp0:
0x7: {  	s4 =	sadd.s32 $0x61B000, s4;
	s5 =	sand.u32 $0xF8, s6;
	(pc) =	sbr.rel .LBB1_1-.Ltmp0, $4  }
0x8: {  	s1 =	rddreg [dreg:$0x1];
	_ =	strace $0x80000047;
	p0 =	sne.s32 s5, $0x0  }
0x9: {  	s6 =	sshrl.u32 s6, $0x8;
	s5 =	simm.s32 $0x1;
	s7 =	simm.s32 @!p0 $0x0  }
0xa: {  	s10 =	smov.u32 s2;
	[sflag:s5] =	ssyncpa.u1 $0x0;
	s6 =	sadd.s32 s7, s6  }
0xb: {  	[sflag:s8] =	ssyncpa.u1 $0x0;
	s8 =	simm.s32 $0x0;
	s7 =	sadd.s32 $0x1, s6  }
.LBB1_9:
0xc: {  	s14 =	sadd.s32 $0x100, s10  }
0xd: {  	p1 =	sgt.s32 s14, $0x61A7  }
0xe: {  	s14 =	smov.u32 @p1 s2;
	p1 =	sne.s32 s11, s7  }
.Ltmp1:
0xf: {  	p0 =	slt.u32 s11, $0x2;
	(pc) =	sbr.rel @!p1 .LBB1_10-.Ltmp1, $4  }
0x10: {  	s13 =	simm.s32 @!p0 $0x2  }
0x11: {  	s15 =	sadd.s32 $0x1, s11;
	_ =	swait.ge @!p0 [sflag:s13], $0x4000  }
0x12: {  	s12 =	smov.u32 s10;
	s9 =	sadd.s32 $0x4000, s9;
	[sflag:s13] =	ssyncset.done @!p0 $0x0  }
0x13: {  	s11 =	smov.u32 s15;
	s10 =	smov.u32 s14;
	[sflag:s13] =	ssyncadd.s32 @!p0 $0xFFFFC000  }
.LBB1_1:
0x14: {  	p0 =	sge.u32 s11, s6  }
0x15: {  	s13 =	sxor.u32 @!p0 $0xFFFFFFFF, s11  }
0x16: {  	s31 =	sadd.s32 $0xFFFFFFFF, s11;
	s14 =	sshll.u32 @!p0 s10, $0x8;
	s13 =	sshll.u32 @!p0 s13, $0xE  }
0x17: {  	s15 =	simm.s32 @!p0 $0x0;
	s14 =	sadd.s32 @!p0 s3, s14;
	s13 =	sand.u32 @!p0 $0x4000, s13  }
0x18: {  	[tilespmem:s13], [sflag:$0x1] =	stream.linear.gather @!p0 [hbm4b:s14+s15], $0x4000, $0x38;
	[tilespmem:$0x10000] =	vst v63  }
0x19: {  	p0 =	sge.u32 s31, s6  }
.Ltmp2:
0x1a: {  	_ = 	snop;
	(pc) =	sbr.rel @p0 .LBB1_9-.Ltmp2, $1  }
0x1b: {  	_ =	sdelay $0x3  }
0x1c: {  	s13 =	sshll.u32 s9, $0x2;
	_ =	swait.ge [sflag:s5], $0x4000;
	s14 =	sshll.u32 s11, $0xE  }
0x1d: {  	s16 =	simm.s32 $0x0;
	s17 =	simm.s32 $0x0;
	s15 =	sand.u32 $0x10000, s13  }
0x1e: {  	[sflag:s5] =	ssyncset.done $0x0;
	s31 =	sand.u32 $0x4000, s14;
	s14 =	sshrl.u32 s15, $0x2  }
0x1f: {  	[sflag:s5] =	ssyncadd.s32 $0xFFFFC000;
	s13 =	sor.u32 $0x8000, s31;
	s15 =	sor.u32 $0x8000, s14  }
.LBB1_3:
0x20: {  	s18 =	sshra.s32 s16, $0x2  }
0x21: {  	v0 =	vmov s18;
	_ =	sdelay $0x3  }
0x22: {  	p1 =	por $0x1, $0x1;
	s18 =	simm.s32 $0x0  }
.LBB1_4:
0x23: {  	_ = 	snop  }
0x24: {  	s19 =	sshll.u32 s18, $0xA  }
0x25: {  	s19 =	sand.u32 $0x3FFFFC00, s19  }
0x26: {  	s19 =	sadd.s32 s19, s14  }
0x27: {  	v5 =	vld.idx.msk [tilespmem:v0+s19+$0x70 ss:$0x1], $0xffff  }
0x28: {  	v6 =	vld.idx.msk [tilespmem:v0+s19+$0x10 ss:$0x1], $0xffff  }
0x29: {  	v7 =	vld.idx.msk [tilespmem:v0+s19+$0x20 ss:$0x1], $0xffff  }
0x2a: {  	s31 =	sshll.u32 s18, $0x7;
	v1 =	vld.idx.msk [tilespmem:v0+s19+$0x30 ss:$0x1], $0xffff  }
0x2b: {  	s18 =	sand.u32 $0x3FFFFF80, s31;
	v2 =	vld.idx.msk [tilespmem:v0+s19+$0x40 ss:$0x1], $0xffff  }
0x2c: {  	s18 =	sadd.s32 s18, s15;
	v3 =	vld.idx.msk [tilespmem:v0+s19+$0x50 ss:$0x1], $0xffff  }
0x2d: {  	v4 =	vld.idx.msk [tilespmem:v0+s19+$0x60 ss:$0x1], $0xffff;
	[tilespmem:v0+s18+$0x70 ss:$0x1] =	vst.idx.msk $0xffff, v5  }
0x2e: {  	v5 =	vld.idx.msk [tilespmem:v0+s19+$0x0 ss:$0x1], $0xffff;
	[tilespmem:v0+s18+$0x10 ss:$0x1] =	vst.idx.msk $0xffff, v6;
	s19 =	sadd.s32 $0x80, s19  }
0x2f: {  	p0 =	por p1, p1;
	s20 =	simm.s32 $0x6;
	[tilespmem:v0+s18+$0x20 ss:$0x1] =	vst.idx.msk $0xffff, v7;
	v6 =	vld.idx.msk [tilespmem:v0+s19+$0x70 ss:$0x1], $0xffff  }
.LBB1_5:
0x30: {  	p1 =	sne.s32 s20, $0x1;
	v7 =	vld.idx.msk [tilespmem:v0+s19+$0x10 ss:$0x1], $0xffff;
	[tilespmem:v0+s18+$0x30 ss:$0x1] =	vst.idx.msk $0xffff, v1  }
0x31: {  	v8 =	vld.idx.msk [tilespmem:v0+s19+$0x20 ss:$0x1], $0xffff;
	[tilespmem:v0+s18+$0x40 ss:$0x1] =	vst.idx.msk $0xffff, v2  }
0x32: {  	v1 =	vld.idx.msk [tilespmem:v0+s19+$0x30 ss:$0x1], $0xffff;
	[tilespmem:v0+s18+$0x50 ss:$0x1] =	vst.idx.msk $0xffff, v3  }
.Ltmp3:
0x33: {  	v2 =	vld.idx.msk [tilespmem:v0+s19+$0x40 ss:$0x1], $0xffff;
	[tilespmem:v0+s18+$0x60 ss:$0x1] =	vst.idx.msk $0xffff, v4;
	(pc) =	sbr.rel @p1 .LBB1_5-.Ltmp3, $4  }
0x34: {  	v3 =	vld.idx.msk [tilespmem:v0+s19+$0x50 ss:$0x1], $0xffff;
	[tilespmem:v0+s18+$0x0 ss:$0x1] =	vst.idx.msk $0xffff, v5;
	s18 =	sadd.s32 $0x100, s18  }
0x35: {  	v4 =	vld.idx.msk [tilespmem:v0+s19+$0x60 ss:$0x1], $0xffff;
	[tilespmem:v0+s18+$0x70 ss:$0x1] =	vst.idx.msk $0xffff, v6  }
0x36: {  	v5 =	vld.idx.msk [tilespmem:v0+s19+$0x0 ss:$0x1], $0xffff;
	[tilespmem:v0+s18+$0x10 ss:$0x1] =	vst.idx.msk $0xffff, v7;
	s19 =	sadd.s32 $0x80, s19  }
0x37: {  	s20 =	sadd.s32 $0xFFFFFFFF, s20;
	v6 =	vld.idx.msk [tilespmem:v0+s19+$0x70 ss:$0x1], $0xffff;
	[tilespmem:v0+s18+$0x20 ss:$0x1] =	vst.idx.msk $0xffff, v8  }
0x38: {  	_ =	sdelay $0x3  }
0x39: {  	[tilespmem:v0+s18+$0x30 ss:$0x1] =	vst.idx.msk $0xffff, v1  }
0x3a: {  	v1 =	vld.idx.msk [tilespmem:v0+s19+$0x10 ss:$0x1], $0xffff;
	[tilespmem:v0+s18+$0x40 ss:$0x1] =	vst.idx.msk $0xffff, v2  }
0x3b: {  	v2 =	vld.idx.msk [tilespmem:v0+s19+$0x20 ss:$0x1], $0xffff;
	[tilespmem:v0+s18+$0x50 ss:$0x1] =	vst.idx.msk $0xffff, v3  }
0x3c: {  	v61 =	vld.idx.msk [tilespmem:v0+s19+$0x40 ss:$0x1], $0xffff;
	[tilespmem:v0+s18+$0x60 ss:$0x1] =	vst.idx.msk $0xffff, v4  }
0x3d: {  	s31 =	sadd.s32 $0x100, s18;
	v62 =	vld.idx.msk [tilespmem:v0+s19+$0x50 ss:$0x1], $0xffff;
	[tilespmem:v0+s18+$0x0 ss:$0x1] =	vst.idx.msk $0xffff, v5  }
0x3e: {  	v63 =	vld.idx.msk [tilespmem:v0+s19+$0x60 ss:$0x1], $0xffff;
	[tilespmem:v0+s31+$0x70 ss:$0x1] =	vst.idx.msk $0xffff, v6  }
0x3f: {  	v3 =	vld.idx.msk [tilespmem:v0+s19+$0x30 ss:$0x1], $0xffff;
	[tilespmem:v0+s31+$0x10 ss:$0x1] =	vst.idx.msk $0xffff, v1  }
0x40: {  	v1 =	vld.idx.msk [tilespmem:v0+s19+$0x0 ss:$0x1], $0xffff;
	[tilespmem:v0+s31+$0x20 ss:$0x1] =	vst.idx.msk $0xffff, v2  }
.Ltmp4:
0x41: {  	[tilespmem:v0+s31+$0x40 ss:$0x1] =	vst.idx.msk $0xffff, v61;
	(pc) =	sbr.rel @p0 .LBB1_4-.Ltmp4, $4  }
0x42: {  	[tilespmem:v0+s31+$0x50 ss:$0x1] =	vst.idx.msk $0xffff, v62  }
0x43: {  	[tilespmem:v0+s31+$0x60 ss:$0x1] =	vst.idx.msk $0xffff, v63  }
0x44: {  	[tilespmem:v0+s31+$0x30 ss:$0x1] =	vst.idx.msk $0xffff, v3  }
0x45: {  	p1 =	por $0x0, $0x0;
	s18 =	simm.s32 $0x1;
	[tilespmem:v0+s31+$0x0 ss:$0x1] =	vst.idx.msk $0xffff, v1  }
0x46: {  	s17 =	sadd.s32 $0x1, s17  }
0x47: {  	p0 =	sne.s32 s17, $0x8  }
.Ltmp5:
0x48: {  	_ = 	snop;
	(pc) =	sbr.rel @p0 .LBB1_3-.Ltmp5, $2  }
0x49: {  	_ =	sdelay $0x2  }
0x4a: {  	s16 =	sadd.s32 $0x2000, s16  }
.Ltmp6:
0x4b: {  	(pc) =	sbr.rel .LBB1_9-.Ltmp6, $4  }
0x4c: {  	_ = 	snop  }
0x4d: {  	s12 =	sshll.u32 s12, $0x8  }
0x4e: {  	s12 =	sadd.s32 s4, s12  }
0x4f: {  	[hbm4b:s12+s8] =	stream.linear.scatter [tilespmem:s13], [sflag:$0x2], $0x4000, $0x38;
	[tilespmem:$0x10000] =	vst v63  }
.LBB1_10:
0x50: {  	_ =	sfence.sel $0x180000  }
0x51: {  	s2 =	simm.s32 $0x1;
	[bflag:$0x0] =	sbarrier.arrive $0xFFFF  }
0x52: {  	s31 =	simm.s32 $0x2;
	[sflag:s2] =	ssyncpa.u1 $0x1  }
0x53: {  	[sflag:s31] =	ssyncpa.u1 $0x1  }
0x54: {  	p0 =	sne.s32 s0, $0x0;
	_ =	strace $0x90000047  }
0x55: {  	s0 =	sadd.s32 @!p0 $0x100000, s1;
	[bflag:$0x2] =	sbarrier.arrive $0xFFFF  }
0x56: {  	[sflag:s0] =	ssyncadd.tile.s32 @!p0 $0x1;
	_ =	shalt  }
.Lfunc_end1:
_tile_overlayer_lowered:
.L_overlay_start_2:
0x57: {  	(tag) =	ssettag $0x2  }
0x58: {  	s0 =	rddreg [dreg:$0x0];
	s2 =	stileid.u32  }
0x59: {  	s1 =	rddreg [dreg:$0x1];
	p0 =	sne.s32 s2, $0x0  }
0x5a: {  	s3 =	rddreg [dreg:$0x2];
	[bflag:$0x3] =	sbarrier.arrive $0xFFFF;
	s2 =	simm.s32 @!p0 $0x1C01  }
0x5b: {  	[timem:s3], [sflag:s2] =	dma.local @!p0 [hbm:s0], s1  }
0x5c: {  	s0 =	simm.s32 @!p0 $0x1  }
0x5d: {  	_ =	swait.ge @!p0 [sflag:s0], s1  }
0x5e: {  	s1 =	ssub.s32 @!p0 $0x0, s1;
	[sflag:s0] =	ssyncset.done @!p0 $0x0  }
0x5f: {  	[sflag:s0] =	ssyncadd.s32 @!p0 s1  }
0x60: {  	[bflag:$0x3] =	sbarrier.arrive $0xFFFF  }
0x61: {  	_ =	shalt  }

</sc_bundles>
